<compile_context>
chip_gen: v7x
topology: tpu7x:2x2x1
jax: 0.10.2.dev20260603
libtpu: 0.0.44.dev20260713+nightly
codegen_flags: <defaults>
</compile_context>

<pallas_src>
import jax
import jax.numpy as jnp
from jax import lax
from jax.experimental import pallas as pl
from jax.experimental.pallas import tpu as pltpu
from jax.experimental.pallas import tpu_sc as plsc

M = 8192
T = 8
K = 2048
NC = 2
NS = 16
NW = NC * NS
TOK_PER_W = M // NW
TOK_CHUNK = 2
ROWS_PER_CHUNK = TOK_CHUNK * T
CHUNKS = TOK_PER_W // TOK_CHUNK
NBUF = 3
OUT_BLK = 2
HI = -65536


def _worker_id():
    return lax.axis_index("s") * NC + lax.axis_index("c")


def _body(expert_hbm, w_hbm, idx_hbm, out_hbm, idx_v, idxh_v, w_v,
          buf0, buf1, buf2, out_buf, sem0, sem1, sem2, semo):
    wid = _worker_id()
    tok_base = wid * TOK_PER_W
    w_pairs = expert_hbm.bitcast(jnp.int32)
    out_pairs = out_hbm.bitcast(jnp.int32)
    qbase = wid * (TOK_PER_W // 2)
    bufs = (buf0, buf1, buf2)
    sems = (sem0, sem1, sem2)

    pltpu.sync_copy(idx_hbm.at[pl.ds(tok_base * T, TOK_PER_W * T)], idx_v)
    pltpu.sync_copy(w_hbm.at[pl.ds(tok_base * T, TOK_PER_W * T)], w_v)

    def half_body(i, _):
        v = idx_v[pl.ds(i * 16, 16)]
        idxh_v[pl.ds(i * 16, 16)] = lax.shift_right_logical(v, 1)
        return 0

    lax.fori_loop(0, TOK_PER_W * T // 16, half_body, 0)

    def gather(g, b):
        idx = idxh_v.at[pl.ds(g * ROWS_PER_CHUNK, ROWS_PER_CHUNK)]
        return pltpu.make_async_copy(w_pairs.at[idx], bufs[b], sems[b])

    def out_blk_copy(blk, half):
        return pltpu.make_async_copy(
            out_buf.at[half],
            out_pairs.at[pl.ds(qbase + blk * OUT_BLK, OUT_BLK)], semo)

    def compute(g, buf, half):
        iv = idx_v[pl.ds(g * ROWS_PER_CHUNK, ROWS_PER_CHUNK)]
        wv = w_v[pl.ds(g * ROWS_PER_CHUNK, ROWS_PER_CHUNK)]
        wvec = []
        for j in range(ROWS_PER_CHUNK):
            pf = lax.convert_element_type(iv[j] & 1, jnp.float32)
            w_hi = wv[j] * pf
            w_lo = wv[j] - w_hi
            wvec.append(plsc.pack(lax.broadcast(w_lo, (16,)),
                                  lax.broadcast(w_hi, (16,)),
                                  format=plsc.PackFormat.INTERLEAVED))
        rb = g % OUT_BLK

        def ld(t, cc):
            return plsc.bitcast(buf[t, pl.ds(cc * 16, 16)], jnp.bfloat16)

        def col_half(cc):
            acc0 = ld(0, cc) * wvec[0]
            acc1 = ld(T, cc) * wvec[T]
            for t in range(1, T):
                acc0 = acc0 + ld(t, cc) * wvec[t]
                acc1 = acc1 + ld(T + t, cc) * wvec[T + t]
            a0, b0 = plsc.unpack(acc0, format=plsc.PackFormat.INTERLEAVED)
            a1, b1 = plsc.unpack(acc1, format=plsc.PackFormat.INTERLEAVED)
            s0 = a0 + b0
            s1 = a1 + b1
            word = plsc.bitcast(
                plsc.pack(s0, s1, format=plsc.PackFormat.INTERLEAVED),
                jnp.int32)
            out_buf[half, rb, pl.ds(cc * 16, 16)] = word

        @plsc.parallel_loop(0, K // 16, unroll=2)
        def _(cc):
            col_half(cc)

    gather(0, 0).start()
    gather(1, 1).start()

    def chunk_body(g, _):
        for b in range(NBUF):
            @pl.when(g % NBUF == b)
            def _(b=b):
                gather(g, b).wait()

                @pl.when(g + 2 < CHUNKS)
                def _():
                    gather(g + 2, (b + 2) % NBUF).start()

                blk = g // OUT_BLK
                half = blk % 2

                @pl.when((g % OUT_BLK == 0) & (blk >= 2))
                def _():
                    out_blk_copy(blk - 2, half).wait()

                compute(g, bufs[b], half)

                @pl.when(g % OUT_BLK == OUT_BLK - 1)
                def _():
                    out_blk_copy(blk, half).start()

        return 0

    lax.fori_loop(0, CHUNKS, chunk_body, 0)
    n_blk = CHUNKS // OUT_BLK
    out_blk_copy(n_blk - 2, (n_blk - 2) % 2).wait()
    out_blk_copy(n_blk - 1, (n_blk - 1) % 2).wait()


@jax.jit
def kernel(expert_output, topk_vals, inv_perm):
    w_f32 = topk_vals.astype(jnp.float32).reshape(M * T)

    mesh = plsc.VectorSubcoreMesh(core_axis_name="c", subcore_axis_name="s",
                                  num_cores=NC, num_subcores=NS)
    run = pl.kernel(
        _body,
        out_type=jax.ShapeDtypeStruct((M, K), jnp.bfloat16),
        mesh=mesh,
        compiler_params=pltpu.CompilerParams(needs_layout_passes=False),
        scratch_types=[
            pltpu.VMEM((TOK_PER_W * T,), jnp.int32),
            pltpu.VMEM((TOK_PER_W * T,), jnp.int32),
            pltpu.VMEM((TOK_PER_W * T,), jnp.float32),
            pltpu.VMEM((ROWS_PER_CHUNK, K), jnp.int32),
            pltpu.VMEM((ROWS_PER_CHUNK, K), jnp.int32),
            pltpu.VMEM((ROWS_PER_CHUNK, K), jnp.int32),
            pltpu.VMEM((2, OUT_BLK, K), jnp.int32),
            pltpu.SemaphoreType.DMA,
            pltpu.SemaphoreType.DMA,
            pltpu.SemaphoreType.DMA,
            pltpu.SemaphoreType.DMA,
        ],
    )
    return run(expert_output, w_f32, inv_perm)

# --- scband reference (transcript-rebuilt; emitter-appended) ---
"""Pipeline reference for scband-model-new-25056839204959 (READ-ONLY COPY).

The authoritative reference and input builder live on the scoring server;
editing this copy changes nothing except your own understanding.
"""

import jax, jax.numpy as jnp
import numpy as np

M = 8192
T = 8
K = 2048

def setup_inputs(seed: int = 0) -> dict:
    key = jax.random.key(seed)
    k1, k2, k3 = jax.random.split(key, 3)
    expert_output = (jax.random.normal(k1, (M * T, K), dtype=jnp.float32)).astype(jnp.bfloat16)
    topk_vals = (jax.random.uniform(k2, (M, T), dtype=jnp.float32)).astype(jnp.bfloat16)
    # inverse permutation mapping (m, t) -> row in permuted expert_output
    inv_perm = jax.random.permutation(k3, M * T).astype(jnp.int32)
    return {"expert_output": expert_output, "topk_vals": topk_vals, "inv_perm": inv_perm}

def reference(expert_output, topk_vals, inv_perm):
    # out[m, k] = sum_t expert_output[inv_perm[m*T + t], k] * topk_vals[m, t]
    m, t = topk_vals.shape
    idx = inv_perm.reshape(m, t)
    gathered = jnp.take(expert_output, idx, axis=0)  # [M, T, K]
    acc = jnp.sum(gathered.astype(jnp.float32) * topk_vals.astype(jnp.float32)[:, :, None], axis=1)
    return acc.astype(jnp.bfloat16)

if __name__ == "__main__":
    import jax
    _d = setup_inputs()
    print(jax.jit(kernel)(*tuple(_d.values())))

</pallas_src>

<mosaic_0001>
#map = affine_map<(d0, d1) -> (0, 0)>
#map1 = affine_map<(d0, d1) -> (0)>
module attributes {stable_mosaic.version = 14 : i64} {
  func.func @_body(%arg0: i32, %arg1: i32, %arg2: memref<65536x2048xbf16, #tpu.memory_space<hbm>>, %arg3: memref<65536xf32, #tpu.memory_space<hbm>>, %arg4: memref<65536xi32, #tpu.memory_space<hbm>>, %arg5: memref<8192x2048xbf16, #tpu.memory_space<hbm>>, %arg6: memref<2048xi32, #tpu.memory_space<vmem>>, %arg7: memref<2048xi32, #tpu.memory_space<vmem>>, %arg8: memref<2048xf32, #tpu.memory_space<vmem>>, %arg9: memref<16x2048xi32, #tpu.memory_space<vmem>>, %arg10: memref<16x2048xi32, #tpu.memory_space<vmem>>, %arg11: memref<16x2048xi32, #tpu.memory_space<vmem>>, %arg12: memref<2x2x2048xi32, #tpu.memory_space<vmem>>, %arg13: memref<!tpu.dma_semaphore, #tpu.memory_space<semaphore_mem>>, %arg14: memref<!tpu.dma_semaphore, #tpu.memory_space<semaphore_mem>>, %arg15: memref<!tpu.dma_semaphore, #tpu.memory_space<semaphore_mem>>, %arg16: memref<!tpu.dma_semaphore, #tpu.memory_space<semaphore_mem>>) attributes {dimension_semantics = [#tpu.dimension_semantics<core_parallel>, #tpu.dimension_semantics<subcore_parallel>], iteration_bounds = array<i64: 2, 16>, scalar_prefetch = 0 : i64, scratch_operands = 11 : i64, tpu.core_type = #tpu.core_type<sc_vector_subcore>, window_params = [{transform_indices = #map}, {transform_indices = #map1}, {transform_indices = #map1}, {transform_indices = #map}]} {
    %mul3A = arith.constant 2 : i32
    %mul3A_0 = arith.muli %arg1, %mul3A : i32
    %add3A = arith.addi %mul3A_0, %arg0 : i32
    %mul3A_1 = arith.constant 256 : i32
    %mul3A_2 = arith.muli %add3A, %mul3A_1 : i32
    %mul3A_3 = arith.constant 128 : i32
    %mul3A_4 = arith.muli %add3A, %mul3A_3 : i32
    %mul3A_5 = arith.constant 8 : i32
    %mul3A_6 = arith.muli %mul3A_2, %mul3A_5 : i32
    "tpu.region"() ({
      %run_scoped3A = tpu.sem_alloc : memref<!tpu.dma_semaphore, #tpu.memory_space<semaphore_mem>>
      %dma_start3A_66 = tpu.memref_slice %arg4[%mul3A_6] : memref<65536xi32, #tpu.memory_space<hbm>> -> memref<2048xi32, #tpu.memory_space<hbm>>
      %dma_start3A_67 = tpu.memref_slice %arg4[%mul3A_6] : memref<65536xi32, #tpu.memory_space<hbm>> -> memref<2048xi32, #tpu.memory_space<hbm>>
      tpu.enqueue_dma source(%dma_start3A_67 : memref<2048xi32, #tpu.memory_space<hbm>>) target(%arg6 : memref<2048xi32, #tpu.memory_space<vmem>>) target_semaphore(%run_scoped3A : memref<!tpu.dma_semaphore, #tpu.memory_space<semaphore_mem>>)
      %dma_wait3A_68 = tpu.memref_slice %arg4[%mul3A_6] : memref<65536xi32, #tpu.memory_space<hbm>> -> memref<2048xi32, #tpu.memory_space<hbm>>
      %dma_wait3A_69 = tpu.memref_slice %arg4[%mul3A_6] : memref<65536xi32, #tpu.memory_space<hbm>> -> memref<2048xi32, #tpu.memory_space<hbm>>
      tpu.wait_dma2 semaphore(%run_scoped3A : memref<!tpu.dma_semaphore, #tpu.memory_space<semaphore_mem>>) src(%dma_wait3A_69 : memref<2048xi32, #tpu.memory_space<hbm>>) dst(%arg6 : memref<2048xi32, #tpu.memory_space<vmem>>)
      tpu.yield
    }) : () -> ()
    %mul3A_7 = arith.constant 8 : i32
    %mul3A_8 = arith.muli %mul3A_2, %mul3A_7 : i32
    "tpu.region"() ({
      %run_scoped3A = tpu.sem_alloc : memref<!tpu.dma_semaphore, #tpu.memory_space<semaphore_mem>>
      %dma_start3A_66 = tpu.memref_slice %arg3[%mul3A_8] : memref<65536xf32, #tpu.memory_space<hbm>> -> memref<2048xf32, #tpu.memory_space<hbm>>
      %dma_start3A_67 = tpu.memref_slice %arg3[%mul3A_8] : memref<65536xf32, #tpu.memory_space<hbm>> -> memref<2048xf32, #tpu.memory_space<hbm>>
      tpu.enqueue_dma source(%dma_start3A_67 : memref<2048xf32, #tpu.memory_space<hbm>>) target(%arg8 : memref<2048xf32, #tpu.memory_space<vmem>>) target_semaphore(%run_scoped3A : memref<!tpu.dma_semaphore, #tpu.memory_space<semaphore_mem>>)
      %dma_wait3A_68 = tpu.memref_slice %arg3[%mul3A_8] : memref<65536xf32, #tpu.memory_space<hbm>> -> memref<2048xf32, #tpu.memory_space<hbm>>
      %dma_wait3A_69 = tpu.memref_slice %arg3[%mul3A_8] : memref<65536xf32, #tpu.memory_space<hbm>> -> memref<2048xf32, #tpu.memory_space<hbm>>
      tpu.wait_dma2 semaphore(%run_scoped3A : memref<!tpu.dma_semaphore, #tpu.memory_space<semaphore_mem>>) src(%dma_wait3A_69 : memref<2048xf32, #tpu.memory_space<hbm>>) dst(%arg8 : memref<2048xf32, #tpu.memory_space<vmem>>)
      tpu.yield
    }) : () -> ()
    %scan3A = arith.constant 0 : i32
    %scan3A_9 = arith.constant 0 : i32
    %scan3A_10 = arith.constant 128 : i32
    %scan3A_11 = arith.addi %scan3A_9, %scan3A_10 : i32
    %scan3A_12 = arith.constant 1 : i32
    %scan3A_13 = scf.for %scan3A_66 = %scan3A_9 to %scan3A_11 step %scan3A_12 iter_args(%scan3A_67 = %scan3A) -> (i32)  : i32 {
      %mul3A_68 = arith.constant 16 : i32
      %mul3A_69 = arith.muli %scan3A_66, %mul3A_68 : i32
      %get3A = arith.index_cast %mul3A_69 : i32 to index
      %get3A_70 = tpu.vector_load %arg6[%get3A] {strides = array<i32>} : memref<2048xi32, #tpu.memory_space<vmem>>, vector<16xi32>,
      %shift_right_logical3A = arith.constant 1 : i32
      %shift_right_logical3A_71 = vector.broadcast %shift_right_logical3A : i32 to vector<16xi32>
      %shift_right_logical3A_72 = arith.shrui %get3A_70, %shift_right_logical3A_71 : vector<16xi32>
      %mul3A_73 = arith.constant 16 : i32
      %mul3A_74 = arith.muli %scan3A_66, %mul3A_73 : i32
      %swap3A = arith.index_cast %mul3A_74 : i32 to index
      %swap3A_75 = tpu.vector_load %arg7[%swap3A] {strides = array<i32>} : memref<2048xi32, #tpu.memory_space<vmem>>, vector<16xi32>,
      tpu.vector_store %arg7[%swap3A], %shift_right_logical3A_72 {strides = array<i32>} : memref<2048xi32, #tpu.memory_space<vmem>>, vector<16xi32>,
      %scan3A_76 = arith.constant 0 : i32
      scf.yield %scan3A_76 : i32
    }
    %scan3A_14 = arith.constant 128 : i32
    %dma_start3A = arith.constant 0 : i32
    %dma_start3A_15 = tpu.memref_slice %arg7[%dma_start3A] : memref<2048xi32, #tpu.memory_space<vmem>> -> memref<16xi32, #tpu.memory_space<vmem>>
    %dma_start3A_16 = tpu.memref_bitcast %arg2 : memref<65536x2048xbf16, #tpu.memory_space<hbm>> -> memref<32768x2048xi32, #tpu.memory_space<hbm>>
    %dma_start3A_17 = arith.constant 0 : i32
    %dma_start3A_18 = arith.constant 0 : i32
    %dma_start3A_19 = tpu.memref_slice %dma_start3A_16[%dma_start3A_17, %dma_start3A_18] : memref<32768x2048xi32, #tpu.memory_space<hbm>> -> memref<32768x2048xi32, #tpu.memory_space<hbm>>
    tpu.enqueue_indirect_dma source(%dma_start3A_19 : memref<32768x2048xi32, #tpu.memory_space<hbm>>) target(%arg9 : memref<16x2048xi32, #tpu.memory_space<vmem>>) offsets(%dma_start3A_15 : memref<16xi32, #tpu.memory_space<vmem>>) semaphore(%arg13 : memref<!tpu.dma_semaphore, #tpu.memory_space<semaphore_mem>>)
    %dma_start3A_20 = arith.constant 16 : i32
    %dma_start3A_21 = tpu.memref_slice %arg7[%dma_start3A_20] : memref<2048xi32, #tpu.memory_space<vmem>> -> memref<16xi32, #tpu.memory_space<vmem>>
    %dma_start3A_22 = tpu.memref_bitcast %arg2 : memref<65536x2048xbf16, #tpu.memory_space<hbm>> -> memref<32768x2048xi32, #tpu.memory_space<hbm>>
    %dma_start3A_23 = arith.constant 0 : i32
    %dma_start3A_24 = arith.constant 0 : i32
    %dma_start3A_25 = tpu.memref_slice %dma_start3A_22[%dma_start3A_23, %dma_start3A_24] : memref<32768x2048xi32, #tpu.memory_space<hbm>> -> memref<32768x2048xi32, #tpu.memory_space<hbm>>
    tpu.enqueue_indirect_dma source(%dma_start3A_25 : memref<32768x2048xi32, #tpu.memory_space<hbm>>) target(%arg10 : memref<16x2048xi32, #tpu.memory_space<vmem>>) offsets(%dma_start3A_21 : memref<16xi32, #tpu.memory_space<vmem>>) semaphore(%arg14 : memref<!tpu.dma_semaphore, #tpu.memory_space<semaphore_mem>>)
    %scan3A_26 = arith.constant 0 : i32
    %scan3A_27 = arith.constant 0 : i32
    %scan3A_28 = arith.constant 128 : i32
    %scan3A_29 = arith.addi %scan3A_27, %scan3A_28 : i32
    %scan3A_30 = arith.constant 1 : i32
    %scan3A_31 = scf.for %scan3A_66 = %scan3A_27 to %scan3A_29 step %scan3A_30 iter_args(%scan3A_67 = %scan3A_26) -> (i32)  : i32 {
      %jit3A = arith.constant 3 : i32
      %eq3A = arith.constant 0 : i32
      %eq3A_68 = arith.cmpi eq, %jit3A, %eq3A : i32
      %jit3A_69 = arith.constant 1 : i32
      %select_n3A = arith.select %eq3A_68, %jit3A_69, %jit3A : i32
      %rem3A = arith.remsi %scan3A_66, %select_n3A : i32
      %ne3A = arith.constant 0 : i32
      %ne3A_70 = arith.cmpi ne, %rem3A, %ne3A : i32
      %lt3A = arith.constant 0 : i32
      %lt3A_71 = arith.cmpi slt, %rem3A, %lt3A : i32
      %lt3A_72 = arith.constant 0 : i32
      %lt3A_73 = arith.cmpi slt, %select_n3A, %lt3A_72 : i32
      %ne3A_74 = arith.xori %lt3A_71, %lt3A_73 : i1
      %and3A = arith.andi %ne3A_74, %ne3A_70 : i1
      %add3A_75 = arith.addi %rem3A, %select_n3A : i32
      %select_n3A_76 = arith.select %and3A, %add3A_75, %rem3A : i32
      %eq3A_77 = arith.constant 0 : i32
      %eq3A_78 = arith.cmpi eq, %select_n3A_76, %eq3A_77 : i32
      %convert_element_type3A = arith.extui %eq3A_78 : i1 to i32
      %cond3A = arith.constant 0 : i32
      %cond3A_79 = arith.cmpi ne, %convert_element_type3A, %cond3A : i32
      scf.if %cond3A_79 {
        %mul3A_123 = arith.constant 16 : i32
        %mul3A_124 = arith.muli %scan3A_66, %mul3A_123 : i32
        %dma_wait3A_125 = tpu.memref_slice %arg7[%mul3A_124] : memref<2048xi32, #tpu.memory_space<vmem>> -> memref<16xi32, #tpu.memory_space<vmem>>
        %dma_wait3A_126 = tpu.memref_bitcast %arg2 : memref<65536x2048xbf16, #tpu.memory_space<hbm>> -> memref<32768x2048xi32, #tpu.memory_space<hbm>>
        %dma_wait3A_127 = arith.constant 0 : i32
        %dma_wait3A_128 = arith.constant 0 : i32
        %dma_wait3A_129 = tpu.memref_slice %dma_wait3A_126[%dma_wait3A_127, %dma_wait3A_128] : memref<32768x2048xi32, #tpu.memory_space<hbm>> -> memref<32768x2048xi32, #tpu.memory_space<hbm>>
        tpu.wait_indirect_dma semaphore(%arg13 : memref<!tpu.dma_semaphore, #tpu.memory_space<semaphore_mem>>) src(%dma_wait3A_129 : memref<32768x2048xi32, #tpu.memory_space<hbm>>) dst(%arg9 : memref<16x2048xi32, #tpu.memory_space<vmem>>)
        %add3A_130 = arith.constant 2 : i32
        %add3A_131 = arith.addi %scan3A_66, %add3A_130 : i32
        %lt3A_132 = arith.constant 128 : i32
        %lt3A_133 = arith.cmpi slt, %add3A_131, %lt3A_132 : i32
        %convert_element_type3A_134 = arith.extui %lt3A_133 : i1 to i32
        %cond3A_135 = arith.constant 0 : i32
        %cond3A_136 = arith.cmpi ne, %convert_element_type3A_134, %cond3A_135 : i32
        scf.if %cond3A_136 {
          %add3A_463 = arith.constant 2 : i32
          %add3A_464 = arith.addi %scan3A_66, %add3A_463 : i32
          %mul3A_465 = arith.constant 16 : i32
          %mul3A_466 = arith.muli %add3A_464, %mul3A_465 : i32
          %dma_start3A_467 = tpu.memref_slice %arg7[%mul3A_466] : memref<2048xi32, #tpu.memory_space<vmem>> -> memref<16xi32, #tpu.memory_space<vmem>>
          %dma_start3A_468 = tpu.memref_bitcast %arg2 : memref<65536x2048xbf16, #tpu.memory_space<hbm>> -> memref<32768x2048xi32, #tpu.memory_space<hbm>>
          %dma_start3A_469 = arith.constant 0 : i32
          %dma_start3A_470 = arith.constant 0 : i32
          %dma_start3A_471 = tpu.memref_slice %dma_start3A_468[%dma_start3A_469, %dma_start3A_470] : memref<32768x2048xi32, #tpu.memory_space<hbm>> -> memref<32768x2048xi32, #tpu.memory_space<hbm>>
          tpu.enqueue_indirect_dma source(%dma_start3A_471 : memref<32768x2048xi32, #tpu.memory_space<hbm>>) target(%arg11 : memref<16x2048xi32, #tpu.memory_space<vmem>>) offsets(%dma_start3A_467 : memref<16xi32, #tpu.memory_space<vmem>>) semaphore(%arg15 : memref<!tpu.dma_semaphore, #tpu.memory_space<semaphore_mem>>)
        } else {
        }
        %jit3A_137 = arith.constant 2 : i32
        %div3A = arith.divsi %scan3A_66, %jit3A_137 : i32
        %sign3A = arith.constant 0 : i32
        %sign3A_138 = arith.cmpi sgt, %scan3A_66, %sign3A : i32
        %sign3A_139 = arith.extui %sign3A_138 : i1 to i32
        %sign3A_140 = arith.constant 0 : i32
        %sign3A_141 = arith.cmpi slt, %scan3A_66, %sign3A_140 : i32
        %sign3A_142 = arith.extui %sign3A_141 : i1 to i32
        %sign3A_143 = arith.subi %sign3A_139, %sign3A_142 : i32
        %sign3A_144 = arith.constant 0 : i32
        %sign3A_145 = arith.cmpi sgt, %jit3A_137, %sign3A_144 : i32
        %sign3A_146 = arith.extui %sign3A_145 : i1 to i32
        %sign3A_147 = arith.constant 0 : i32
        %sign3A_148 = arith.cmpi slt, %jit3A_137, %sign3A_147 : i32
        %sign3A_149 = arith.extui %sign3A_148 : i1 to i32
        %sign3A_150 = arith.subi %sign3A_146, %sign3A_149 : i32
        %ne3A_151 = arith.cmpi ne, %sign3A_143, %sign3A_150 : i32
        %rem3A_152 = arith.remsi %scan3A_66, %jit3A_137 : i32
        %ne3A_153 = arith.constant 0 : i32
        %ne3A_154 = arith.cmpi ne, %rem3A_152, %ne3A_153 : i32
        %and3A_155 = arith.andi %ne3A_151, %ne3A_154 : i1
        %sub3A = arith.constant 1 : i32
        %sub3A_156 = arith.subi %div3A, %sub3A : i32
        %select_n3A_157 = arith.select %and3A_155, %sub3A_156, %div3A : i32
        %jit3A_158 = arith.constant 2 : i32
        %eq3A_159 = arith.constant 0 : i32
        %eq3A_160 = arith.cmpi eq, %jit3A_158, %eq3A_159 : i32
        %jit3A_161 = arith.constant 1 : i32
        %select_n3A_162 = arith.select %eq3A_160, %jit3A_161, %jit3A_158 : i32
        %rem3A_163 = arith.remsi %select_n3A_157, %select_n3A_162 : i32
        %ne3A_164 = arith.constant 0 : i32
        %ne3A_165 = arith.cmpi ne, %rem3A_163, %ne3A_164 : i32
        %lt3A_166 = arith.constant 0 : i32
        %lt3A_167 = arith.cmpi slt, %rem3A_163, %lt3A_166 : i32
        %lt3A_168 = arith.constant 0 : i32
        %lt3A_169 = arith.cmpi slt, %select_n3A_162, %lt3A_168 : i32
        %ne3A_170 = arith.xori %lt3A_167, %lt3A_169 : i1
        %and3A_171 = arith.andi %ne3A_170, %ne3A_165 : i1
        %add3A_172 = arith.addi %rem3A_163, %select_n3A_162 : i32
        %select_n3A_173 = arith.select %and3A_171, %add3A_172, %rem3A_163 : i32
        %jit3A_174 = arith.constant 2 : i32
        %eq3A_175 = arith.constant 0 : i32
        %eq3A_176 = arith.cmpi eq, %jit3A_174, %eq3A_175 : i32
        %jit3A_177 = arith.constant 1 : i32
        %select_n3A_178 = arith.select %eq3A_176, %jit3A_177, %jit3A_174 : i32
        %rem3A_179 = arith.remsi %scan3A_66, %select_n3A_178 : i32
        %ne3A_180 = arith.constant 0 : i32
        %ne3A_181 = arith.cmpi ne, %rem3A_179, %ne3A_180 : i32
        %lt3A_182 = arith.constant 0 : i32
        %lt3A_183 = arith.cmpi slt, %rem3A_179, %lt3A_182 : i32
        %lt3A_184 = arith.constant 0 : i32
        %lt3A_185 = arith.cmpi slt, %select_n3A_178, %lt3A_184 : i32
        %ne3A_186 = arith.xori %lt3A_183, %lt3A_185 : i1
        %and3A_187 = arith.andi %ne3A_186, %ne3A_181 : i1
        %add3A_188 = arith.addi %rem3A_179, %select_n3A_178 : i32
        %select_n3A_189 = arith.select %and3A_187, %add3A_188, %rem3A_179 : i32
        %eq3A_190 = arith.constant 0 : i32
        %eq3A_191 = arith.cmpi eq, %select_n3A_189, %eq3A_190 : i32
        %ge3A = arith.constant 2 : i32
        %ge3A_192 = arith.cmpi sge, %select_n3A_157, %ge3A : i32
        %and3A_193 = arith.andi %eq3A_191, %ge3A_192 : i1
        %convert_element_type3A_194 = arith.extui %and3A_193 : i1 to i32
        %cond3A_195 = arith.constant 0 : i32
        %cond3A_196 = arith.cmpi ne, %convert_element_type3A_194, %cond3A_195 : i32
        scf.if %cond3A_196 {
          %sub3A_463 = arith.constant 2 : i32
          %sub3A_464 = arith.subi %select_n3A_157, %sub3A_463 : i32
          %mul3A_465 = arith.constant 2 : i32
          %mul3A_466 = arith.muli %sub3A_464, %mul3A_465 : i32
          %add3A_467 = arith.addi %mul3A_4, %mul3A_466 : i32
          %dma_wait3A_468 = arith.constant 0 : i32
          %dma_wait3A_469 = arith.constant 0 : i32
          %dma_wait3A_470 = tpu.memref_slice %arg12[%select_n3A_173, %dma_wait3A_468, %dma_wait3A_469] : memref<2x2x2048xi32, #tpu.memory_space<vmem>> -> memref<1x2x2048xi32, #tpu.memory_space<vmem>>
          %dma_wait3A_471 = tpu.memref_squeeze %dma_wait3A_470 : memref<1x2x2048xi32, #tpu.memory_space<vmem>> -> memref<2x2048xi32, #tpu.memory_space<vmem>>
          %dma_wait3A_472 = tpu.memref_bitcast %arg5 : memref<8192x2048xbf16, #tpu.memory_space<hbm>> -> memref<4096x2048xi32, #tpu.memory_space<hbm>>
          %dma_wait3A_473 = arith.constant 0 : i32
          %dma_wait3A_474 = tpu.memref_slice %dma_wait3A_472[%add3A_467, %dma_wait3A_473] : memref<4096x2048xi32, #tpu.memory_space<hbm>> -> memref<2x2048xi32, #tpu.memory_space<hbm>>
          %dma_wait3A_475 = tpu.memref_bitcast %arg5 : memref<8192x2048xbf16, #tpu.memory_space<hbm>> -> memref<4096x2048xi32, #tpu.memory_space<hbm>>
          %dma_wait3A_476 = arith.constant 0 : i32
          %dma_wait3A_477 = tpu.memref_slice %dma_wait3A_475[%add3A_467, %dma_wait3A_476] : memref<4096x2048xi32, #tpu.memory_space<hbm>> -> memref<2x2048xi32, #tpu.memory_space<hbm>>
          %dma_wait3A_478 = arith.constant 0 : i32
          %dma_wait3A_479 = arith.constant 0 : i32
          %dma_wait3A_480 = tpu.memref_slice %arg12[%select_n3A_173, %dma_wait3A_478, %dma_wait3A_479] : memref<2x2x2048xi32, #tpu.memory_space<vmem>> -> memref<1x2x2048xi32, #tpu.memory_space<vmem>>
          %dma_wait3A_481 = tpu.memref_squeeze %dma_wait3A_480 : memref<1x2x2048xi32, #tpu.memory_space<vmem>> -> memref<2x2048xi32, #tpu.memory_space<vmem>>
          tpu.wait_dma2 semaphore(%arg16 : memref<!tpu.dma_semaphore, #tpu.memory_space<semaphore_mem>>) src(%dma_wait3A_481 : memref<2x2048xi32, #tpu.memory_space<vmem>>) dst(%dma_wait3A_477 : memref<2x2048xi32, #tpu.memory_space<hbm>>)
        } else {
        }
        %mul3A_197 = arith.constant 16 : i32
        %mul3A_198 = arith.muli %scan3A_66, %mul3A_197 : i32
        %get3A = arith.index_cast %mul3A_198 : i32 to index
        %get3A_199 = tpu.vector_load %arg6[%get3A] {strides = array<i32>} : memref<2048xi32, #tpu.memory_space<vmem>>, vector<16xi32>,
        %mul3A_200 = arith.constant 16 : i32
        %mul3A_201 = arith.muli %scan3A_66, %mul3A_200 : i32
        %get3A_202 = arith.index_cast %mul3A_201 : i32 to index
        %get3A_203 = tpu.vector_load %arg8[%get3A_202] {strides = array<i32>} : memref<2048xf32, #tpu.memory_space<vmem>>, vector<16xf32>,
        %slice3A = vector.extract_strided_slice %get3A_199 {offsets = [0], sizes = [1], strides = [1]} : vector<16xi32> to vector<1xi32>
        %squeeze3A = vector.extract %slice3A[0] : i32 from vector<1xi32>
        %and3A_204 = arith.constant 1 : i32
        %and3A_205 = arith.andi %squeeze3A, %and3A_204 : i32
        %convert_element_type3A_206 = arith.sitofp %and3A_205 : i32 to f32
        %slice3A_207 = vector.extract_strided_slice %get3A_203 {offsets = [0], sizes = [1], strides = [1]} : vector<16xf32> to vector<1xf32>
        %squeeze3A_208 = vector.extract %slice3A_207[0] : f32 from vector<1xf32>
        %mul3A_209 = arith.mulf %squeeze3A_208, %convert_element_type3A_206 : f32
        %slice3A_210 = vector.extract_strided_slice %get3A_203 {offsets = [0], sizes = [1], strides = [1]} : vector<16xf32> to vector<1xf32>
        %squeeze3A_211 = vector.extract %slice3A_210[0] : f32 from vector<1xf32>
        %sub3A_212 = arith.subf %squeeze3A_211, %mul3A_209 : f32
        %broadcast_in_dim3A = vector.broadcast %sub3A_212 : f32 to vector<16xf32>
        %broadcast_in_dim3A_213 = vector.broadcast %mul3A_209 : f32 to vector<16xf32>
        %pack3A = tpu.pack_subelements %broadcast_in_dim3A, %broadcast_in_dim3A_213 {pack_format = #tpu.pack_format<interleaved>, positions = array<i32: 0, 1>} : vector<16xf32>, vector<16xf32> -> vector<32xbf16>
        %slice3A_214 = vector.extract_strided_slice %get3A_199 {offsets = [1], sizes = [1], strides = [1]} : vector<16xi32> to vector<1xi32>
        %squeeze3A_215 = vector.extract %slice3A_214[0] : i32 from vector<1xi32>
        %and3A_216 = arith.constant 1 : i32
        %and3A_217 = arith.andi %squeeze3A_215, %and3A_216 : i32
        %convert_element_type3A_218 = arith.sitofp %and3A_217 : i32 to f32
        %slice3A_219 = vector.extract_strided_slice %get3A_203 {offsets = [1], sizes = [1], strides = [1]} : vector<16xf32> to vector<1xf32>
        %squeeze3A_220 = vector.extract %slice3A_219[0] : f32 from vector<1xf32>
        %mul3A_221 = arith.mulf %squeeze3A_220, %convert_element_type3A_218 : f32
        %slice3A_222 = vector.extract_strided_slice %get3A_203 {offsets = [1], sizes = [1], strides = [1]} : vector<16xf32> to vector<1xf32>
        %squeeze3A_223 = vector.extract %slice3A_222[0] : f32 from vector<1xf32>
        %sub3A_224 = arith.subf %squeeze3A_223, %mul3A_221 : f32
        %broadcast_in_dim3A_225 = vector.broadcast %sub3A_224 : f32 to vector<16xf32>
        %broadcast_in_dim3A_226 = vector.broadcast %mul3A_221 : f32 to vector<16xf32>
        %pack3A_227 = tpu.pack_subelements %broadcast_in_dim3A_225, %broadcast_in_dim3A_226 {pack_format = #tpu.pack_format<interleaved>, positions = array<i32: 0, 1>} : vector<16xf32>, vector<16xf32> -> vector<32xbf16>
        %slice3A_228 = vector.extract_strided_slice %get3A_199 {offsets = [2], sizes = [1], strides = [1]} : vector<16xi32> to vector<1xi32>
        %squeeze3A_229 = vector.extract %slice3A_228[0] : i32 from vector<1xi32>
        %and3A_230 = arith.constant 1 : i32
        %and3A_231 = arith.andi %squeeze3A_229, %and3A_230 : i32
        %convert_element_type3A_232 = arith.sitofp %and3A_231 : i32 to f32
        %slice3A_233 = vector.extract_strided_slice %get3A_203 {offsets = [2], sizes = [1], strides = [1]} : vector<16xf32> to vector<1xf32>
        %squeeze3A_234 = vector.extract %slice3A_233[0] : f32 from vector<1xf32>
        %mul3A_235 = arith.mulf %squeeze3A_234, %convert_element_type3A_232 : f32
        %slice3A_236 = vector.extract_strided_slice %get3A_203 {offsets = [2], sizes = [1], strides = [1]} : vector<16xf32> to vector<1xf32>
        %squeeze3A_237 = vector.extract %slice3A_236[0] : f32 from vector<1xf32>
        %sub3A_238 = arith.subf %squeeze3A_237, %mul3A_235 : f32
        %broadcast_in_dim3A_239 = vector.broadcast %sub3A_238 : f32 to vector<16xf32>
        %broadcast_in_dim3A_240 = vector.broadcast %mul3A_235 : f32 to vector<16xf32>
        %pack3A_241 = tpu.pack_subelements %broadcast_in_dim3A_239, %broadcast_in_dim3A_240 {pack_format = #tpu.pack_format<interleaved>, positions = array<i32: 0, 1>} : vector<16xf32>, vector<16xf32> -> vector<32xbf16>
        %slice3A_242 = vector.extract_strided_slice %get3A_199 {offsets = [3], sizes = [1], strides = [1]} : vector<16xi32> to vector<1xi32>
        %squeeze3A_243 = vector.extract %slice3A_242[0] : i32 from vector<1xi32>
        %and3A_244 = arith.constant 1 : i32
        %and3A_245 = arith.andi %squeeze3A_243, %and3A_244 : i32
        %convert_element_type3A_246 = arith.sitofp %and3A_245 : i32 to f32
        %slice3A_247 = vector.extract_strided_slice %get3A_203 {offsets = [3], sizes = [1], strides = [1]} : vector<16xf32> to vector<1xf32>
        %squeeze3A_248 = vector.extract %slice3A_247[0] : f32 from vector<1xf32>
        %mul3A_249 = arith.mulf %squeeze3A_248, %convert_element_type3A_246 : f32
        %slice3A_250 = vector.extract_strided_slice %get3A_203 {offsets = [3], sizes = [1], strides = [1]} : vector<16xf32> to vector<1xf32>
        %squeeze3A_251 = vector.extract %slice3A_250[0] : f32 from vector<1xf32>
        %sub3A_252 = arith.subf %squeeze3A_251, %mul3A_249 : f32
        %broadcast_in_dim3A_253 = vector.broadcast %sub3A_252 : f32 to vector<16xf32>
        %broadcast_in_dim3A_254 = vector.broadcast %mul3A_249 : f32 to vector<16xf32>
        %pack3A_255 = tpu.pack_subelements %broadcast_in_dim3A_253, %broadcast_in_dim3A_254 {pack_format = #tpu.pack_format<interleaved>, positions = array<i32: 0, 1>} : vector<16xf32>, vector<16xf32> -> vector<32xbf16>
        %slice3A_256 = vector.extract_strided_slice %get3A_199 {offsets = [4], sizes = [1], strides = [1]} : vector<16xi32> to vector<1xi32>
        %squeeze3A_257 = vector.extract %slice3A_256[0] : i32 from vector<1xi32>
        %and3A_258 = arith.constant 1 : i32
        %and3A_259 = arith.andi %squeeze3A_257, %and3A_258 : i32
        %convert_element_type3A_260 = arith.sitofp %and3A_259 : i32 to f32
        %slice3A_261 = vector.extract_strided_slice %get3A_203 {offsets = [4], sizes = [1], strides = [1]} : vector<16xf32> to vector<1xf32>
        %squeeze3A_262 = vector.extract %slice3A_261[0] : f32 from vector<1xf32>
        %mul3A_263 = arith.mulf %squeeze3A_262, %convert_element_type3A_260 : f32
        %slice3A_264 = vector.extract_strided_slice %get3A_203 {offsets = [4], sizes = [1], strides = [1]} : vector<16xf32> to vector<1xf32>
        %squeeze3A_265 = vector.extract %slice3A_264[0] : f32 from vector<1xf32>
        %sub3A_266 = arith.subf %squeeze3A_265, %mul3A_263 : f32
        %broadcast_in_dim3A_267 = vector.broadcast %sub3A_266 : f32 to vector<16xf32>
        %broadcast_in_dim3A_268 = vector.broadcast %mul3A_263 : f32 to vector<16xf32>
        %pack3A_269 = tpu.pack_subelements %broadcast_in_dim3A_267, %broadcast_in_dim3A_268 {pack_format = #tpu.pack_format<interleaved>, positions = array<i32: 0, 1>} : vector<16xf32>, vector<16xf32> -> vector<32xbf16>
        %slice3A_270 = vector.extract_strided_slice %get3A_199 {offsets = [5], sizes = [1], strides = [1]} : vector<16xi32> to vector<1xi32>
        %squeeze3A_271 = vector.extract %slice3A_270[0] : i32 from vector<1xi32>
        %and3A_272 = arith.constant 1 : i32
        %and3A_273 = arith.andi %squeeze3A_271, %and3A_272 : i32
        %convert_element_type3A_274 = arith.sitofp %and3A_273 : i32 to f32
        %slice3A_275 = vector.extract_strided_slice %get3A_203 {offsets = [5], sizes = [1], strides = [1]} : vector<16xf32> to vector<1xf32>
        %squeeze3A_276 = vector.extract %slice3A_275[0] : f32 from vector<1xf32>
        %mul3A_277 = arith.mulf %squeeze3A_276, %convert_element_type3A_274 : f32
        %slice3A_278 = vector.extract_strided_slice %get3A_203 {offsets = [5], sizes = [1], strides = [1]} : vector<16xf32> to vector<1xf32>
        %squeeze3A_279 = vector.extract %slice3A_278[0] : f32 from vector<1xf32>
        %sub3A_280 = arith.subf %squeeze3A_279, %mul3A_277 : f32
        %broadcast_in_dim3A_281 = vector.broadcast %sub3A_280 : f32 to vector<16xf32>
        %broadcast_in_dim3A_282 = vector.broadcast %mul3A_277 : f32 to vector<16xf32>
        %pack3A_283 = tpu.pack_subelements %broadcast_in_dim3A_281, %broadcast_in_dim3A_282 {pack_format = #tpu.pack_format<interleaved>, positions = array<i32: 0, 1>} : vector<16xf32>, vector<16xf32> -> vector<32xbf16>
        %slice3A_284 = vector.extract_strided_slice %get3A_199 {offsets = [6], sizes = [1], strides = [1]} : vector<16xi32> to vector<1xi32>
        %squeeze3A_285 = vector.extract %slice3A_284[0] : i32 from vector<1xi32>
        %and3A_286 = arith.constant 1 : i32
        %and3A_287 = arith.andi %squeeze3A_285, %and3A_286 : i32
        %convert_element_type3A_288 = arith.sitofp %and3A_287 : i32 to f32
        %slice3A_289 = vector.extract_strided_slice %get3A_203 {offsets = [6], sizes = [1], strides = [1]} : vector<16xf32> to vector<1xf32>
        %squeeze3A_290 = vector.extract %slice3A_289[0] : f32 from vector<1xf32>
        %mul3A_291 = arith.mulf %squeeze3A_290, %convert_element_type3A_288 : f32
        %slice3A_292 = vector.extract_strided_slice %get3A_203 {offsets = [6], sizes = [1], strides = [1]} : vector<16xf32> to vector<1xf32>
        %squeeze3A_293 = vector.extract %slice3A_292[0] : f32 from vector<1xf32>
        %sub3A_294 = arith.subf %squeeze3A_293, %mul3A_291 : f32
        %broadcast_in_dim3A_295 = vector.broadcast %sub3A_294 : f32 to vector<16xf32>
        %broadcast_in_dim3A_296 = vector.broadcast %mul3A_291 : f32 to vector<16xf32>
        %pack3A_297 = tpu.pack_subelements %broadcast_in_dim3A_295, %broadcast_in_dim3A_296 {pack_format = #tpu.pack_format<interleaved>, positions = array<i32: 0, 1>} : vector<16xf32>, vector<16xf32> -> vector<32xbf16>
        %slice3A_298 = vector.extract_strided_slice %get3A_199 {offsets = [7], sizes = [1], strides = [1]} : vector<16xi32> to vector<1xi32>
        %squeeze3A_299 = vector.extract %slice3A_298[0] : i32 from vector<1xi32>
        %and3A_300 = arith.constant 1 : i32
        %and3A_301 = arith.andi %squeeze3A_299, %and3A_300 : i32
        %convert_element_type3A_302 = arith.sitofp %and3A_301 : i32 to f32
        %slice3A_303 = vector.extract_strided_slice %get3A_203 {offsets = [7], sizes = [1], strides = [1]} : vector<16xf32> to vector<1xf32>
        %squeeze3A_304 = vector.extract %slice3A_303[0] : f32 from vector<1xf32>
        %mul3A_305 = arith.mulf %squeeze3A_304, %convert_element_type3A_302 : f32
        %slice3A_306 = vector.extract_strided_slice %get3A_203 {offsets = [7], sizes = [1], strides = [1]} : vector<16xf32> to vector<1xf32>
        %squeeze3A_307 = vector.extract %slice3A_306[0] : f32 from vector<1xf32>
        %sub3A_308 = arith.subf %squeeze3A_307, %mul3A_305 : f32
        %broadcast_in_dim3A_309 = vector.broadcast %sub3A_308 : f32 to vector<16xf32>
        %broadcast_in_dim3A_310 = vector.broadcast %mul3A_305 : f32 to vector<16xf32>
        %pack3A_311 = tpu.pack_subelements %broadcast_in_dim3A_309, %broadcast_in_dim3A_310 {pack_format = #tpu.pack_format<interleaved>, positions = array<i32: 0, 1>} : vector<16xf32>, vector<16xf32> -> vector<32xbf16>
        %slice3A_312 = vector.extract_strided_slice %get3A_199 {offsets = [8], sizes = [1], strides = [1]} : vector<16xi32> to vector<1xi32>
        %squeeze3A_313 = vector.extract %slice3A_312[0] : i32 from vector<1xi32>
        %and3A_314 = arith.constant 1 : i32
        %and3A_315 = arith.andi %squeeze3A_313, %and3A_314 : i32
        %convert_element_type3A_316 = arith.sitofp %and3A_315 : i32 to f32
        %slice3A_317 = vector.extract_strided_slice %get3A_203 {offsets = [8], sizes = [1], strides = [1]} : vector<16xf32> to vector<1xf32>
        %squeeze3A_318 = vector.extract %slice3A_317[0] : f32 from vector<1xf32>
        %mul3A_319 = arith.mulf %squeeze3A_318, %convert_element_type3A_316 : f32
        %slice3A_320 = vector.extract_strided_slice %get3A_203 {offsets = [8], sizes = [1], strides = [1]} : vector<16xf32> to vector<1xf32>
        %squeeze3A_321 = vector.extract %slice3A_320[0] : f32 from vector<1xf32>
        %sub3A_322 = arith.subf %squeeze3A_321, %mul3A_319 : f32
        %broadcast_in_dim3A_323 = vector.broadcast %sub3A_322 : f32 to vector<16xf32>
        %broadcast_in_dim3A_324 = vector.broadcast %mul3A_319 : f32 to vector<16xf32>
        %pack3A_325 = tpu.pack_subelements %broadcast_in_dim3A_323, %broadcast_in_dim3A_324 {pack_format = #tpu.pack_format<interleaved>, positions = array<i32: 0, 1>} : vector<16xf32>, vector<16xf32> -> vector<32xbf16>
        %slice3A_326 = vector.extract_strided_slice %get3A_199 {offsets = [9], sizes = [1], strides = [1]} : vector<16xi32> to vector<1xi32>
        %squeeze3A_327 = vector.extract %slice3A_326[0] : i32 from vector<1xi32>
        %and3A_328 = arith.constant 1 : i32
        %and3A_329 = arith.andi %squeeze3A_327, %and3A_328 : i32
        %convert_element_type3A_330 = arith.sitofp %and3A_329 : i32 to f32
        %slice3A_331 = vector.extract_strided_slice %get3A_203 {offsets = [9], sizes = [1], strides = [1]} : vector<16xf32> to vector<1xf32>
        %squeeze3A_332 = vector.extract %slice3A_331[0] : f32 from vector<1xf32>
        %mul3A_333 = arith.mulf %squeeze3A_332, %convert_element_type3A_330 : f32
        %slice3A_334 = vector.extract_strided_slice %get3A_203 {offsets = [9], sizes = [1], strides = [1]} : vector<16xf32> to vector<1xf32>
        %squeeze3A_335 = vector.extract %slice3A_334[0] : f32 from vector<1xf32>
        %sub3A_336 = arith.subf %squeeze3A_335, %mul3A_333 : f32
        %broadcast_in_dim3A_337 = vector.broadcast %sub3A_336 : f32 to vector<16xf32>
        %broadcast_in_dim3A_338 = vector.broadcast %mul3A_333 : f32 to vector<16xf32>
        %pack3A_339 = tpu.pack_subelements %broadcast_in_dim3A_337, %broadcast_in_dim3A_338 {pack_format = #tpu.pack_format<interleaved>, positions = array<i32: 0, 1>} : vector<16xf32>, vector<16xf32> -> vector<32xbf16>
        %slice3A_340 = vector.extract_strided_slice %get3A_199 {offsets = [10], sizes = [1], strides = [1]} : vector<16xi32> to vector<1xi32>
        %squeeze3A_341 = vector.extract %slice3A_340[0] : i32 from vector<1xi32>
        %and3A_342 = arith.constant 1 : i32
        %and3A_343 = arith.andi %squeeze3A_341, %and3A_342 : i32
        %convert_element_type3A_344 = arith.sitofp %and3A_343 : i32 to f32
        %slice3A_345 = vector.extract_strided_slice %get3A_203 {offsets = [10], sizes = [1], strides = [1]} : vector<16xf32> to vector<1xf32>
        %squeeze3A_346 = vector.extract %slice3A_345[0] : f32 from vector<1xf32>
        %mul3A_347 = arith.mulf %squeeze3A_346, %convert_element_type3A_344 : f32
        %slice3A_348 = vector.extract_strided_slice %get3A_203 {offsets = [10], sizes = [1], strides = [1]} : vector<16xf32> to vector<1xf32>
        %squeeze3A_349 = vector.extract %slice3A_348[0] : f32 from vector<1xf32>
        %sub3A_350 = arith.subf %squeeze3A_349, %mul3A_347 : f32
        %broadcast_in_dim3A_351 = vector.broadcast %sub3A_350 : f32 to vector<16xf32>
        %broadcast_in_dim3A_352 = vector.broadcast %mul3A_347 : f32 to vector<16xf32>
        %pack3A_353 = tpu.pack_subelements %broadcast_in_dim3A_351, %broadcast_in_dim3A_352 {pack_format = #tpu.pack_format<interleaved>, positions = array<i32: 0, 1>} : vector<16xf32>, vector<16xf32> -> vector<32xbf16>
        %slice3A_354 = vector.extract_strided_slice %get3A_199 {offsets = [11], sizes = [1], strides = [1]} : vector<16xi32> to vector<1xi32>
        %squeeze3A_355 = vector.extract %slice3A_354[0] : i32 from vector<1xi32>
        %and3A_356 = arith.constant 1 : i32
        %and3A_357 = arith.andi %squeeze3A_355, %and3A_356 : i32
        %convert_element_type3A_358 = arith.sitofp %and3A_357 : i32 to f32
        %slice3A_359 = vector.extract_strided_slice %get3A_203 {offsets = [11], sizes = [1], strides = [1]} : vector<16xf32> to vector<1xf32>
        %squeeze3A_360 = vector.extract %slice3A_359[0] : f32 from vector<1xf32>
        %mul3A_361 = arith.mulf %squeeze3A_360, %convert_element_type3A_358 : f32
        %slice3A_362 = vector.extract_strided_slice %get3A_203 {offsets = [11], sizes = [1], strides = [1]} : vector<16xf32> to vector<1xf32>
        %squeeze3A_363 = vector.extract %slice3A_362[0] : f32 from vector<1xf32>
        %sub3A_364 = arith.subf %squeeze3A_363, %mul3A_361 : f32
        %broadcast_in_dim3A_365 = vector.broadcast %sub3A_364 : f32 to vector<16xf32>
        %broadcast_in_dim3A_366 = vector.broadcast %mul3A_361 : f32 to vector<16xf32>
        %pack3A_367 = tpu.pack_subelements %broadcast_in_dim3A_365, %broadcast_in_dim3A_366 {pack_format = #tpu.pack_format<interleaved>, positions = array<i32: 0, 1>} : vector<16xf32>, vector<16xf32> -> vector<32xbf16>
        %slice3A_368 = vector.extract_strided_slice %get3A_199 {offsets = [12], sizes = [1], strides = [1]} : vector<16xi32> to vector<1xi32>
        %squeeze3A_369 = vector.extract %slice3A_368[0] : i32 from vector<1xi32>
        %and3A_370 = arith.constant 1 : i32
        %and3A_371 = arith.andi %squeeze3A_369, %and3A_370 : i32
        %convert_element_type3A_372 = arith.sitofp %and3A_371 : i32 to f32
        %slice3A_373 = vector.extract_strided_slice %get3A_203 {offsets = [12], sizes = [1], strides = [1]} : vector<16xf32> to vector<1xf32>
        %squeeze3A_374 = vector.extract %slice3A_373[0] : f32 from vector<1xf32>
        %mul3A_375 = arith.mulf %squeeze3A_374, %convert_element_type3A_372 : f32
        %slice3A_376 = vector.extract_strided_slice %get3A_203 {offsets = [12], sizes = [1], strides = [1]} : vector<16xf32> to vector<1xf32>
        %squeeze3A_377 = vector.extract %slice3A_376[0] : f32 from vector<1xf32>
        %sub3A_378 = arith.subf %squeeze3A_377, %mul3A_375 : f32
        %broadcast_in_dim3A_379 = vector.broadcast %sub3A_378 : f32 to vector<16xf32>
        %broadcast_in_dim3A_380 = vector.broadcast %mul3A_375 : f32 to vector<16xf32>
        %pack3A_381 = tpu.pack_subelements %broadcast_in_dim3A_379, %broadcast_in_dim3A_380 {pack_format = #tpu.pack_format<interleaved>, positions = array<i32: 0, 1>} : vector<16xf32>, vector<16xf32> -> vector<32xbf16>
        %slice3A_382 = vector.extract_strided_slice %get3A_199 {offsets = [13], sizes = [1], strides = [1]} : vector<16xi32> to vector<1xi32>
        %squeeze3A_383 = vector.extract %slice3A_382[0] : i32 from vector<1xi32>
        %and3A_384 = arith.constant 1 : i32
        %and3A_385 = arith.andi %squeeze3A_383, %and3A_384 : i32
        %convert_element_type3A_386 = arith.sitofp %and3A_385 : i32 to f32
        %slice3A_387 = vector.extract_strided_slice %get3A_203 {offsets = [13], sizes = [1], strides = [1]} : vector<16xf32> to vector<1xf32>
        %squeeze3A_388 = vector.extract %slice3A_387[0] : f32 from vector<1xf32>
        %mul3A_389 = arith.mulf %squeeze3A_388, %convert_element_type3A_386 : f32
        %slice3A_390 = vector.extract_strided_slice %get3A_203 {offsets = [13], sizes = [1], strides = [1]} : vector<16xf32> to vector<1xf32>
        %squeeze3A_391 = vector.extract %slice3A_390[0] : f32 from vector<1xf32>
        %sub3A_392 = arith.subf %squeeze3A_391, %mul3A_389 : f32
        %broadcast_in_dim3A_393 = vector.broadcast %sub3A_392 : f32 to vector<16xf32>
        %broadcast_in_dim3A_394 = vector.broadcast %mul3A_389 : f32 to vector<16xf32>
        %pack3A_395 = tpu.pack_subelements %broadcast_in_dim3A_393, %broadcast_in_dim3A_394 {pack_format = #tpu.pack_format<interleaved>, positions = array<i32: 0, 1>} : vector<16xf32>, vector<16xf32> -> vector<32xbf16>
        %slice3A_396 = vector.extract_strided_slice %get3A_199 {offsets = [14], sizes = [1], strides = [1]} : vector<16xi32> to vector<1xi32>
        %squeeze3A_397 = vector.extract %slice3A_396[0] : i32 from vector<1xi32>
        %and3A_398 = arith.constant 1 : i32
        %and3A_399 = arith.andi %squeeze3A_397, %and3A_398 : i32
        %convert_element_type3A_400 = arith.sitofp %and3A_399 : i32 to f32
        %slice3A_401 = vector.extract_strided_slice %get3A_203 {offsets = [14], sizes = [1], strides = [1]} : vector<16xf32> to vector<1xf32>
        %squeeze3A_402 = vector.extract %slice3A_401[0] : f32 from vector<1xf32>
        %mul3A_403 = arith.mulf %squeeze3A_402, %convert_element_type3A_400 : f32
        %slice3A_404 = vector.extract_strided_slice %get3A_203 {offsets = [14], sizes = [1], strides = [1]} : vector<16xf32> to vector<1xf32>
        %squeeze3A_405 = vector.extract %slice3A_404[0] : f32 from vector<1xf32>
        %sub3A_406 = arith.subf %squeeze3A_405, %mul3A_403 : f32
        %broadcast_in_dim3A_407 = vector.broadcast %sub3A_406 : f32 to vector<16xf32>
        %broadcast_in_dim3A_408 = vector.broadcast %mul3A_403 : f32 to vector<16xf32>
        %pack3A_409 = tpu.pack_subelements %broadcast_in_dim3A_407, %broadcast_in_dim3A_408 {pack_format = #tpu.pack_format<interleaved>, positions = array<i32: 0, 1>} : vector<16xf32>, vector<16xf32> -> vector<32xbf16>
        %slice3A_410 = vector.extract_strided_slice %get3A_199 {offsets = [15], sizes = [1], strides = [1]} : vector<16xi32> to vector<1xi32>
        %squeeze3A_411 = vector.extract %slice3A_410[0] : i32 from vector<1xi32>
        %and3A_412 = arith.constant 1 : i32
        %and3A_413 = arith.andi %squeeze3A_411, %and3A_412 : i32
        %convert_element_type3A_414 = arith.sitofp %and3A_413 : i32 to f32
        %slice3A_415 = vector.extract_strided_slice %get3A_203 {offsets = [15], sizes = [1], strides = [1]} : vector<16xf32> to vector<1xf32>
        %squeeze3A_416 = vector.extract %slice3A_415[0] : f32 from vector<1xf32>
        %mul3A_417 = arith.mulf %squeeze3A_416, %convert_element_type3A_414 : f32
        %slice3A_418 = vector.extract_strided_slice %get3A_203 {offsets = [15], sizes = [1], strides = [1]} : vector<16xf32> to vector<1xf32>
        %squeeze3A_419 = vector.extract %slice3A_418[0] : f32 from vector<1xf32>
        %sub3A_420 = arith.subf %squeeze3A_419, %mul3A_417 : f32
        %broadcast_in_dim3A_421 = vector.broadcast %sub3A_420 : f32 to vector<16xf32>
        %broadcast_in_dim3A_422 = vector.broadcast %mul3A_417 : f32 to vector<16xf32>
        %pack3A_423 = tpu.pack_subelements %broadcast_in_dim3A_421, %broadcast_in_dim3A_422 {pack_format = #tpu.pack_format<interleaved>, positions = array<i32: 0, 1>} : vector<16xf32>, vector<16xf32> -> vector<32xbf16>
        %jit3A_424 = arith.constant 2 : i32
        %eq3A_425 = arith.constant 0 : i32
        %eq3A_426 = arith.cmpi eq, %jit3A_424, %eq3A_425 : i32
        %jit3A_427 = arith.constant 1 : i32
        %select_n3A_428 = arith.select %eq3A_426, %jit3A_427, %jit3A_424 : i32
        %rem3A_429 = arith.remsi %scan3A_66, %select_n3A_428 : i32
        %ne3A_430 = arith.constant 0 : i32
        %ne3A_431 = arith.cmpi ne, %rem3A_429, %ne3A_430 : i32
        %lt3A_432 = arith.constant 0 : i32
        %lt3A_433 = arith.cmpi slt, %rem3A_429, %lt3A_432 : i32
        %lt3A_434 = arith.constant 0 : i32
        %lt3A_435 = arith.cmpi slt, %select_n3A_428, %lt3A_434 : i32
        %ne3A_436 = arith.xori %lt3A_433, %lt3A_435 : i1
        %and3A_437 = arith.andi %ne3A_436, %ne3A_431 : i1
        %add3A_438 = arith.addi %rem3A_429, %select_n3A_428 : i32
        %select_n3A_439 = arith.select %and3A_437, %add3A_438, %rem3A_429 : i32
        %parallel_loop3A = arith.constant 0 : i32
        %parallel_loop3A_440 = arith.constant 128 : i32
        %parallel_loop3A_441 = arith.constant 1 : i32
        scf.for %parallel_loop3A_463 = %parallel_loop3A to %parallel_loop3A_440 step %parallel_loop3A_441  : i32 {
          %parallel_loop3A_464 = arith.constant 16 : i32
          %parallel_loop3A_465 = arith.muli %parallel_loop3A_463, %parallel_loop3A_464 : i32
          %parallel_loop3A_466 = arith.constant 0 : i32
          %parallel_loop3A_467 = arith.index_cast %parallel_loop3A_466 : i32 to index
          %parallel_loop3A_468 = arith.index_cast %parallel_loop3A_465 : i32 to index
          %parallel_loop3A_469 = tpu.vector_load %arg9[%parallel_loop3A_467, %parallel_loop3A_468] {strides = array<i32>} : memref<16x2048xi32, #tpu.memory_space<vmem>>, vector<16xi32>,
          %parallel_loop3A_470 = vector.bitcast %parallel_loop3A_469 : vector<16xi32> to vector<32xbf16>
          %parallel_loop3A_471 = arith.mulf %parallel_loop3A_470, %pack3A : vector<32xbf16>
          %parallel_loop3A_472 = arith.constant 16 : i32
          %parallel_loop3A_473 = arith.muli %parallel_loop3A_463, %parallel_loop3A_472 : i32
          %parallel_loop3A_474 = arith.constant 8 : i32
          %parallel_loop3A_475 = arith.index_cast %parallel_loop3A_474 : i32 to index
          %parallel_loop3A_476 = arith.index_cast %parallel_loop3A_473 : i32 to index
          %parallel_loop3A_477 = tpu.vector_load %arg9[%parallel_loop3A_475, %parallel_loop3A_476] {strides = array<i32>} : memref<16x2048xi32, #tpu.memory_space<vmem>>, vector<16xi32>,
          %parallel_loop3A_478 = vector.bitcast %parallel_loop3A_477 : vector<16xi32> to vector<32xbf16>
          %parallel_loop3A_479 = arith.mulf %parallel_loop3A_478, %pack3A_325 : vector<32xbf16>
          %parallel_loop3A_480 = arith.constant 16 : i32
          %parallel_loop3A_481 = arith.muli %parallel_loop3A_463, %parallel_loop3A_480 : i32
          %parallel_loop3A_482 = arith.constant 1 : i32
          %parallel_loop3A_483 = arith.index_cast %parallel_loop3A_482 : i32 to index
          %parallel_loop3A_484 = arith.index_cast %parallel_loop3A_481 : i32 to index
          %parallel_loop3A_485 = tpu.vector_load %arg9[%parallel_loop3A_483, %parallel_loop3A_484] {strides = array<i32>} : memref<16x2048xi32, #tpu.memory_space<vmem>>, vector<16xi32>,
          %parallel_loop3A_486 = vector.bitcast %parallel_loop3A_485 : vector<16xi32> to vector<32xbf16>
          %parallel_loop3A_487 = arith.mulf %parallel_loop3A_486, %pack3A_227 : vector<32xbf16>
          %parallel_loop3A_488 = arith.addf %parallel_loop3A_471, %parallel_loop3A_487 : vector<32xbf16>
          %parallel_loop3A_489 = arith.constant 16 : i32
          %parallel_loop3A_490 = arith.muli %parallel_loop3A_463, %parallel_loop3A_489 : i32
          %parallel_loop3A_491 = arith.constant 9 : i32
          %parallel_loop3A_492 = arith.index_cast %parallel_loop3A_491 : i32 to index
          %parallel_loop3A_493 = arith.index_cast %parallel_loop3A_490 : i32 to index
          %parallel_loop3A_494 = tpu.vector_load %arg9[%parallel_loop3A_492, %parallel_loop3A_493] {strides = array<i32>} : memref<16x2048xi32, #tpu.memory_space<vmem>>, vector<16xi32>,
          %parallel_loop3A_495 = vector.bitcast %parallel_loop3A_494 : vector<16xi32> to vector<32xbf16>
          %parallel_loop3A_496 = arith.mulf %parallel_loop3A_495, %pack3A_339 : vector<32xbf16>
          %parallel_loop3A_497 = arith.addf %parallel_loop3A_479, %parallel_loop3A_496 : vector<32xbf16>
          %parallel_loop3A_498 = arith.constant 16 : i32
          %parallel_loop3A_499 = arith.muli %parallel_loop3A_463, %parallel_loop3A_498 : i32
          %parallel_loop3A_500 = arith.constant 2 : i32
          %parallel_loop3A_501 = arith.index_cast %parallel_loop3A_500 : i32 to index
          %parallel_loop3A_502 = arith.index_cast %parallel_loop3A_499 : i32 to index
          %parallel_loop3A_503 = tpu.vector_load %arg9[%parallel_loop3A_501, %parallel_loop3A_502] {strides = array<i32>} : memref<16x2048xi32, #tpu.memory_space<vmem>>, vector<16xi32>,
          %parallel_loop3A_504 = vector.bitcast %parallel_loop3A_503 : vector<16xi32> to vector<32xbf16>
          %parallel_loop3A_505 = arith.mulf %parallel_loop3A_504, %pack3A_241 : vector<32xbf16>
          %parallel_loop3A_506 = arith.addf %parallel_loop3A_488, %parallel_loop3A_505 : vector<32xbf16>
          %parallel_loop3A_507 = arith.constant 16 : i32
          %parallel_loop3A_508 = arith.muli %parallel_loop3A_463, %parallel_loop3A_507 : i32
          %parallel_loop3A_509 = arith.constant 10 : i32
          %parallel_loop3A_510 = arith.index_cast %parallel_loop3A_509 : i32 to index
          %parallel_loop3A_511 = arith.index_cast %parallel_loop3A_508 : i32 to index
          %parallel_loop3A_512 = tpu.vector_load %arg9[%parallel_loop3A_510, %parallel_loop3A_511] {strides = array<i32>} : memref<16x2048xi32, #tpu.memory_space<vmem>>, vector<16xi32>,
          %parallel_loop3A_513 = vector.bitcast %parallel_loop3A_512 : vector<16xi32> to vector<32xbf16>
          %parallel_loop3A_514 = arith.mulf %parallel_loop3A_513, %pack3A_353 : vector<32xbf16>
          %parallel_loop3A_515 = arith.addf %parallel_loop3A_497, %parallel_loop3A_514 : vector<32xbf16>
          %parallel_loop3A_516 = arith.constant 16 : i32
          %parallel_loop3A_517 = arith.muli %parallel_loop3A_463, %parallel_loop3A_516 : i32
          %parallel_loop3A_518 = arith.constant 3 : i32
          %parallel_loop3A_519 = arith.index_cast %parallel_loop3A_518 : i32 to index
          %parallel_loop3A_520 = arith.index_cast %parallel_loop3A_517 : i32 to index
          %parallel_loop3A_521 = tpu.vector_load %arg9[%parallel_loop3A_519, %parallel_loop3A_520] {strides = array<i32>} : memref<16x2048xi32, #tpu.memory_space<vmem>>, vector<16xi32>,
          %parallel_loop3A_522 = vector.bitcast %parallel_loop3A_521 : vector<16xi32> to vector<32xbf16>
          %parallel_loop3A_523 = arith.mulf %parallel_loop3A_522, %pack3A_255 : vector<32xbf16>
          %parallel_loop3A_524 = arith.addf %parallel_loop3A_506, %parallel_loop3A_523 : vector<32xbf16>
          %parallel_loop3A_525 = arith.constant 16 : i32
          %parallel_loop3A_526 = arith.muli %parallel_loop3A_463, %parallel_loop3A_525 : i32
          %parallel_loop3A_527 = arith.constant 11 : i32
          %parallel_loop3A_528 = arith.index_cast %parallel_loop3A_527 : i32 to index
          %parallel_loop3A_529 = arith.index_cast %parallel_loop3A_526 : i32 to index
          %parallel_loop3A_530 = tpu.vector_load %arg9[%parallel_loop3A_528, %parallel_loop3A_529] {strides = array<i32>} : memref<16x2048xi32, #tpu.memory_space<vmem>>, vector<16xi32>,
          %parallel_loop3A_531 = vector.bitcast %parallel_loop3A_530 : vector<16xi32> to vector<32xbf16>
          %parallel_loop3A_532 = arith.mulf %parallel_loop3A_531, %pack3A_367 : vector<32xbf16>
          %parallel_loop3A_533 = arith.addf %parallel_loop3A_515, %parallel_loop3A_532 : vector<32xbf16>
          %parallel_loop3A_534 = arith.constant 16 : i32
          %parallel_loop3A_535 = arith.muli %parallel_loop3A_463, %parallel_loop3A_534 : i32
          %parallel_loop3A_536 = arith.constant 4 : i32
          %parallel_loop3A_537 = arith.index_cast %parallel_loop3A_536 : i32 to index
          %parallel_loop3A_538 = arith.index_cast %parallel_loop3A_535 : i32 to index
          %parallel_loop3A_539 = tpu.vector_load %arg9[%parallel_loop3A_537, %parallel_loop3A_538] {strides = array<i32>} : memref<16x2048xi32, #tpu.memory_space<vmem>>, vector<16xi32>,
          %parallel_loop3A_540 = vector.bitcast %parallel_loop3A_539 : vector<16xi32> to vector<32xbf16>
          %parallel_loop3A_541 = arith.mulf %parallel_loop3A_540, %pack3A_269 : vector<32xbf16>
          %parallel_loop3A_542 = arith.addf %parallel_loop3A_524, %parallel_loop3A_541 : vector<32xbf16>
          %parallel_loop3A_543 = arith.constant 16 : i32
          %parallel_loop3A_544 = arith.muli %parallel_loop3A_463, %parallel_loop3A_543 : i32
          %parallel_loop3A_545 = arith.constant 12 : i32
          %parallel_loop3A_546 = arith.index_cast %parallel_loop3A_545 : i32 to index
          %parallel_loop3A_547 = arith.index_cast %parallel_loop3A_544 : i32 to index
          %parallel_loop3A_548 = tpu.vector_load %arg9[%parallel_loop3A_546, %parallel_loop3A_547] {strides = array<i32>} : memref<16x2048xi32, #tpu.memory_space<vmem>>, vector<16xi32>,
          %parallel_loop3A_549 = vector.bitcast %parallel_loop3A_548 : vector<16xi32> to vector<32xbf16>
          %parallel_loop3A_550 = arith.mulf %parallel_loop3A_549, %pack3A_381 : vector<32xbf16>
          %parallel_loop3A_551 = arith.addf %parallel_loop3A_533, %parallel_loop3A_550 : vector<32xbf16>
          %parallel_loop3A_552 = arith.constant 16 : i32
          %parallel_loop3A_553 = arith.muli %parallel_loop3A_463, %parallel_loop3A_552 : i32
          %parallel_loop3A_554 = arith.constant 5 : i32
          %parallel_loop3A_555 = arith.index_cast %parallel_loop3A_554 : i32 to index
          %parallel_loop3A_556 = arith.index_cast %parallel_loop3A_553 : i32 to index
          %parallel_loop3A_557 = tpu.vector_load %arg9[%parallel_loop3A_555, %parallel_loop3A_556] {strides = array<i32>} : memref<16x2048xi32, #tpu.memory_space<vmem>>, vector<16xi32>,
          %parallel_loop3A_558 = vector.bitcast %parallel_loop3A_557 : vector<16xi32> to vector<32xbf16>
          %parallel_loop3A_559 = arith.mulf %parallel_loop3A_558, %pack3A_283 : vector<32xbf16>
          %parallel_loop3A_560 = arith.addf %parallel_loop3A_542, %parallel_loop3A_559 : vector<32xbf16>
          %parallel_loop3A_561 = arith.constant 16 : i32
          %parallel_loop3A_562 = arith.muli %parallel_loop3A_463, %parallel_loop3A_561 : i32
          %parallel_loop3A_563 = arith.constant 13 : i32
          %parallel_loop3A_564 = arith.index_cast %parallel_loop3A_563 : i32 to index
          %parallel_loop3A_565 = arith.index_cast %parallel_loop3A_562 : i32 to index
          %parallel_loop3A_566 = tpu.vector_load %arg9[%parallel_loop3A_564, %parallel_loop3A_565] {strides = array<i32>} : memref<16x2048xi32, #tpu.memory_space<vmem>>, vector<16xi32>,
          %parallel_loop3A_567 = vector.bitcast %parallel_loop3A_566 : vector<16xi32> to vector<32xbf16>
          %parallel_loop3A_568 = arith.mulf %parallel_loop3A_567, %pack3A_395 : vector<32xbf16>
          %parallel_loop3A_569 = arith.addf %parallel_loop3A_551, %parallel_loop3A_568 : vector<32xbf16>
          %parallel_loop3A_570 = arith.constant 16 : i32
          %parallel_loop3A_571 = arith.muli %parallel_loop3A_463, %parallel_loop3A_570 : i32
          %parallel_loop3A_572 = arith.constant 6 : i32
          %parallel_loop3A_573 = arith.index_cast %parallel_loop3A_572 : i32 to index
          %parallel_loop3A_574 = arith.index_cast %parallel_loop3A_571 : i32 to index
          %parallel_loop3A_575 = tpu.vector_load %arg9[%parallel_loop3A_573, %parallel_loop3A_574] {strides = array<i32>} : memref<16x2048xi32, #tpu.memory_space<vmem>>, vector<16xi32>,
          %parallel_loop3A_576 = vector.bitcast %parallel_loop3A_575 : vector<16xi32> to vector<32xbf16>
          %parallel_loop3A_577 = arith.mulf %parallel_loop3A_576, %pack3A_297 : vector<32xbf16>
          %parallel_loop3A_578 = arith.addf %parallel_loop3A_560, %parallel_loop3A_577 : vector<32xbf16>
          %parallel_loop3A_579 = arith.constant 16 : i32
          %parallel_loop3A_580 = arith.muli %parallel_loop3A_463, %parallel_loop3A_579 : i32
          %parallel_loop3A_581 = arith.constant 14 : i32
          %parallel_loop3A_582 = arith.index_cast %parallel_loop3A_581 : i32 to index
          %parallel_loop3A_583 = arith.index_cast %parallel_loop3A_580 : i32 to index
          %parallel_loop3A_584 = tpu.vector_load %arg9[%parallel_loop3A_582, %parallel_loop3A_583] {strides = array<i32>} : memref<16x2048xi32, #tpu.memory_space<vmem>>, vector<16xi32>,
          %parallel_loop3A_585 = vector.bitcast %parallel_loop3A_584 : vector<16xi32> to vector<32xbf16>
          %parallel_loop3A_586 = arith.mulf %parallel_loop3A_585, %pack3A_409 : vector<32xbf16>
          %parallel_loop3A_587 = arith.addf %parallel_loop3A_569, %parallel_loop3A_586 : vector<32xbf16>
          %parallel_loop3A_588 = arith.constant 16 : i32
          %parallel_loop3A_589 = arith.muli %parallel_loop3A_463, %parallel_loop3A_588 : i32
          %parallel_loop3A_590 = arith.constant 7 : i32
          %parallel_loop3A_591 = arith.index_cast %parallel_loop3A_590 : i32 to index
          %parallel_loop3A_592 = arith.index_cast %parallel_loop3A_589 : i32 to index
          %parallel_loop3A_593 = tpu.vector_load %arg9[%parallel_loop3A_591, %parallel_loop3A_592] {strides = array<i32>} : memref<16x2048xi32, #tpu.memory_space<vmem>>, vector<16xi32>,
          %parallel_loop3A_594 = vector.bitcast %parallel_loop3A_593 : vector<16xi32> to vector<32xbf16>
          %parallel_loop3A_595 = arith.mulf %parallel_loop3A_594, %pack3A_311 : vector<32xbf16>
          %parallel_loop3A_596 = arith.addf %parallel_loop3A_578, %parallel_loop3A_595 : vector<32xbf16>
          %parallel_loop3A_597 = arith.constant 16 : i32
          %parallel_loop3A_598 = arith.muli %parallel_loop3A_463, %parallel_loop3A_597 : i32
          %parallel_loop3A_599 = arith.constant 15 : i32
          %parallel_loop3A_600 = arith.index_cast %parallel_loop3A_599 : i32 to index
          %parallel_loop3A_601 = arith.index_cast %parallel_loop3A_598 : i32 to index
          %parallel_loop3A_602 = tpu.vector_load %arg9[%parallel_loop3A_600, %parallel_loop3A_601] {strides = array<i32>} : memref<16x2048xi32, #tpu.memory_space<vmem>>, vector<16xi32>,
          %parallel_loop3A_603 = vector.bitcast %parallel_loop3A_602 : vector<16xi32> to vector<32xbf16>
          %parallel_loop3A_604 = arith.mulf %parallel_loop3A_603, %pack3A_423 : vector<32xbf16>
          %parallel_loop3A_605 = arith.addf %parallel_loop3A_587, %parallel_loop3A_604 : vector<32xbf16>
          %parallel_loop3A_606 = tpu.unpack_subelements %parallel_loop3A_596, 0 {pack_format = #tpu.pack_format<interleaved>} : vector<32xbf16> -> vector<16xf32>
          %parallel_loop3A_607 = tpu.unpack_subelements %parallel_loop3A_596, 1 {pack_format = #tpu.pack_format<interleaved>} : vector<32xbf16> -> vector<16xf32>
          %parallel_loop3A_608 = tpu.unpack_subelements %parallel_loop3A_605, 0 {pack_format = #tpu.pack_format<interleaved>} : vector<32xbf16> -> vector<16xf32>
          %parallel_loop3A_609 = tpu.unpack_subelements %parallel_loop3A_605, 1 {pack_format = #tpu.pack_format<interleaved>} : vector<32xbf16> -> vector<16xf32>
          %parallel_loop3A_610 = arith.addf %parallel_loop3A_606, %parallel_loop3A_607 : vector<16xf32>
          %parallel_loop3A_611 = arith.addf %parallel_loop3A_608, %parallel_loop3A_609 : vector<16xf32>
          %parallel_loop3A_612 = tpu.pack_subelements %parallel_loop3A_610, %parallel_loop3A_611 {pack_format = #tpu.pack_format<interleaved>, positions = array<i32: 0, 1>} : vector<16xf32>, vector<16xf32> -> vector<32xbf16>
          %parallel_loop3A_613 = vector.bitcast %parallel_loop3A_612 : vector<32xbf16> to vector<16xi32>
          %parallel_loop3A_614 = arith.constant 16 : i32
          %parallel_loop3A_615 = arith.muli %parallel_loop3A_463, %parallel_loop3A_614 : i32
          %parallel_loop3A_616 = arith.index_cast %select_n3A_173 : i32 to index
          %parallel_loop3A_617 = arith.index_cast %select_n3A_439 : i32 to index
          %parallel_loop3A_618 = arith.index_cast %parallel_loop3A_615 : i32 to index
          %parallel_loop3A_619 = tpu.vector_load %arg12[%parallel_loop3A_616, %parallel_loop3A_617, %parallel_loop3A_618] {strides = array<i32>} : memref<2x2x2048xi32, #tpu.memory_space<vmem>>, vector<16xi32>,
          tpu.vector_store %arg12[%parallel_loop3A_616, %parallel_loop3A_617, %parallel_loop3A_618], %parallel_loop3A_613 {strides = array<i32>} : memref<2x2x2048xi32, #tpu.memory_space<vmem>>, vector<16xi32>,
        } {sc.loop_unroll_factor = 2 : i64, sc.parallel_access}
        %jit3A_442 = arith.constant 2 : i32
        %eq3A_443 = arith.constant 0 : i32
        %eq3A_444 = arith.cmpi eq, %jit3A_442, %eq3A_443 : i32
        %jit3A_445 = arith.constant 1 : i32
        %select_n3A_446 = arith.select %eq3A_444, %jit3A_445, %jit3A_442 : i32
        %rem3A_447 = arith.remsi %scan3A_66, %select_n3A_446 : i32
        %ne3A_448 = arith.constant 0 : i32
        %ne3A_449 = arith.cmpi ne, %rem3A_447, %ne3A_448 : i32
        %lt3A_450 = arith.constant 0 : i32
        %lt3A_451 = arith.cmpi slt, %rem3A_447, %lt3A_450 : i32
        %lt3A_452 = arith.constant 0 : i32
        %lt3A_453 = arith.cmpi slt, %select_n3A_446, %lt3A_452 : i32
        %ne3A_454 = arith.xori %lt3A_451, %lt3A_453 : i1
        %and3A_455 = arith.andi %ne3A_454, %ne3A_449 : i1
        %add3A_456 = arith.addi %rem3A_447, %select_n3A_446 : i32
        %select_n3A_457 = arith.select %and3A_455, %add3A_456, %rem3A_447 : i32
        %eq3A_458 = arith.constant 1 : i32
        %eq3A_459 = arith.cmpi eq, %select_n3A_457, %eq3A_458 : i32
        %convert_element_type3A_460 = arith.extui %eq3A_459 : i1 to i32
        %cond3A_461 = arith.constant 0 : i32
        %cond3A_462 = arith.cmpi ne, %convert_element_type3A_460, %cond3A_461 : i32
        scf.if %cond3A_462 {
          %mul3A_463 = arith.constant 2 : i32
          %mul3A_464 = arith.muli %select_n3A_157, %mul3A_463 : i32
          %add3A_465 = arith.addi %mul3A_4, %mul3A_464 : i32
          %dma_start3A_466 = arith.constant 0 : i32
          %dma_start3A_467 = arith.constant 0 : i32
          %dma_start3A_468 = tpu.memref_slice %arg12[%select_n3A_173, %dma_start3A_466, %dma_start3A_467] : memref<2x2x2048xi32, #tpu.memory_space<vmem>> -> memref<1x2x2048xi32, #tpu.memory_space<vmem>>
          %dma_start3A_469 = tpu.memref_squeeze %dma_start3A_468 : memref<1x2x2048xi32, #tpu.memory_space<vmem>> -> memref<2x2048xi32, #tpu.memory_space<vmem>>
          %dma_start3A_470 = tpu.memref_bitcast %arg5 : memref<8192x2048xbf16, #tpu.memory_space<hbm>> -> memref<4096x2048xi32, #tpu.memory_space<hbm>>
          %dma_start3A_471 = arith.constant 0 : i32
          %dma_start3A_472 = tpu.memref_slice %dma_start3A_470[%add3A_465, %dma_start3A_471] : memref<4096x2048xi32, #tpu.memory_space<hbm>> -> memref<2x2048xi32, #tpu.memory_space<hbm>>
          %dma_start3A_473 = tpu.memref_bitcast %arg5 : memref<8192x2048xbf16, #tpu.memory_space<hbm>> -> memref<4096x2048xi32, #tpu.memory_space<hbm>>
          %dma_start3A_474 = arith.constant 0 : i32
          %dma_start3A_475 = tpu.memref_slice %dma_start3A_473[%add3A_465, %dma_start3A_474] : memref<4096x2048xi32, #tpu.memory_space<hbm>> -> memref<2x2048xi32, #tpu.memory_space<hbm>>
          %dma_start3A_476 = arith.constant 0 : i32
          %dma_start3A_477 = arith.constant 0 : i32
          %dma_start3A_478 = tpu.memref_slice %arg12[%select_n3A_173, %dma_start3A_476, %dma_start3A_477] : memref<2x2x2048xi32, #tpu.memory_space<vmem>> -> memref<1x2x2048xi32, #tpu.memory_space<vmem>>
          %dma_start3A_479 = tpu.memref_squeeze %dma_start3A_478 : memref<1x2x2048xi32, #tpu.memory_space<vmem>> -> memref<2x2048xi32, #tpu.memory_space<vmem>>
          tpu.enqueue_dma source(%dma_start3A_479 : memref<2x2048xi32, #tpu.memory_space<vmem>>) target(%dma_start3A_475 : memref<2x2048xi32, #tpu.memory_space<hbm>>) target_semaphore(%arg16 : memref<!tpu.dma_semaphore, #tpu.memory_space<semaphore_mem>>)
        } else {
        }
      } else {
      }
      %jit3A_80 = arith.constant 3 : i32
      %eq3A_81 = arith.constant 0 : i32
      %eq3A_82 = arith.cmpi eq, %jit3A_80, %eq3A_81 : i32
      %jit3A_83 = arith.constant 1 : i32
      %select_n3A_84 = arith.select %eq3A_82, %jit3A_83, %jit3A_80 : i32
      %rem3A_85 = arith.remsi %scan3A_66, %select_n3A_84 : i32
      %ne3A_86 = arith.constant 0 : i32
      %ne3A_87 = arith.cmpi ne, %rem3A_85, %ne3A_86 : i32
      %lt3A_88 = arith.constant 0 : i32
      %lt3A_89 = arith.cmpi slt, %rem3A_85, %lt3A_88 : i32
      %lt3A_90 = arith.constant 0 : i32
      %lt3A_91 = arith.cmpi slt, %select_n3A_84, %lt3A_90 : i32
      %ne3A_92 = arith.xori %lt3A_89, %lt3A_91 : i1
      %and3A_93 = arith.andi %ne3A_92, %ne3A_87 : i1
      %add3A_94 = arith.addi %rem3A_85, %select_n3A_84 : i32
      %select_n3A_95 = arith.select %and3A_93, %add3A_94, %rem3A_85 : i32
      %eq3A_96 = arith.constant 1 : i32
      %eq3A_97 = arith.cmpi eq, %select_n3A_95, %eq3A_96 : i32
      %convert_element_type3A_98 = arith.extui %eq3A_97 : i1 to i32
      %cond3A_99 = arith.constant 0 : i32
      %cond3A_100 = arith.cmpi ne, %convert_element_type3A_98, %cond3A_99 : i32
      scf.if %cond3A_100 {
        %mul3A_123 = arith.constant 16 : i32
        %mul3A_124 = arith.muli %scan3A_66, %mul3A_123 : i32
        %dma_wait3A_125 = tpu.memref_slice %arg7[%mul3A_124] : memref<2048xi32, #tpu.memory_space<vmem>> -> memref<16xi32, #tpu.memory_space<vmem>>
        %dma_wait3A_126 = tpu.memref_bitcast %arg2 : memref<65536x2048xbf16, #tpu.memory_space<hbm>> -> memref<32768x2048xi32, #tpu.memory_space<hbm>>
        %dma_wait3A_127 = arith.constant 0 : i32
        %dma_wait3A_128 = arith.constant 0 : i32
        %dma_wait3A_129 = tpu.memref_slice %dma_wait3A_126[%dma_wait3A_127, %dma_wait3A_128] : memref<32768x2048xi32, #tpu.memory_space<hbm>> -> memref<32768x2048xi32, #tpu.memory_space<hbm>>
        tpu.wait_indirect_dma semaphore(%arg14 : memref<!tpu.dma_semaphore, #tpu.memory_space<semaphore_mem>>) src(%dma_wait3A_129 : memref<32768x2048xi32, #tpu.memory_space<hbm>>) dst(%arg10 : memref<16x2048xi32, #tpu.memory_space<vmem>>)
        %add3A_130 = arith.constant 2 : i32
        %add3A_131 = arith.addi %scan3A_66, %add3A_130 : i32
        %lt3A_132 = arith.constant 128 : i32
        %lt3A_133 = arith.cmpi slt, %add3A_131, %lt3A_132 : i32
        %convert_element_type3A_134 = arith.extui %lt3A_133 : i1 to i32
        %cond3A_135 = arith.constant 0 : i32
        %cond3A_136 = arith.cmpi ne, %convert_element_type3A_134, %cond3A_135 : i32
        scf.if %cond3A_136 {
          %add3A_463 = arith.constant 2 : i32
          %add3A_464 = arith.addi %scan3A_66, %add3A_463 : i32
          %mul3A_465 = arith.constant 16 : i32
          %mul3A_466 = arith.muli %add3A_464, %mul3A_465 : i32
          %dma_start3A_467 = tpu.memref_slice %arg7[%mul3A_466] : memref<2048xi32, #tpu.memory_space<vmem>> -> memref<16xi32, #tpu.memory_space<vmem>>
          %dma_start3A_468 = tpu.memref_bitcast %arg2 : memref<65536x2048xbf16, #tpu.memory_space<hbm>> -> memref<32768x2048xi32, #tpu.memory_space<hbm>>
          %dma_start3A_469 = arith.constant 0 : i32
          %dma_start3A_470 = arith.constant 0 : i32
          %dma_start3A_471 = tpu.memref_slice %dma_start3A_468[%dma_start3A_469, %dma_start3A_470] : memref<32768x2048xi32, #tpu.memory_space<hbm>> -> memref<32768x2048xi32, #tpu.memory_space<hbm>>
          tpu.enqueue_indirect_dma source(%dma_start3A_471 : memref<32768x2048xi32, #tpu.memory_space<hbm>>) target(%arg9 : memref<16x2048xi32, #tpu.memory_space<vmem>>) offsets(%dma_start3A_467 : memref<16xi32, #tpu.memory_space<vmem>>) semaphore(%arg13 : memref<!tpu.dma_semaphore, #tpu.memory_space<semaphore_mem>>)
        } else {
        }
        %jit3A_137 = arith.constant 2 : i32
        %div3A = arith.divsi %scan3A_66, %jit3A_137 : i32
        %sign3A = arith.constant 0 : i32
        %sign3A_138 = arith.cmpi sgt, %scan3A_66, %sign3A : i32
        %sign3A_139 = arith.extui %sign3A_138 : i1 to i32
        %sign3A_140 = arith.constant 0 : i32
        %sign3A_141 = arith.cmpi slt, %scan3A_66, %sign3A_140 : i32
        %sign3A_142 = arith.extui %sign3A_141 : i1 to i32
        %sign3A_143 = arith.subi %sign3A_139, %sign3A_142 : i32
        %sign3A_144 = arith.constant 0 : i32
        %sign3A_145 = arith.cmpi sgt, %jit3A_137, %sign3A_144 : i32
        %sign3A_146 = arith.extui %sign3A_145 : i1 to i32
        %sign3A_147 = arith.constant 0 : i32
        %sign3A_148 = arith.cmpi slt, %jit3A_137, %sign3A_147 : i32
        %sign3A_149 = arith.extui %sign3A_148 : i1 to i32
        %sign3A_150 = arith.subi %sign3A_146, %sign3A_149 : i32
        %ne3A_151 = arith.cmpi ne, %sign3A_143, %sign3A_150 : i32
        %rem3A_152 = arith.remsi %scan3A_66, %jit3A_137 : i32
        %ne3A_153 = arith.constant 0 : i32
        %ne3A_154 = arith.cmpi ne, %rem3A_152, %ne3A_153 : i32
        %and3A_155 = arith.andi %ne3A_151, %ne3A_154 : i1
        %sub3A = arith.constant 1 : i32
        %sub3A_156 = arith.subi %div3A, %sub3A : i32
        %select_n3A_157 = arith.select %and3A_155, %sub3A_156, %div3A : i32
        %jit3A_158 = arith.constant 2 : i32
        %eq3A_159 = arith.constant 0 : i32
        %eq3A_160 = arith.cmpi eq, %jit3A_158, %eq3A_159 : i32
        %jit3A_161 = arith.constant 1 : i32
        %select_n3A_162 = arith.select %eq3A_160, %jit3A_161, %jit3A_158 : i32
        %rem3A_163 = arith.remsi %select_n3A_157, %select_n3A_162 : i32
        %ne3A_164 = arith.constant 0 : i32
        %ne3A_165 = arith.cmpi ne, %rem3A_163, %ne3A_164 : i32
        %lt3A_166 = arith.constant 0 : i32
        %lt3A_167 = arith.cmpi slt, %rem3A_163, %lt3A_166 : i32
        %lt3A_168 = arith.constant 0 : i32
        %lt3A_169 = arith.cmpi slt, %select_n3A_162, %lt3A_168 : i32
        %ne3A_170 = arith.xori %lt3A_167, %lt3A_169 : i1
        %and3A_171 = arith.andi %ne3A_170, %ne3A_165 : i1
        %add3A_172 = arith.addi %rem3A_163, %select_n3A_162 : i32
        %select_n3A_173 = arith.select %and3A_171, %add3A_172, %rem3A_163 : i32
        %jit3A_174 = arith.constant 2 : i32
        %eq3A_175 = arith.constant 0 : i32
        %eq3A_176 = arith.cmpi eq, %jit3A_174, %eq3A_175 : i32
        %jit3A_177 = arith.constant 1 : i32
        %select_n3A_178 = arith.select %eq3A_176, %jit3A_177, %jit3A_174 : i32
        %rem3A_179 = arith.remsi %scan3A_66, %select_n3A_178 : i32
        %ne3A_180 = arith.constant 0 : i32
        %ne3A_181 = arith.cmpi ne, %rem3A_179, %ne3A_180 : i32
        %lt3A_182 = arith.constant 0 : i32
        %lt3A_183 = arith.cmpi slt, %rem3A_179, %lt3A_182 : i32
        %lt3A_184 = arith.constant 0 : i32
        %lt3A_185 = arith.cmpi slt, %select_n3A_178, %lt3A_184 : i32
        %ne3A_186 = arith.xori %lt3A_183, %lt3A_185 : i1
        %and3A_187 = arith.andi %ne3A_186, %ne3A_181 : i1
        %add3A_188 = arith.addi %rem3A_179, %select_n3A_178 : i32
        %select_n3A_189 = arith.select %and3A_187, %add3A_188, %rem3A_179 : i32
        %eq3A_190 = arith.constant 0 : i32
        %eq3A_191 = arith.cmpi eq, %select_n3A_189, %eq3A_190 : i32
        %ge3A = arith.constant 2 : i32
        %ge3A_192 = arith.cmpi sge, %select_n3A_157, %ge3A : i32
        %and3A_193 = arith.andi %eq3A_191, %ge3A_192 : i1
        %convert_element_type3A_194 = arith.extui %and3A_193 : i1 to i32
        %cond3A_195 = arith.constant 0 : i32
        %cond3A_196 = arith.cmpi ne, %convert_element_type3A_194, %cond3A_195 : i32
        scf.if %cond3A_196 {
          %sub3A_463 = arith.constant 2 : i32
          %sub3A_464 = arith.subi %select_n3A_157, %sub3A_463 : i32
          %mul3A_465 = arith.constant 2 : i32
          %mul3A_466 = arith.muli %sub3A_464, %mul3A_465 : i32
          %add3A_467 = arith.addi %mul3A_4, %mul3A_466 : i32
          %dma_wait3A_468 = arith.constant 0 : i32
          %dma_wait3A_469 = arith.constant 0 : i32
          %dma_wait3A_470 = tpu.memref_slice %arg12[%select_n3A_173, %dma_wait3A_468, %dma_wait3A_469] : memref<2x2x2048xi32, #tpu.memory_space<vmem>> -> memref<1x2x2048xi32, #tpu.memory_space<vmem>>
          %dma_wait3A_471 = tpu.memref_squeeze %dma_wait3A_470 : memref<1x2x2048xi32, #tpu.memory_space<vmem>> -> memref<2x2048xi32, #tpu.memory_space<vmem>>
          %dma_wait3A_472 = tpu.memref_bitcast %arg5 : memref<8192x2048xbf16, #tpu.memory_space<hbm>> -> memref<4096x2048xi32, #tpu.memory_space<hbm>>
          %dma_wait3A_473 = arith.constant 0 : i32
          %dma_wait3A_474 = tpu.memref_slice %dma_wait3A_472[%add3A_467, %dma_wait3A_473] : memref<4096x2048xi32, #tpu.memory_space<hbm>> -> memref<2x2048xi32, #tpu.memory_space<hbm>>
          %dma_wait3A_475 = tpu.memref_bitcast %arg5 : memref<8192x2048xbf16, #tpu.memory_space<hbm>> -> memref<4096x2048xi32, #tpu.memory_space<hbm>>
          %dma_wait3A_476 = arith.constant 0 : i32
          %dma_wait3A_477 = tpu.memref_slice %dma_wait3A_475[%add3A_467, %dma_wait3A_476] : memref<4096x2048xi32, #tpu.memory_space<hbm>> -> memref<2x2048xi32, #tpu.memory_space<hbm>>
          %dma_wait3A_478 = arith.constant 0 : i32
          %dma_wait3A_479 = arith.constant 0 : i32
          %dma_wait3A_480 = tpu.memref_slice %arg12[%select_n3A_173, %dma_wait3A_478, %dma_wait3A_479] : memref<2x2x2048xi32, #tpu.memory_space<vmem>> -> memref<1x2x2048xi32, #tpu.memory_space<vmem>>
          %dma_wait3A_481 = tpu.memref_squeeze %dma_wait3A_480 : memref<1x2x2048xi32, #tpu.memory_space<vmem>> -> memref<2x2048xi32, #tpu.memory_space<vmem>>
          tpu.wait_dma2 semaphore(%arg16 : memref<!tpu.dma_semaphore, #tpu.memory_space<semaphore_mem>>) src(%dma_wait3A_481 : memref<2x2048xi32, #tpu.memory_space<vmem>>) dst(%dma_wait3A_477 : memref<2x2048xi32, #tpu.memory_space<hbm>>)
        } else {
        }
        %mul3A_197 = arith.constant 16 : i32
        %mul3A_198 = arith.muli %scan3A_66, %mul3A_197 : i32
        %get3A = arith.index_cast %mul3A_198 : i32 to index
        %get3A_199 = tpu.vector_load %arg6[%get3A] {strides = array<i32>} : memref<2048xi32, #tpu.memory_space<vmem>>, vector<16xi32>,
        %mul3A_200 = arith.constant 16 : i32
        %mul3A_201 = arith.muli %scan3A_66, %mul3A_200 : i32
        %get3A_202 = arith.index_cast %mul3A_201 : i32 to index
        %get3A_203 = tpu.vector_load %arg8[%get3A_202] {strides = array<i32>} : memref<2048xf32, #tpu.memory_space<vmem>>, vector<16xf32>,
        %slice3A = vector.extract_strided_slice %get3A_199 {offsets = [0], sizes = [1], strides = [1]} : vector<16xi32> to vector<1xi32>
        %squeeze3A = vector.extract %slice3A[0] : i32 from vector<1xi32>
        %and3A_204 = arith.constant 1 : i32
        %and3A_205 = arith.andi %squeeze3A, %and3A_204 : i32
        %convert_element_type3A_206 = arith.sitofp %and3A_205 : i32 to f32
        %slice3A_207 = vector.extract_strided_slice %get3A_203 {offsets = [0], sizes = [1], strides = [1]} : vector<16xf32> to vector<1xf32>
        %squeeze3A_208 = vector.extract %slice3A_207[0] : f32 from vector<1xf32>
        %mul3A_209 = arith.mulf %squeeze3A_208, %convert_element_type3A_206 : f32
        %slice3A_210 = vector.extract_strided_slice %get3A_203 {offsets = [0], sizes = [1], strides = [1]} : vector<16xf32> to vector<1xf32>
        %squeeze3A_211 = vector.extract %slice3A_210[0] : f32 from vector<1xf32>
        %sub3A_212 = arith.subf %squeeze3A_211, %mul3A_209 : f32
        %broadcast_in_dim3A = vector.broadcast %sub3A_212 : f32 to vector<16xf32>
        %broadcast_in_dim3A_213 = vector.broadcast %mul3A_209 : f32 to vector<16xf32>
        %pack3A = tpu.pack_subelements %broadcast_in_dim3A, %broadcast_in_dim3A_213 {pack_format = #tpu.pack_format<interleaved>, positions = array<i32: 0, 1>} : vector<16xf32>, vector<16xf32> -> vector<32xbf16>
        %slice3A_214 = vector.extract_strided_slice %get3A_199 {offsets = [1], sizes = [1], strides = [1]} : vector<16xi32> to vector<1xi32>
        %squeeze3A_215 = vector.extract %slice3A_214[0] : i32 from vector<1xi32>
        %and3A_216 = arith.constant 1 : i32
        %and3A_217 = arith.andi %squeeze3A_215, %and3A_216 : i32
        %convert_element_type3A_218 = arith.sitofp %and3A_217 : i32 to f32
        %slice3A_219 = vector.extract_strided_slice %get3A_203 {offsets = [1], sizes = [1], strides = [1]} : vector<16xf32> to vector<1xf32>
        %squeeze3A_220 = vector.extract %slice3A_219[0] : f32 from vector<1xf32>
        %mul3A_221 = arith.mulf %squeeze3A_220, %convert_element_type3A_218 : f32
        %slice3A_222 = vector.extract_strided_slice %get3A_203 {offsets = [1], sizes = [1], strides = [1]} : vector<16xf32> to vector<1xf32>
        %squeeze3A_223 = vector.extract %slice3A_222[0] : f32 from vector<1xf32>
        %sub3A_224 = arith.subf %squeeze3A_223, %mul3A_221 : f32
        %broadcast_in_dim3A_225 = vector.broadcast %sub3A_224 : f32 to vector<16xf32>
        %broadcast_in_dim3A_226 = vector.broadcast %mul3A_221 : f32 to vector<16xf32>
        %pack3A_227 = tpu.pack_subelements %broadcast_in_dim3A_225, %broadcast_in_dim3A_226 {pack_format = #tpu.pack_format<interleaved>, positions = array<i32: 0, 1>} : vector<16xf32>, vector<16xf32> -> vector<32xbf16>
        %slice3A_228 = vector.extract_strided_slice %get3A_199 {offsets = [2], sizes = [1], strides = [1]} : vector<16xi32> to vector<1xi32>
        %squeeze3A_229 = vector.extract %slice3A_228[0] : i32 from vector<1xi32>
        %and3A_230 = arith.constant 1 : i32
        %and3A_231 = arith.andi %squeeze3A_229, %and3A_230 : i32
        %convert_element_type3A_232 = arith.sitofp %and3A_231 : i32 to f32
        %slice3A_233 = vector.extract_strided_slice %get3A_203 {offsets = [2], sizes = [1], strides = [1]} : vector<16xf32> to vector<1xf32>
        %squeeze3A_234 = vector.extract %slice3A_233[0] : f32 from vector<1xf32>
        %mul3A_235 = arith.mulf %squeeze3A_234, %convert_element_type3A_232 : f32
        %slice3A_236 = vector.extract_strided_slice %get3A_203 {offsets = [2], sizes = [1], strides = [1]} : vector<16xf32> to vector<1xf32>
        %squeeze3A_237 = vector.extract %slice3A_236[0] : f32 from vector<1xf32>
        %sub3A_238 = arith.subf %squeeze3A_237, %mul3A_235 : f32
        %broadcast_in_dim3A_239 = vector.broadcast %sub3A_238 : f32 to vector<16xf32>
        %broadcast_in_dim3A_240 = vector.broadcast %mul3A_235 : f32 to vector<16xf32>
        %pack3A_241 = tpu.pack_subelements %broadcast_in_dim3A_239, %broadcast_in_dim3A_240 {pack_format = #tpu.pack_format<interleaved>, positions = array<i32: 0, 1>} : vector<16xf32>, vector<16xf32> -> vector<32xbf16>
        %slice3A_242 = vector.extract_strided_slice %get3A_199 {offsets = [3], sizes = [1], strides = [1]} : vector<16xi32> to vector<1xi32>
        %squeeze3A_243 = vector.extract %slice3A_242[0] : i32 from vector<1xi32>
        %and3A_244 = arith.constant 1 : i32
        %and3A_245 = arith.andi %squeeze3A_243, %and3A_244 : i32
        %convert_element_type3A_246 = arith.sitofp %and3A_245 : i32 to f32
        %slice3A_247 = vector.extract_strided_slice %get3A_203 {offsets = [3], sizes = [1], strides = [1]} : vector<16xf32> to vector<1xf32>
        %squeeze3A_248 = vector.extract %slice3A_247[0] : f32 from vector<1xf32>
        %mul3A_249 = arith.mulf %squeeze3A_248, %convert_element_type3A_246 : f32
        %slice3A_250 = vector.extract_strided_slice %get3A_203 {offsets = [3], sizes = [1], strides = [1]} : vector<16xf32> to vector<1xf32>
        %squeeze3A_251 = vector.extract %slice3A_250[0] : f32 from vector<1xf32>
        %sub3A_252 = arith.subf %squeeze3A_251, %mul3A_249 : f32
        %broadcast_in_dim3A_253 = vector.broadcast %sub3A_252 : f32 to vector<16xf32>
        %broadcast_in_dim3A_254 = vector.broadcast %mul3A_249 : f32 to vector<16xf32>
        %pack3A_255 = tpu.pack_subelements %broadcast_in_dim3A_253, %broadcast_in_dim3A_254 {pack_format = #tpu.pack_format<interleaved>, positions = array<i32: 0, 1>} : vector<16xf32>, vector<16xf32> -> vector<32xbf16>
        %slice3A_256 = vector.extract_strided_slice %get3A_199 {offsets = [4], sizes = [1], strides = [1]} : vector<16xi32> to vector<1xi32>
        %squeeze3A_257 = vector.extract %slice3A_256[0] : i32 from vector<1xi32>
        %and3A_258 = arith.constant 1 : i32
        %and3A_259 = arith.andi %squeeze3A_257, %and3A_258 : i32
        %convert_element_type3A_260 = arith.sitofp %and3A_259 : i32 to f32
        %slice3A_261 = vector.extract_strided_slice %get3A_203 {offsets = [4], sizes = [1], strides = [1]} : vector<16xf32> to vector<1xf32>
        %squeeze3A_262 = vector.extract %slice3A_261[0] : f32 from vector<1xf32>
        %mul3A_263 = arith.mulf %squeeze3A_262, %convert_element_type3A_260 : f32
        %slice3A_264 = vector.extract_strided_slice %get3A_203 {offsets = [4], sizes = [1], strides = [1]} : vector<16xf32> to vector<1xf32>
        %squeeze3A_265 = vector.extract %slice3A_264[0] : f32 from vector<1xf32>
        %sub3A_266 = arith.subf %squeeze3A_265, %mul3A_263 : f32
        %broadcast_in_dim3A_267 = vector.broadcast %sub3A_266 : f32 to vector<16xf32>
        %broadcast_in_dim3A_268 = vector.broadcast %mul3A_263 : f32 to vector<16xf32>
        %pack3A_269 = tpu.pack_subelements %broadcast_in_dim3A_267, %broadcast_in_dim3A_268 {pack_format = #tpu.pack_format<interleaved>, positions = array<i32: 0, 1>} : vector<16xf32>, vector<16xf32> -> vector<32xbf16>
        %slice3A_270 = vector.extract_strided_slice %get3A_199 {offsets = [5], sizes = [1], strides = [1]} : vector<16xi32> to vector<1xi32>
        %squeeze3A_271 = vector.extract %slice3A_270[0] : i32 from vector<1xi32>
        %and3A_272 = arith.constant 1 : i32
        %and3A_273 = arith.andi %squeeze3A_271, %and3A_272 : i32
        %convert_element_type3A_274 = arith.sitofp %and3A_273 : i32 to f32
        %slice3A_275 = vector.extract_strided_slice %get3A_203 {offsets = [5], sizes = [1], strides = [1]} : vector<16xf32> to vector<1xf32>
        %squeeze3A_276 = vector.extract %slice3A_275[0] : f32 from vector<1xf32>
        %mul3A_277 = arith.mulf %squeeze3A_276, %convert_element_type3A_274 : f32
        %slice3A_278 = vector.extract_strided_slice %get3A_203 {offsets = [5], sizes = [1], strides = [1]} : vector<16xf32> to vector<1xf32>
        %squeeze3A_279 = vector.extract %slice3A_278[0] : f32 from vector<1xf32>
        %sub3A_280 = arith.subf %squeeze3A_279, %mul3A_277 : f32
        %broadcast_in_dim3A_281 = vector.broadcast %sub3A_280 : f32 to vector<16xf32>
        %broadcast_in_dim3A_282 = vector.broadcast %mul3A_277 : f32 to vector<16xf32>
        %pack3A_283 = tpu.pack_subelements %broadcast_in_dim3A_281, %broadcast_in_dim3A_282 {pack_format = #tpu.pack_format<interleaved>, positions = array<i32: 0, 1>} : vector<16xf32>, vector<16xf32> -> vector<32xbf16>
        %slice3A_284 = vector.extract_strided_slice %get3A_199 {offsets = [6], sizes = [1], strides = [1]} : vector<16xi32> to vector<1xi32>
        %squeeze3A_285 = vector.extract %slice3A_284[0] : i32 from vector<1xi32>
        %and3A_286 = arith.constant 1 : i32
        %and3A_287 = arith.andi %squeeze3A_285, %and3A_286 : i32
        %convert_element_type3A_288 = arith.sitofp %and3A_287 : i32 to f32
        %slice3A_289 = vector.extract_strided_slice %get3A_203 {offsets = [6], sizes = [1], strides = [1]} : vector<16xf32> to vector<1xf32>
        %squeeze3A_290 = vector.extract %slice3A_289[0] : f32 from vector<1xf32>
        %mul3A_291 = arith.mulf %squeeze3A_290, %convert_element_type3A_288 : f32
        %slice3A_292 = vector.extract_strided_slice %get3A_203 {offsets = [6], sizes = [1], strides = [1]} : vector<16xf32> to vector<1xf32>
        %squeeze3A_293 = vector.extract %slice3A_292[0] : f32 from vector<1xf32>
        %sub3A_294 = arith.subf %squeeze3A_293, %mul3A_291 : f32
        %broadcast_in_dim3A_295 = vector.broadcast %sub3A_294 : f32 to vector<16xf32>
        %broadcast_in_dim3A_296 = vector.broadcast %mul3A_291 : f32 to vector<16xf32>
        %pack3A_297 = tpu.pack_subelements %broadcast_in_dim3A_295, %broadcast_in_dim3A_296 {pack_format = #tpu.pack_format<interleaved>, positions = array<i32: 0, 1>} : vector<16xf32>, vector<16xf32> -> vector<32xbf16>
        %slice3A_298 = vector.extract_strided_slice %get3A_199 {offsets = [7], sizes = [1], strides = [1]} : vector<16xi32> to vector<1xi32>
        %squeeze3A_299 = vector.extract %slice3A_298[0] : i32 from vector<1xi32>
        %and3A_300 = arith.constant 1 : i32
        %and3A_301 = arith.andi %squeeze3A_299, %and3A_300 : i32
        %convert_element_type3A_302 = arith.sitofp %and3A_301 : i32 to f32
        %slice3A_303 = vector.extract_strided_slice %get3A_203 {offsets = [7], sizes = [1], strides = [1]} : vector<16xf32> to vector<1xf32>
        %squeeze3A_304 = vector.extract %slice3A_303[0] : f32 from vector<1xf32>
        %mul3A_305 = arith.mulf %squeeze3A_304, %convert_element_type3A_302 : f32
        %slice3A_306 = vector.extract_strided_slice %get3A_203 {offsets = [7], sizes = [1], strides = [1]} : vector<16xf32> to vector<1xf32>
        %squeeze3A_307 = vector.extract %slice3A_306[0] : f32 from vector<1xf32>
        %sub3A_308 = arith.subf %squeeze3A_307, %mul3A_305 : f32
        %broadcast_in_dim3A_309 = vector.broadcast %sub3A_308 : f32 to vector<16xf32>
        %broadcast_in_dim3A_310 = vector.broadcast %mul3A_305 : f32 to vector<16xf32>
        %pack3A_311 = tpu.pack_subelements %broadcast_in_dim3A_309, %broadcast_in_dim3A_310 {pack_format = #tpu.pack_format<interleaved>, positions = array<i32: 0, 1>} : vector<16xf32>, vector<16xf32> -> vector<32xbf16>
        %slice3A_312 = vector.extract_strided_slice %get3A_199 {offsets = [8], sizes = [1], strides = [1]} : vector<16xi32> to vector<1xi32>
        %squeeze3A_313 = vector.extract %slice3A_312[0] : i32 from vector<1xi32>
        %and3A_314 = arith.constant 1 : i32
        %and3A_315 = arith.andi %squeeze3A_313, %and3A_314 : i32
        %convert_element_type3A_316 = arith.sitofp %and3A_315 : i32 to f32
        %slice3A_317 = vector.extract_strided_slice %get3A_203 {offsets = [8], sizes = [1], strides = [1]} : vector<16xf32> to vector<1xf32>
        %squeeze3A_318 = vector.extract %slice3A_317[0] : f32 from vector<1xf32>
        %mul3A_319 = arith.mulf %squeeze3A_318, %convert_element_type3A_316 : f32
        %slice3A_320 = vector.extract_strided_slice %get3A_203 {offsets = [8], sizes = [1], strides = [1]} : vector<16xf32> to vector<1xf32>
        %squeeze3A_321 = vector.extract %slice3A_320[0] : f32 from vector<1xf32>
        %sub3A_322 = arith.subf %squeeze3A_321, %mul3A_319 : f32
        %broadcast_in_dim3A_323 = vector.broadcast %sub3A_322 : f32 to vector<16xf32>
        %broadcast_in_dim3A_324 = vector.broadcast %mul3A_319 : f32 to vector<16xf32>
        %pack3A_325 = tpu.pack_subelements %broadcast_in_dim3A_323, %broadcast_in_dim3A_324 {pack_format = #tpu.pack_format<interleaved>, positions = array<i32: 0, 1>} : vector<16xf32>, vector<16xf32> -> vector<32xbf16>
        %slice3A_326 = vector.extract_strided_slice %get3A_199 {offsets = [9], sizes = [1], strides = [1]} : vector<16xi32> to vector<1xi32>
        %squeeze3A_327 = vector.extract %slice3A_326[0] : i32 from vector<1xi32>
        %and3A_328 = arith.constant 1 : i32
        %and3A_329 = arith.andi %squeeze3A_327, %and3A_328 : i32
        %convert_element_type3A_330 = arith.sitofp %and3A_329 : i32 to f32
        %slice3A_331 = vector.extract_strided_slice %get3A_203 {offsets = [9], sizes = [1], strides = [1]} : vector<16xf32> to vector<1xf32>
        %squeeze3A_332 = vector.extract %slice3A_331[0] : f32 from vector<1xf32>
        %mul3A_333 = arith.mulf %squeeze3A_332, %convert_element_type3A_330 : f32
        %slice3A_334 = vector.extract_strided_slice %get3A_203 {offsets = [9], sizes = [1], strides = [1]} : vector<16xf32> to vector<1xf32>
        %squeeze3A_335 = vector.extract %slice3A_334[0] : f32 from vector<1xf32>
        %sub3A_336 = arith.subf %squeeze3A_335, %mul3A_333 : f32
        %broadcast_in_dim3A_337 = vector.broadcast %sub3A_336 : f32 to vector<16xf32>
        %broadcast_in_dim3A_338 = vector.broadcast %mul3A_333 : f32 to vector<16xf32>
        %pack3A_339 = tpu.pack_subelements %broadcast_in_dim3A_337, %broadcast_in_dim3A_338 {pack_format = #tpu.pack_format<interleaved>, positions = array<i32: 0, 1>} : vector<16xf32>, vector<16xf32> -> vector<32xbf16>
        %slice3A_340 = vector.extract_strided_slice %get3A_199 {offsets = [10], sizes = [1], strides = [1]} : vector<16xi32> to vector<1xi32>
        %squeeze3A_341 = vector.extract %slice3A_340[0] : i32 from vector<1xi32>
        %and3A_342 = arith.constant 1 : i32
        %and3A_343 = arith.andi %squeeze3A_341, %and3A_342 : i32
        %convert_element_type3A_344 = arith.sitofp %and3A_343 : i32 to f32
        %slice3A_345 = vector.extract_strided_slice %get3A_203 {offsets = [10], sizes = [1], strides = [1]} : vector<16xf32> to vector<1xf32>
        %squeeze3A_346 = vector.extract %slice3A_345[0] : f32 from vector<1xf32>
        %mul3A_347 = arith.mulf %squeeze3A_346, %convert_element_type3A_344 : f32
        %slice3A_348 = vector.extract_strided_slice %get3A_203 {offsets = [10], sizes = [1], strides = [1]} : vector<16xf32> to vector<1xf32>
        %squeeze3A_349 = vector.extract %slice3A_348[0] : f32 from vector<1xf32>
        %sub3A_350 = arith.subf %squeeze3A_349, %mul3A_347 : f32
        %broadcast_in_dim3A_351 = vector.broadcast %sub3A_350 : f32 to vector<16xf32>
        %broadcast_in_dim3A_352 = vector.broadcast %mul3A_347 : f32 to vector<16xf32>
        %pack3A_353 = tpu.pack_subelements %broadcast_in_dim3A_351, %broadcast_in_dim3A_352 {pack_format = #tpu.pack_format<interleaved>, positions = array<i32: 0, 1>} : vector<16xf32>, vector<16xf32> -> vector<32xbf16>
        %slice3A_354 = vector.extract_strided_slice %get3A_199 {offsets = [11], sizes = [1], strides = [1]} : vector<16xi32> to vector<1xi32>
        %squeeze3A_355 = vector.extract %slice3A_354[0] : i32 from vector<1xi32>
        %and3A_356 = arith.constant 1 : i32
        %and3A_357 = arith.andi %squeeze3A_355, %and3A_356 : i32
        %convert_element_type3A_358 = arith.sitofp %and3A_357 : i32 to f32
        %slice3A_359 = vector.extract_strided_slice %get3A_203 {offsets = [11], sizes = [1], strides = [1]} : vector<16xf32> to vector<1xf32>
        %squeeze3A_360 = vector.extract %slice3A_359[0] : f32 from vector<1xf32>
        %mul3A_361 = arith.mulf %squeeze3A_360, %convert_element_type3A_358 : f32
        %slice3A_362 = vector.extract_strided_slice %get3A_203 {offsets = [11], sizes = [1], strides = [1]} : vector<16xf32> to vector<1xf32>
        %squeeze3A_363 = vector.extract %slice3A_362[0] : f32 from vector<1xf32>
        %sub3A_364 = arith.subf %squeeze3A_363, %mul3A_361 : f32
        %broadcast_in_dim3A_365 = vector.broadcast %sub3A_364 : f32 to vector<16xf32>
        %broadcast_in_dim3A_366 = vector.broadcast %mul3A_361 : f32 to vector<16xf32>
        %pack3A_367 = tpu.pack_subelements %broadcast_in_dim3A_365, %broadcast_in_dim3A_366 {pack_format = #tpu.pack_format<interleaved>, positions = array<i32: 0, 1>} : vector<16xf32>, vector<16xf32> -> vector<32xbf16>
        %slice3A_368 = vector.extract_strided_slice %get3A_199 {offsets = [12], sizes = [1], strides = [1]} : vector<16xi32> to vector<1xi32>
        %squeeze3A_369 = vector.extract %slice3A_368[0] : i32 from vector<1xi32>
        %and3A_370 = arith.constant 1 : i32
        %and3A_371 = arith.andi %squeeze3A_369, %and3A_370 : i32
        %convert_element_type3A_372 = arith.sitofp %and3A_371 : i32 to f32
        %slice3A_373 = vector.extract_strided_slice %get3A_203 {offsets = [12], sizes = [1], strides = [1]} : vector<16xf32> to vector<1xf32>
        %squeeze3A_374 = vector.extract %slice3A_373[0] : f32 from vector<1xf32>
        %mul3A_375 = arith.mulf %squeeze3A_374, %convert_element_type3A_372 : f32
        %slice3A_376 = vector.extract_strided_slice %get3A_203 {offsets = [12], sizes = [1], strides = [1]} : vector<16xf32> to vector<1xf32>
        %squeeze3A_377 = vector.extract %slice3A_376[0] : f32 from vector<1xf32>
        %sub3A_378 = arith.subf %squeeze3A_377, %mul3A_375 : f32
        %broadcast_in_dim3A_379 = vector.broadcast %sub3A_378 : f32 to vector<16xf32>
        %broadcast_in_dim3A_380 = vector.broadcast %mul3A_375 : f32 to vector<16xf32>
        %pack3A_381 = tpu.pack_subelements %broadcast_in_dim3A_379, %broadcast_in_dim3A_380 {pack_format = #tpu.pack_format<interleaved>, positions = array<i32: 0, 1>} : vector<16xf32>, vector<16xf32> -> vector<32xbf16>
        %slice3A_382 = vector.extract_strided_slice %get3A_199 {offsets = [13], sizes = [1], strides = [1]} : vector<16xi32> to vector<1xi32>
        %squeeze3A_383 = vector.extract %slice3A_382[0] : i32 from vector<1xi32>
        %and3A_384 = arith.constant 1 : i32
        %and3A_385 = arith.andi %squeeze3A_383, %and3A_384 : i32
        %convert_element_type3A_386 = arith.sitofp %and3A_385 : i32 to f32
        %slice3A_387 = vector.extract_strided_slice %get3A_203 {offsets = [13], sizes = [1], strides = [1]} : vector<16xf32> to vector<1xf32>
        %squeeze3A_388 = vector.extract %slice3A_387[0] : f32 from vector<1xf32>
        %mul3A_389 = arith.mulf %squeeze3A_388, %convert_element_type3A_386 : f32
        %slice3A_390 = vector.extract_strided_slice %get3A_203 {offsets = [13], sizes = [1], strides = [1]} : vector<16xf32> to vector<1xf32>
        %squeeze3A_391 = vector.extract %slice3A_390[0] : f32 from vector<1xf32>
        %sub3A_392 = arith.subf %squeeze3A_391, %mul3A_389 : f32
        %broadcast_in_dim3A_393 = vector.broadcast %sub3A_392 : f32 to vector<16xf32>
        %broadcast_in_dim3A_394 = vector.broadcast %mul3A_389 : f32 to vector<16xf32>
        %pack3A_395 = tpu.pack_subelements %broadcast_in_dim3A_393, %broadcast_in_dim3A_394 {pack_format = #tpu.pack_format<interleaved>, positions = array<i32: 0, 1>} : vector<16xf32>, vector<16xf32> -> vector<32xbf16>
        %slice3A_396 = vector.extract_strided_slice %get3A_199 {offsets = [14], sizes = [1], strides = [1]} : vector<16xi32> to vector<1xi32>
        %squeeze3A_397 = vector.extract %slice3A_396[0] : i32 from vector<1xi32>
        %and3A_398 = arith.constant 1 : i32
        %and3A_399 = arith.andi %squeeze3A_397, %and3A_398 : i32
        %convert_element_type3A_400 = arith.sitofp %and3A_399 : i32 to f32
        %slice3A_401 = vector.extract_strided_slice %get3A_203 {offsets = [14], sizes = [1], strides = [1]} : vector<16xf32> to vector<1xf32>
        %squeeze3A_402 = vector.extract %slice3A_401[0] : f32 from vector<1xf32>
        %mul3A_403 = arith.mulf %squeeze3A_402, %convert_element_type3A_400 : f32
        %slice3A_404 = vector.extract_strided_slice %get3A_203 {offsets = [14], sizes = [1], strides = [1]} : vector<16xf32> to vector<1xf32>
        %squeeze3A_405 = vector.extract %slice3A_404[0] : f32 from vector<1xf32>
        %sub3A_406 = arith.subf %squeeze3A_405, %mul3A_403 : f32
        %broadcast_in_dim3A_407 = vector.broadcast %sub3A_406 : f32 to vector<16xf32>
        %broadcast_in_dim3A_408 = vector.broadcast %mul3A_403 : f32 to vector<16xf32>
        %pack3A_409 = tpu.pack_subelements %broadcast_in_dim3A_407, %broadcast_in_dim3A_408 {pack_format = #tpu.pack_format<interleaved>, positions = array<i32: 0, 1>} : vector<16xf32>, vector<16xf32> -> vector<32xbf16>
        %slice3A_410 = vector.extract_strided_slice %get3A_199 {offsets = [15], sizes = [1], strides = [1]} : vector<16xi32> to vector<1xi32>
        %squeeze3A_411 = vector.extract %slice3A_410[0] : i32 from vector<1xi32>
        %and3A_412 = arith.constant 1 : i32
        %and3A_413 = arith.andi %squeeze3A_411, %and3A_412 : i32
        %convert_element_type3A_414 = arith.sitofp %and3A_413 : i32 to f32
        %slice3A_415 = vector.extract_strided_slice %get3A_203 {offsets = [15], sizes = [1], strides = [1]} : vector<16xf32> to vector<1xf32>
        %squeeze3A_416 = vector.extract %slice3A_415[0] : f32 from vector<1xf32>
        %mul3A_417 = arith.mulf %squeeze3A_416, %convert_element_type3A_414 : f32
        %slice3A_418 = vector.extract_strided_slice %get3A_203 {offsets = [15], sizes = [1], strides = [1]} : vector<16xf32> to vector<1xf32>
        %squeeze3A_419 = vector.extract %slice3A_418[0] : f32 from vector<1xf32>
        %sub3A_420 = arith.subf %squeeze3A_419, %mul3A_417 : f32
        %broadcast_in_dim3A_421 = vector.broadcast %sub3A_420 : f32 to vector<16xf32>
        %broadcast_in_dim3A_422 = vector.broadcast %mul3A_417 : f32 to vector<16xf32>
        %pack3A_423 = tpu.pack_subelements %broadcast_in_dim3A_421, %broadcast_in_dim3A_422 {pack_format = #tpu.pack_format<interleaved>, positions = array<i32: 0, 1>} : vector<16xf32>, vector<16xf32> -> vector<32xbf16>
        %jit3A_424 = arith.constant 2 : i32
        %eq3A_425 = arith.constant 0 : i32
        %eq3A_426 = arith.cmpi eq, %jit3A_424, %eq3A_425 : i32
        %jit3A_427 = arith.constant 1 : i32
        %select_n3A_428 = arith.select %eq3A_426, %jit3A_427, %jit3A_424 : i32
        %rem3A_429 = arith.remsi %scan3A_66, %select_n3A_428 : i32
        %ne3A_430 = arith.constant 0 : i32
        %ne3A_431 = arith.cmpi ne, %rem3A_429, %ne3A_430 : i32
        %lt3A_432 = arith.constant 0 : i32
        %lt3A_433 = arith.cmpi slt, %rem3A_429, %lt3A_432 : i32
        %lt3A_434 = arith.constant 0 : i32
        %lt3A_435 = arith.cmpi slt, %select_n3A_428, %lt3A_434 : i32
        %ne3A_436 = arith.xori %lt3A_433, %lt3A_435 : i1
        %and3A_437 = arith.andi %ne3A_436, %ne3A_431 : i1
        %add3A_438 = arith.addi %rem3A_429, %select_n3A_428 : i32
        %select_n3A_439 = arith.select %and3A_437, %add3A_438, %rem3A_429 : i32
        %parallel_loop3A = arith.constant 0 : i32
        %parallel_loop3A_440 = arith.constant 128 : i32
        %parallel_loop3A_441 = arith.constant 1 : i32
        scf.for %parallel_loop3A_463 = %parallel_loop3A to %parallel_loop3A_440 step %parallel_loop3A_441  : i32 {
          %parallel_loop3A_464 = arith.constant 16 : i32
          %parallel_loop3A_465 = arith.muli %parallel_loop3A_463, %parallel_loop3A_464 : i32
          %parallel_loop3A_466 = arith.constant 0 : i32
          %parallel_loop3A_467 = arith.index_cast %parallel_loop3A_466 : i32 to index
          %parallel_loop3A_468 = arith.index_cast %parallel_loop3A_465 : i32 to index
          %parallel_loop3A_469 = tpu.vector_load %arg10[%parallel_loop3A_467, %parallel_loop3A_468] {strides = array<i32>} : memref<16x2048xi32, #tpu.memory_space<vmem>>, vector<16xi32>,
          %parallel_loop3A_470 = vector.bitcast %parallel_loop3A_469 : vector<16xi32> to vector<32xbf16>
          %parallel_loop3A_471 = arith.mulf %parallel_loop3A_470, %pack3A : vector<32xbf16>
          %parallel_loop3A_472 = arith.constant 16 : i32
          %parallel_loop3A_473 = arith.muli %parallel_loop3A_463, %parallel_loop3A_472 : i32
          %parallel_loop3A_474 = arith.constant 8 : i32
          %parallel_loop3A_475 = arith.index_cast %parallel_loop3A_474 : i32 to index
          %parallel_loop3A_476 = arith.index_cast %parallel_loop3A_473 : i32 to index
          %parallel_loop3A_477 = tpu.vector_load %arg10[%parallel_loop3A_475, %parallel_loop3A_476] {strides = array<i32>} : memref<16x2048xi32, #tpu.memory_space<vmem>>, vector<16xi32>,
          %parallel_loop3A_478 = vector.bitcast %parallel_loop3A_477 : vector<16xi32> to vector<32xbf16>
          %parallel_loop3A_479 = arith.mulf %parallel_loop3A_478, %pack3A_325 : vector<32xbf16>
          %parallel_loop3A_480 = arith.constant 16 : i32
          %parallel_loop3A_481 = arith.muli %parallel_loop3A_463, %parallel_loop3A_480 : i32
          %parallel_loop3A_482 = arith.constant 1 : i32
          %parallel_loop3A_483 = arith.index_cast %parallel_loop3A_482 : i32 to index
          %parallel_loop3A_484 = arith.index_cast %parallel_loop3A_481 : i32 to index
          %parallel_loop3A_485 = tpu.vector_load %arg10[%parallel_loop3A_483, %parallel_loop3A_484] {strides = array<i32>} : memref<16x2048xi32, #tpu.memory_space<vmem>>, vector<16xi32>,
          %parallel_loop3A_486 = vector.bitcast %parallel_loop3A_485 : vector<16xi32> to vector<32xbf16>
          %parallel_loop3A_487 = arith.mulf %parallel_loop3A_486, %pack3A_227 : vector<32xbf16>
          %parallel_loop3A_488 = arith.addf %parallel_loop3A_471, %parallel_loop3A_487 : vector<32xbf16>
          %parallel_loop3A_489 = arith.constant 16 : i32
          %parallel_loop3A_490 = arith.muli %parallel_loop3A_463, %parallel_loop3A_489 : i32
          %parallel_loop3A_491 = arith.constant 9 : i32
          %parallel_loop3A_492 = arith.index_cast %parallel_loop3A_491 : i32 to index
          %parallel_loop3A_493 = arith.index_cast %parallel_loop3A_490 : i32 to index
          %parallel_loop3A_494 = tpu.vector_load %arg10[%parallel_loop3A_492, %parallel_loop3A_493] {strides = array<i32>} : memref<16x2048xi32, #tpu.memory_space<vmem>>, vector<16xi32>,
          %parallel_loop3A_495 = vector.bitcast %parallel_loop3A_494 : vector<16xi32> to vector<32xbf16>
          %parallel_loop3A_496 = arith.mulf %parallel_loop3A_495, %pack3A_339 : vector<32xbf16>
          %parallel_loop3A_497 = arith.addf %parallel_loop3A_479, %parallel_loop3A_496 : vector<32xbf16>
          %parallel_loop3A_498 = arith.constant 16 : i32
          %parallel_loop3A_499 = arith.muli %parallel_loop3A_463, %parallel_loop3A_498 : i32
          %parallel_loop3A_500 = arith.constant 2 : i32
          %parallel_loop3A_501 = arith.index_cast %parallel_loop3A_500 : i32 to index
          %parallel_loop3A_502 = arith.index_cast %parallel_loop3A_499 : i32 to index
          %parallel_loop3A_503 = tpu.vector_load %arg10[%parallel_loop3A_501, %parallel_loop3A_502] {strides = array<i32>} : memref<16x2048xi32, #tpu.memory_space<vmem>>, vector<16xi32>,
          %parallel_loop3A_504 = vector.bitcast %parallel_loop3A_503 : vector<16xi32> to vector<32xbf16>
          %parallel_loop3A_505 = arith.mulf %parallel_loop3A_504, %pack3A_241 : vector<32xbf16>
          %parallel_loop3A_506 = arith.addf %parallel_loop3A_488, %parallel_loop3A_505 : vector<32xbf16>
          %parallel_loop3A_507 = arith.constant 16 : i32
          %parallel_loop3A_508 = arith.muli %parallel_loop3A_463, %parallel_loop3A_507 : i32
          %parallel_loop3A_509 = arith.constant 10 : i32
          %parallel_loop3A_510 = arith.index_cast %parallel_loop3A_509 : i32 to index
          %parallel_loop3A_511 = arith.index_cast %parallel_loop3A_508 : i32 to index
          %parallel_loop3A_512 = tpu.vector_load %arg10[%parallel_loop3A_510, %parallel_loop3A_511] {strides = array<i32>} : memref<16x2048xi32, #tpu.memory_space<vmem>>, vector<16xi32>,
          %parallel_loop3A_513 = vector.bitcast %parallel_loop3A_512 : vector<16xi32> to vector<32xbf16>
          %parallel_loop3A_514 = arith.mulf %parallel_loop3A_513, %pack3A_353 : vector<32xbf16>
          %parallel_loop3A_515 = arith.addf %parallel_loop3A_497, %parallel_loop3A_514 : vector<32xbf16>
          %parallel_loop3A_516 = arith.constant 16 : i32
          %parallel_loop3A_517 = arith.muli %parallel_loop3A_463, %parallel_loop3A_516 : i32
          %parallel_loop3A_518 = arith.constant 3 : i32
          %parallel_loop3A_519 = arith.index_cast %parallel_loop3A_518 : i32 to index
          %parallel_loop3A_520 = arith.index_cast %parallel_loop3A_517 : i32 to index
          %parallel_loop3A_521 = tpu.vector_load %arg10[%parallel_loop3A_519, %parallel_loop3A_520] {strides = array<i32>} : memref<16x2048xi32, #tpu.memory_space<vmem>>, vector<16xi32>,
          %parallel_loop3A_522 = vector.bitcast %parallel_loop3A_521 : vector<16xi32> to vector<32xbf16>
          %parallel_loop3A_523 = arith.mulf %parallel_loop3A_522, %pack3A_255 : vector<32xbf16>
          %parallel_loop3A_524 = arith.addf %parallel_loop3A_506, %parallel_loop3A_523 : vector<32xbf16>
          %parallel_loop3A_525 = arith.constant 16 : i32
          %parallel_loop3A_526 = arith.muli %parallel_loop3A_463, %parallel_loop3A_525 : i32
          %parallel_loop3A_527 = arith.constant 11 : i32
          %parallel_loop3A_528 = arith.index_cast %parallel_loop3A_527 : i32 to index
          %parallel_loop3A_529 = arith.index_cast %parallel_loop3A_526 : i32 to index
          %parallel_loop3A_530 = tpu.vector_load %arg10[%parallel_loop3A_528, %parallel_loop3A_529] {strides = array<i32>} : memref<16x2048xi32, #tpu.memory_space<vmem>>, vector<16xi32>,
          %parallel_loop3A_531 = vector.bitcast %parallel_loop3A_530 : vector<16xi32> to vector<32xbf16>
          %parallel_loop3A_532 = arith.mulf %parallel_loop3A_531, %pack3A_367 : vector<32xbf16>
          %parallel_loop3A_533 = arith.addf %parallel_loop3A_515, %parallel_loop3A_532 : vector<32xbf16>
          %parallel_loop3A_534 = arith.constant 16 : i32
          %parallel_loop3A_535 = arith.muli %parallel_loop3A_463, %parallel_loop3A_534 : i32
          %parallel_loop3A_536 = arith.constant 4 : i32
          %parallel_loop3A_537 = arith.index_cast %parallel_loop3A_536 : i32 to index
          %parallel_loop3A_538 = arith.index_cast %parallel_loop3A_535 : i32 to index
          %parallel_loop3A_539 = tpu.vector_load %arg10[%parallel_loop3A_537, %parallel_loop3A_538] {strides = array<i32>} : memref<16x2048xi32, #tpu.memory_space<vmem>>, vector<16xi32>,
          %parallel_loop3A_540 = vector.bitcast %parallel_loop3A_539 : vector<16xi32> to vector<32xbf16>
          %parallel_loop3A_541 = arith.mulf %parallel_loop3A_540, %pack3A_269 : vector<32xbf16>
          %parallel_loop3A_542 = arith.addf %parallel_loop3A_524, %parallel_loop3A_541 : vector<32xbf16>
          %parallel_loop3A_543 = arith.constant 16 : i32
          %parallel_loop3A_544 = arith.muli %parallel_loop3A_463, %parallel_loop3A_543 : i32
          %parallel_loop3A_545 = arith.constant 12 : i32
          %parallel_loop3A_546 = arith.index_cast %parallel_loop3A_545 : i32 to index
          %parallel_loop3A_547 = arith.index_cast %parallel_loop3A_544 : i32 to index
          %parallel_loop3A_548 = tpu.vector_load %arg10[%parallel_loop3A_546, %parallel_loop3A_547] {strides = array<i32>} : memref<16x2048xi32, #tpu.memory_space<vmem>>, vector<16xi32>,
          %parallel_loop3A_549 = vector.bitcast %parallel_loop3A_548 : vector<16xi32> to vector<32xbf16>
          %parallel_loop3A_550 = arith.mulf %parallel_loop3A_549, %pack3A_381 : vector<32xbf16>
          %parallel_loop3A_551 = arith.addf %parallel_loop3A_533, %parallel_loop3A_550 : vector<32xbf16>
          %parallel_loop3A_552 = arith.constant 16 : i32
          %parallel_loop3A_553 = arith.muli %parallel_loop3A_463, %parallel_loop3A_552 : i32
          %parallel_loop3A_554 = arith.constant 5 : i32
          %parallel_loop3A_555 = arith.index_cast %parallel_loop3A_554 : i32 to index
          %parallel_loop3A_556 = arith.index_cast %parallel_loop3A_553 : i32 to index
          %parallel_loop3A_557 = tpu.vector_load %arg10[%parallel_loop3A_555, %parallel_loop3A_556] {strides = array<i32>} : memref<16x2048xi32, #tpu.memory_space<vmem>>, vector<16xi32>,
          %parallel_loop3A_558 = vector.bitcast %parallel_loop3A_557 : vector<16xi32> to vector<32xbf16>
          %parallel_loop3A_559 = arith.mulf %parallel_loop3A_558, %pack3A_283 : vector<32xbf16>
          %parallel_loop3A_560 = arith.addf %parallel_loop3A_542, %parallel_loop3A_559 : vector<32xbf16>
          %parallel_loop3A_561 = arith.constant 16 : i32
          %parallel_loop3A_562 = arith.muli %parallel_loop3A_463, %parallel_loop3A_561 : i32
          %parallel_loop3A_563 = arith.constant 13 : i32
          %parallel_loop3A_564 = arith.index_cast %parallel_loop3A_563 : i32 to index
          %parallel_loop3A_565 = arith.index_cast %parallel_loop3A_562 : i32 to index
          %parallel_loop3A_566 = tpu.vector_load %arg10[%parallel_loop3A_564, %parallel_loop3A_565] {strides = array<i32>} : memref<16x2048xi32, #tpu.memory_space<vmem>>, vector<16xi32>,
          %parallel_loop3A_567 = vector.bitcast %parallel_loop3A_566 : vector<16xi32> to vector<32xbf16>
          %parallel_loop3A_568 = arith.mulf %parallel_loop3A_567, %pack3A_395 : vector<32xbf16>
          %parallel_loop3A_569 = arith.addf %parallel_loop3A_551, %parallel_loop3A_568 : vector<32xbf16>
          %parallel_loop3A_570 = arith.constant 16 : i32
          %parallel_loop3A_571 = arith.muli %parallel_loop3A_463, %parallel_loop3A_570 : i32
          %parallel_loop3A_572 = arith.constant 6 : i32
          %parallel_loop3A_573 = arith.index_cast %parallel_loop3A_572 : i32 to index
          %parallel_loop3A_574 = arith.index_cast %parallel_loop3A_571 : i32 to index
          %parallel_loop3A_575 = tpu.vector_load %arg10[%parallel_loop3A_573, %parallel_loop3A_574] {strides = array<i32>} : memref<16x2048xi32, #tpu.memory_space<vmem>>, vector<16xi32>,
          %parallel_loop3A_576 = vector.bitcast %parallel_loop3A_575 : vector<16xi32> to vector<32xbf16>
          %parallel_loop3A_577 = arith.mulf %parallel_loop3A_576, %pack3A_297 : vector<32xbf16>
          %parallel_loop3A_578 = arith.addf %parallel_loop3A_560, %parallel_loop3A_577 : vector<32xbf16>
          %parallel_loop3A_579 = arith.constant 16 : i32
          %parallel_loop3A_580 = arith.muli %parallel_loop3A_463, %parallel_loop3A_579 : i32
          %parallel_loop3A_581 = arith.constant 14 : i32
          %parallel_loop3A_582 = arith.index_cast %parallel_loop3A_581 : i32 to index
          %parallel_loop3A_583 = arith.index_cast %parallel_loop3A_580 : i32 to index
          %parallel_loop3A_584 = tpu.vector_load %arg10[%parallel_loop3A_582, %parallel_loop3A_583] {strides = array<i32>} : memref<16x2048xi32, #tpu.memory_space<vmem>>, vector<16xi32>,
          %parallel_loop3A_585 = vector.bitcast %parallel_loop3A_584 : vector<16xi32> to vector<32xbf16>
          %parallel_loop3A_586 = arith.mulf %parallel_loop3A_585, %pack3A_409 : vector<32xbf16>
          %parallel_loop3A_587 = arith.addf %parallel_loop3A_569, %parallel_loop3A_586 : vector<32xbf16>
          %parallel_loop3A_588 = arith.constant 16 : i32
          %parallel_loop3A_589 = arith.muli %parallel_loop3A_463, %parallel_loop3A_588 : i32
          %parallel_loop3A_590 = arith.constant 7 : i32
          %parallel_loop3A_591 = arith.index_cast %parallel_loop3A_590 : i32 to index
          %parallel_loop3A_592 = arith.index_cast %parallel_loop3A_589 : i32 to index
          %parallel_loop3A_593 = tpu.vector_load %arg10[%parallel_loop3A_591, %parallel_loop3A_592] {strides = array<i32>} : memref<16x2048xi32, #tpu.memory_space<vmem>>, vector<16xi32>,
          %parallel_loop3A_594 = vector.bitcast %parallel_loop3A_593 : vector<16xi32> to vector<32xbf16>
          %parallel_loop3A_595 = arith.mulf %parallel_loop3A_594, %pack3A_311 : vector<32xbf16>
          %parallel_loop3A_596 = arith.addf %parallel_loop3A_578, %parallel_loop3A_595 : vector<32xbf16>
          %parallel_loop3A_597 = arith.constant 16 : i32
          %parallel_loop3A_598 = arith.muli %parallel_loop3A_463, %parallel_loop3A_597 : i32
          %parallel_loop3A_599 = arith.constant 15 : i32
          %parallel_loop3A_600 = arith.index_cast %parallel_loop3A_599 : i32 to index
          %parallel_loop3A_601 = arith.index_cast %parallel_loop3A_598 : i32 to index
          %parallel_loop3A_602 = tpu.vector_load %arg10[%parallel_loop3A_600, %parallel_loop3A_601] {strides = array<i32>} : memref<16x2048xi32, #tpu.memory_space<vmem>>, vector<16xi32>,
          %parallel_loop3A_603 = vector.bitcast %parallel_loop3A_602 : vector<16xi32> to vector<32xbf16>
          %parallel_loop3A_604 = arith.mulf %parallel_loop3A_603, %pack3A_423 : vector<32xbf16>
          %parallel_loop3A_605 = arith.addf %parallel_loop3A_587, %parallel_loop3A_604 : vector<32xbf16>
          %parallel_loop3A_606 = tpu.unpack_subelements %parallel_loop3A_596, 0 {pack_format = #tpu.pack_format<interleaved>} : vector<32xbf16> -> vector<16xf32>
          %parallel_loop3A_607 = tpu.unpack_subelements %parallel_loop3A_596, 1 {pack_format = #tpu.pack_format<interleaved>} : vector<32xbf16> -> vector<16xf32>
          %parallel_loop3A_608 = tpu.unpack_subelements %parallel_loop3A_605, 0 {pack_format = #tpu.pack_format<interleaved>} : vector<32xbf16> -> vector<16xf32>
          %parallel_loop3A_609 = tpu.unpack_subelements %parallel_loop3A_605, 1 {pack_format = #tpu.pack_format<interleaved>} : vector<32xbf16> -> vector<16xf32>
          %parallel_loop3A_610 = arith.addf %parallel_loop3A_606, %parallel_loop3A_607 : vector<16xf32>
          %parallel_loop3A_611 = arith.addf %parallel_loop3A_608, %parallel_loop3A_609 : vector<16xf32>
          %parallel_loop3A_612 = tpu.pack_subelements %parallel_loop3A_610, %parallel_loop3A_611 {pack_format = #tpu.pack_format<interleaved>, positions = array<i32: 0, 1>} : vector<16xf32>, vector<16xf32> -> vector<32xbf16>
          %parallel_loop3A_613 = vector.bitcast %parallel_loop3A_612 : vector<32xbf16> to vector<16xi32>
          %parallel_loop3A_614 = arith.constant 16 : i32
          %parallel_loop3A_615 = arith.muli %parallel_loop3A_463, %parallel_loop3A_614 : i32
          %parallel_loop3A_616 = arith.index_cast %select_n3A_173 : i32 to index
          %parallel_loop3A_617 = arith.index_cast %select_n3A_439 : i32 to index
          %parallel_loop3A_618 = arith.index_cast %parallel_loop3A_615 : i32 to index
          %parallel_loop3A_619 = tpu.vector_load %arg12[%parallel_loop3A_616, %parallel_loop3A_617, %parallel_loop3A_618] {strides = array<i32>} : memref<2x2x2048xi32, #tpu.memory_space<vmem>>, vector<16xi32>,
          tpu.vector_store %arg12[%parallel_loop3A_616, %parallel_loop3A_617, %parallel_loop3A_618], %parallel_loop3A_613 {strides = array<i32>} : memref<2x2x2048xi32, #tpu.memory_space<vmem>>, vector<16xi32>,
        } {sc.loop_unroll_factor = 2 : i64, sc.parallel_access}
        %jit3A_442 = arith.constant 2 : i32
        %eq3A_443 = arith.constant 0 : i32
        %eq3A_444 = arith.cmpi eq, %jit3A_442, %eq3A_443 : i32
        %jit3A_445 = arith.constant 1 : i32
        %select_n3A_446 = arith.select %eq3A_444, %jit3A_445, %jit3A_442 : i32
        %rem3A_447 = arith.remsi %scan3A_66, %select_n3A_446 : i32
        %ne3A_448 = arith.constant 0 : i32
        %ne3A_449 = arith.cmpi ne, %rem3A_447, %ne3A_448 : i32
        %lt3A_450 = arith.constant 0 : i32
        %lt3A_451 = arith.cmpi slt, %rem3A_447, %lt3A_450 : i32
        %lt3A_452 = arith.constant 0 : i32
        %lt3A_453 = arith.cmpi slt, %select_n3A_446, %lt3A_452 : i32
        %ne3A_454 = arith.xori %lt3A_451, %lt3A_453 : i1
        %and3A_455 = arith.andi %ne3A_454, %ne3A_449 : i1
        %add3A_456 = arith.addi %rem3A_447, %select_n3A_446 : i32
        %select_n3A_457 = arith.select %and3A_455, %add3A_456, %rem3A_447 : i32
        %eq3A_458 = arith.constant 1 : i32
        %eq3A_459 = arith.cmpi eq, %select_n3A_457, %eq3A_458 : i32
        %convert_element_type3A_460 = arith.extui %eq3A_459 : i1 to i32
        %cond3A_461 = arith.constant 0 : i32
        %cond3A_462 = arith.cmpi ne, %convert_element_type3A_460, %cond3A_461 : i32
        scf.if %cond3A_462 {
          %mul3A_463 = arith.constant 2 : i32
          %mul3A_464 = arith.muli %select_n3A_157, %mul3A_463 : i32
          %add3A_465 = arith.addi %mul3A_4, %mul3A_464 : i32
          %dma_start3A_466 = arith.constant 0 : i32
          %dma_start3A_467 = arith.constant 0 : i32
          %dma_start3A_468 = tpu.memref_slice %arg12[%select_n3A_173, %dma_start3A_466, %dma_start3A_467] : memref<2x2x2048xi32, #tpu.memory_space<vmem>> -> memref<1x2x2048xi32, #tpu.memory_space<vmem>>
          %dma_start3A_469 = tpu.memref_squeeze %dma_start3A_468 : memref<1x2x2048xi32, #tpu.memory_space<vmem>> -> memref<2x2048xi32, #tpu.memory_space<vmem>>
          %dma_start3A_470 = tpu.memref_bitcast %arg5 : memref<8192x2048xbf16, #tpu.memory_space<hbm>> -> memref<4096x2048xi32, #tpu.memory_space<hbm>>
          %dma_start3A_471 = arith.constant 0 : i32
          %dma_start3A_472 = tpu.memref_slice %dma_start3A_470[%add3A_465, %dma_start3A_471] : memref<4096x2048xi32, #tpu.memory_space<hbm>> -> memref<2x2048xi32, #tpu.memory_space<hbm>>
          %dma_start3A_473 = tpu.memref_bitcast %arg5 : memref<8192x2048xbf16, #tpu.memory_space<hbm>> -> memref<4096x2048xi32, #tpu.memory_space<hbm>>
          %dma_start3A_474 = arith.constant 0 : i32
          %dma_start3A_475 = tpu.memref_slice %dma_start3A_473[%add3A_465, %dma_start3A_474] : memref<4096x2048xi32, #tpu.memory_space<hbm>> -> memref<2x2048xi32, #tpu.memory_space<hbm>>
          %dma_start3A_476 = arith.constant 0 : i32
          %dma_start3A_477 = arith.constant 0 : i32
          %dma_start3A_478 = tpu.memref_slice %arg12[%select_n3A_173, %dma_start3A_476, %dma_start3A_477] : memref<2x2x2048xi32, #tpu.memory_space<vmem>> -> memref<1x2x2048xi32, #tpu.memory_space<vmem>>
          %dma_start3A_479 = tpu.memref_squeeze %dma_start3A_478 : memref<1x2x2048xi32, #tpu.memory_space<vmem>> -> memref<2x2048xi32, #tpu.memory_space<vmem>>
          tpu.enqueue_dma source(%dma_start3A_479 : memref<2x2048xi32, #tpu.memory_space<vmem>>) target(%dma_start3A_475 : memref<2x2048xi32, #tpu.memory_space<hbm>>) target_semaphore(%arg16 : memref<!tpu.dma_semaphore, #tpu.memory_space<semaphore_mem>>)
        } else {
        }
      } else {
      }
      %jit3A_101 = arith.constant 3 : i32
      %eq3A_102 = arith.constant 0 : i32
      %eq3A_103 = arith.cmpi eq, %jit3A_101, %eq3A_102 : i32
      %jit3A_104 = arith.constant 1 : i32
      %select_n3A_105 = arith.select %eq3A_103, %jit3A_104, %jit3A_101 : i32
      %rem3A_106 = arith.remsi %scan3A_66, %select_n3A_105 : i32
      %ne3A_107 = arith.constant 0 : i32
      %ne3A_108 = arith.cmpi ne, %rem3A_106, %ne3A_107 : i32
      %lt3A_109 = arith.constant 0 : i32
      %lt3A_110 = arith.cmpi slt, %rem3A_106, %lt3A_109 : i32
      %lt3A_111 = arith.constant 0 : i32
      %lt3A_112 = arith.cmpi slt, %select_n3A_105, %lt3A_111 : i32
      %ne3A_113 = arith.xori %lt3A_110, %lt3A_112 : i1
      %and3A_114 = arith.andi %ne3A_113, %ne3A_108 : i1
      %add3A_115 = arith.addi %rem3A_106, %select_n3A_105 : i32
      %select_n3A_116 = arith.select %and3A_114, %add3A_115, %rem3A_106 : i32
      %eq3A_117 = arith.constant 2 : i32
      %eq3A_118 = arith.cmpi eq, %select_n3A_116, %eq3A_117 : i32
      %convert_element_type3A_119 = arith.extui %eq3A_118 : i1 to i32
      %cond3A_120 = arith.constant 0 : i32
      %cond3A_121 = arith.cmpi ne, %convert_element_type3A_119, %cond3A_120 : i32
      scf.if %cond3A_121 {
        %mul3A_123 = arith.constant 16 : i32
        %mul3A_124 = arith.muli %scan3A_66, %mul3A_123 : i32
        %dma_wait3A_125 = tpu.memref_slice %arg7[%mul3A_124] : memref<2048xi32, #tpu.memory_space<vmem>> -> memref<16xi32, #tpu.memory_space<vmem>>
        %dma_wait3A_126 = tpu.memref_bitcast %arg2 : memref<65536x2048xbf16, #tpu.memory_space<hbm>> -> memref<32768x2048xi32, #tpu.memory_space<hbm>>
        %dma_wait3A_127 = arith.constant 0 : i32
        %dma_wait3A_128 = arith.constant 0 : i32
        %dma_wait3A_129 = tpu.memref_slice %dma_wait3A_126[%dma_wait3A_127, %dma_wait3A_128] : memref<32768x2048xi32, #tpu.memory_space<hbm>> -> memref<32768x2048xi32, #tpu.memory_space<hbm>>
        tpu.wait_indirect_dma semaphore(%arg15 : memref<!tpu.dma_semaphore, #tpu.memory_space<semaphore_mem>>) src(%dma_wait3A_129 : memref<32768x2048xi32, #tpu.memory_space<hbm>>) dst(%arg11 : memref<16x2048xi32, #tpu.memory_space<vmem>>)
        %add3A_130 = arith.constant 2 : i32
        %add3A_131 = arith.addi %scan3A_66, %add3A_130 : i32
        %lt3A_132 = arith.constant 128 : i32
        %lt3A_133 = arith.cmpi slt, %add3A_131, %lt3A_132 : i32
        %convert_element_type3A_134 = arith.extui %lt3A_133 : i1 to i32
        %cond3A_135 = arith.constant 0 : i32
        %cond3A_136 = arith.cmpi ne, %convert_element_type3A_134, %cond3A_135 : i32
        scf.if %cond3A_136 {
          %add3A_463 = arith.constant 2 : i32
          %add3A_464 = arith.addi %scan3A_66, %add3A_463 : i32
          %mul3A_465 = arith.constant 16 : i32
          %mul3A_466 = arith.muli %add3A_464, %mul3A_465 : i32
          %dma_start3A_467 = tpu.memref_slice %arg7[%mul3A_466] : memref<2048xi32, #tpu.memory_space<vmem>> -> memref<16xi32, #tpu.memory_space<vmem>>
          %dma_start3A_468 = tpu.memref_bitcast %arg2 : memref<65536x2048xbf16, #tpu.memory_space<hbm>> -> memref<32768x2048xi32, #tpu.memory_space<hbm>>
          %dma_start3A_469 = arith.constant 0 : i32
          %dma_start3A_470 = arith.constant 0 : i32
          %dma_start3A_471 = tpu.memref_slice %dma_start3A_468[%dma_start3A_469, %dma_start3A_470] : memref<32768x2048xi32, #tpu.memory_space<hbm>> -> memref<32768x2048xi32, #tpu.memory_space<hbm>>
          tpu.enqueue_indirect_dma source(%dma_start3A_471 : memref<32768x2048xi32, #tpu.memory_space<hbm>>) target(%arg10 : memref<16x2048xi32, #tpu.memory_space<vmem>>) offsets(%dma_start3A_467 : memref<16xi32, #tpu.memory_space<vmem>>) semaphore(%arg14 : memref<!tpu.dma_semaphore, #tpu.memory_space<semaphore_mem>>)
        } else {
        }
        %jit3A_137 = arith.constant 2 : i32
        %div3A = arith.divsi %scan3A_66, %jit3A_137 : i32
        %sign3A = arith.constant 0 : i32
        %sign3A_138 = arith.cmpi sgt, %scan3A_66, %sign3A : i32
        %sign3A_139 = arith.extui %sign3A_138 : i1 to i32
        %sign3A_140 = arith.constant 0 : i32
        %sign3A_141 = arith.cmpi slt, %scan3A_66, %sign3A_140 : i32
        %sign3A_142 = arith.extui %sign3A_141 : i1 to i32
        %sign3A_143 = arith.subi %sign3A_139, %sign3A_142 : i32
        %sign3A_144 = arith.constant 0 : i32
        %sign3A_145 = arith.cmpi sgt, %jit3A_137, %sign3A_144 : i32
        %sign3A_146 = arith.extui %sign3A_145 : i1 to i32
        %sign3A_147 = arith.constant 0 : i32
        %sign3A_148 = arith.cmpi slt, %jit3A_137, %sign3A_147 : i32
        %sign3A_149 = arith.extui %sign3A_148 : i1 to i32
        %sign3A_150 = arith.subi %sign3A_146, %sign3A_149 : i32
        %ne3A_151 = arith.cmpi ne, %sign3A_143, %sign3A_150 : i32
        %rem3A_152 = arith.remsi %scan3A_66, %jit3A_137 : i32
        %ne3A_153 = arith.constant 0 : i32
        %ne3A_154 = arith.cmpi ne, %rem3A_152, %ne3A_153 : i32
        %and3A_155 = arith.andi %ne3A_151, %ne3A_154 : i1
        %sub3A = arith.constant 1 : i32
        %sub3A_156 = arith.subi %div3A, %sub3A : i32
        %select_n3A_157 = arith.select %and3A_155, %sub3A_156, %div3A : i32
        %jit3A_158 = arith.constant 2 : i32
        %eq3A_159 = arith.constant 0 : i32
        %eq3A_160 = arith.cmpi eq, %jit3A_158, %eq3A_159 : i32
        %jit3A_161 = arith.constant 1 : i32
        %select_n3A_162 = arith.select %eq3A_160, %jit3A_161, %jit3A_158 : i32
        %rem3A_163 = arith.remsi %select_n3A_157, %select_n3A_162 : i32
        %ne3A_164 = arith.constant 0 : i32
        %ne3A_165 = arith.cmpi ne, %rem3A_163, %ne3A_164 : i32
        %lt3A_166 = arith.constant 0 : i32
        %lt3A_167 = arith.cmpi slt, %rem3A_163, %lt3A_166 : i32
        %lt3A_168 = arith.constant 0 : i32
        %lt3A_169 = arith.cmpi slt, %select_n3A_162, %lt3A_168 : i32
        %ne3A_170 = arith.xori %lt3A_167, %lt3A_169 : i1
        %and3A_171 = arith.andi %ne3A_170, %ne3A_165 : i1
        %add3A_172 = arith.addi %rem3A_163, %select_n3A_162 : i32
        %select_n3A_173 = arith.select %and3A_171, %add3A_172, %rem3A_163 : i32
        %jit3A_174 = arith.constant 2 : i32
        %eq3A_175 = arith.constant 0 : i32
        %eq3A_176 = arith.cmpi eq, %jit3A_174, %eq3A_175 : i32
        %jit3A_177 = arith.constant 1 : i32
        %select_n3A_178 = arith.select %eq3A_176, %jit3A_177, %jit3A_174 : i32
        %rem3A_179 = arith.remsi %scan3A_66, %select_n3A_178 : i32
        %ne3A_180 = arith.constant 0 : i32
        %ne3A_181 = arith.cmpi ne, %rem3A_179, %ne3A_180 : i32
        %lt3A_182 = arith.constant 0 : i32
        %lt3A_183 = arith.cmpi slt, %rem3A_179, %lt3A_182 : i32
        %lt3A_184 = arith.constant 0 : i32
        %lt3A_185 = arith.cmpi slt, %select_n3A_178, %lt3A_184 : i32
        %ne3A_186 = arith.xori %lt3A_183, %lt3A_185 : i1
        %and3A_187 = arith.andi %ne3A_186, %ne3A_181 : i1
        %add3A_188 = arith.addi %rem3A_179, %select_n3A_178 : i32
        %select_n3A_189 = arith.select %and3A_187, %add3A_188, %rem3A_179 : i32
        %eq3A_190 = arith.constant 0 : i32
        %eq3A_191 = arith.cmpi eq, %select_n3A_189, %eq3A_190 : i32
        %ge3A = arith.constant 2 : i32
        %ge3A_192 = arith.cmpi sge, %select_n3A_157, %ge3A : i32
        %and3A_193 = arith.andi %eq3A_191, %ge3A_192 : i1
        %convert_element_type3A_194 = arith.extui %and3A_193 : i1 to i32
        %cond3A_195 = arith.constant 0 : i32
        %cond3A_196 = arith.cmpi ne, %convert_element_type3A_194, %cond3A_195 : i32
        scf.if %cond3A_196 {
          %sub3A_463 = arith.constant 2 : i32
          %sub3A_464 = arith.subi %select_n3A_157, %sub3A_463 : i32
          %mul3A_465 = arith.constant 2 : i32
          %mul3A_466 = arith.muli %sub3A_464, %mul3A_465 : i32
          %add3A_467 = arith.addi %mul3A_4, %mul3A_466 : i32
          %dma_wait3A_468 = arith.constant 0 : i32
          %dma_wait3A_469 = arith.constant 0 : i32
          %dma_wait3A_470 = tpu.memref_slice %arg12[%select_n3A_173, %dma_wait3A_468, %dma_wait3A_469] : memref<2x2x2048xi32, #tpu.memory_space<vmem>> -> memref<1x2x2048xi32, #tpu.memory_space<vmem>>
          %dma_wait3A_471 = tpu.memref_squeeze %dma_wait3A_470 : memref<1x2x2048xi32, #tpu.memory_space<vmem>> -> memref<2x2048xi32, #tpu.memory_space<vmem>>
          %dma_wait3A_472 = tpu.memref_bitcast %arg5 : memref<8192x2048xbf16, #tpu.memory_space<hbm>> -> memref<4096x2048xi32, #tpu.memory_space<hbm>>
          %dma_wait3A_473 = arith.constant 0 : i32
          %dma_wait3A_474 = tpu.memref_slice %dma_wait3A_472[%add3A_467, %dma_wait3A_473] : memref<4096x2048xi32, #tpu.memory_space<hbm>> -> memref<2x2048xi32, #tpu.memory_space<hbm>>
          %dma_wait3A_475 = tpu.memref_bitcast %arg5 : memref<8192x2048xbf16, #tpu.memory_space<hbm>> -> memref<4096x2048xi32, #tpu.memory_space<hbm>>
          %dma_wait3A_476 = arith.constant 0 : i32
          %dma_wait3A_477 = tpu.memref_slice %dma_wait3A_475[%add3A_467, %dma_wait3A_476] : memref<4096x2048xi32, #tpu.memory_space<hbm>> -> memref<2x2048xi32, #tpu.memory_space<hbm>>
          %dma_wait3A_478 = arith.constant 0 : i32
          %dma_wait3A_479 = arith.constant 0 : i32
          %dma_wait3A_480 = tpu.memref_slice %arg12[%select_n3A_173, %dma_wait3A_478, %dma_wait3A_479] : memref<2x2x2048xi32, #tpu.memory_space<vmem>> -> memref<1x2x2048xi32, #tpu.memory_space<vmem>>
          %dma_wait3A_481 = tpu.memref_squeeze %dma_wait3A_480 : memref<1x2x2048xi32, #tpu.memory_space<vmem>> -> memref<2x2048xi32, #tpu.memory_space<vmem>>
          tpu.wait_dma2 semaphore(%arg16 : memref<!tpu.dma_semaphore, #tpu.memory_space<semaphore_mem>>) src(%dma_wait3A_481 : memref<2x2048xi32, #tpu.memory_space<vmem>>) dst(%dma_wait3A_477 : memref<2x2048xi32, #tpu.memory_space<hbm>>)
        } else {
        }
        %mul3A_197 = arith.constant 16 : i32
        %mul3A_198 = arith.muli %scan3A_66, %mul3A_197 : i32
        %get3A = arith.index_cast %mul3A_198 : i32 to index
        %get3A_199 = tpu.vector_load %arg6[%get3A] {strides = array<i32>} : memref<2048xi32, #tpu.memory_space<vmem>>, vector<16xi32>,
        %mul3A_200 = arith.constant 16 : i32
        %mul3A_201 = arith.muli %scan3A_66, %mul3A_200 : i32
        %get3A_202 = arith.index_cast %mul3A_201 : i32 to index
        %get3A_203 = tpu.vector_load %arg8[%get3A_202] {strides = array<i32>} : memref<2048xf32, #tpu.memory_space<vmem>>, vector<16xf32>,
        %slice3A = vector.extract_strided_slice %get3A_199 {offsets = [0], sizes = [1], strides = [1]} : vector<16xi32> to vector<1xi32>
        %squeeze3A = vector.extract %slice3A[0] : i32 from vector<1xi32>
        %and3A_204 = arith.constant 1 : i32
        %and3A_205 = arith.andi %squeeze3A, %and3A_204 : i32
        %convert_element_type3A_206 = arith.sitofp %and3A_205 : i32 to f32
        %slice3A_207 = vector.extract_strided_slice %get3A_203 {offsets = [0], sizes = [1], strides = [1]} : vector<16xf32> to vector<1xf32>
        %squeeze3A_208 = vector.extract %slice3A_207[0] : f32 from vector<1xf32>
        %mul3A_209 = arith.mulf %squeeze3A_208, %convert_element_type3A_206 : f32
        %slice3A_210 = vector.extract_strided_slice %get3A_203 {offsets = [0], sizes = [1], strides = [1]} : vector<16xf32> to vector<1xf32>
        %squeeze3A_211 = vector.extract %slice3A_210[0] : f32 from vector<1xf32>
        %sub3A_212 = arith.subf %squeeze3A_211, %mul3A_209 : f32
        %broadcast_in_dim3A = vector.broadcast %sub3A_212 : f32 to vector<16xf32>
        %broadcast_in_dim3A_213 = vector.broadcast %mul3A_209 : f32 to vector<16xf32>
        %pack3A = tpu.pack_subelements %broadcast_in_dim3A, %broadcast_in_dim3A_213 {pack_format = #tpu.pack_format<interleaved>, positions = array<i32: 0, 1>} : vector<16xf32>, vector<16xf32> -> vector<32xbf16>
        %slice3A_214 = vector.extract_strided_slice %get3A_199 {offsets = [1], sizes = [1], strides = [1]} : vector<16xi32> to vector<1xi32>
        %squeeze3A_215 = vector.extract %slice3A_214[0] : i32 from vector<1xi32>
        %and3A_216 = arith.constant 1 : i32
        %and3A_217 = arith.andi %squeeze3A_215, %and3A_216 : i32
        %convert_element_type3A_218 = arith.sitofp %and3A_217 : i32 to f32
        %slice3A_219 = vector.extract_strided_slice %get3A_203 {offsets = [1], sizes = [1], strides = [1]} : vector<16xf32> to vector<1xf32>
        %squeeze3A_220 = vector.extract %slice3A_219[0] : f32 from vector<1xf32>
        %mul3A_221 = arith.mulf %squeeze3A_220, %convert_element_type3A_218 : f32
        %slice3A_222 = vector.extract_strided_slice %get3A_203 {offsets = [1], sizes = [1], strides = [1]} : vector<16xf32> to vector<1xf32>
        %squeeze3A_223 = vector.extract %slice3A_222[0] : f32 from vector<1xf32>
        %sub3A_224 = arith.subf %squeeze3A_223, %mul3A_221 : f32
        %broadcast_in_dim3A_225 = vector.broadcast %sub3A_224 : f32 to vector<16xf32>
        %broadcast_in_dim3A_226 = vector.broadcast %mul3A_221 : f32 to vector<16xf32>
        %pack3A_227 = tpu.pack_subelements %broadcast_in_dim3A_225, %broadcast_in_dim3A_226 {pack_format = #tpu.pack_format<interleaved>, positions = array<i32: 0, 1>} : vector<16xf32>, vector<16xf32> -> vector<32xbf16>
        %slice3A_228 = vector.extract_strided_slice %get3A_199 {offsets = [2], sizes = [1], strides = [1]} : vector<16xi32> to vector<1xi32>
        %squeeze3A_229 = vector.extract %slice3A_228[0] : i32 from vector<1xi32>
        %and3A_230 = arith.constant 1 : i32
        %and3A_231 = arith.andi %squeeze3A_229, %and3A_230 : i32
        %convert_element_type3A_232 = arith.sitofp %and3A_231 : i32 to f32
        %slice3A_233 = vector.extract_strided_slice %get3A_203 {offsets = [2], sizes = [1], strides = [1]} : vector<16xf32> to vector<1xf32>
        %squeeze3A_234 = vector.extract %slice3A_233[0] : f32 from vector<1xf32>
        %mul3A_235 = arith.mulf %squeeze3A_234, %convert_element_type3A_232 : f32
        %slice3A_236 = vector.extract_strided_slice %get3A_203 {offsets = [2], sizes = [1], strides = [1]} : vector<16xf32> to vector<1xf32>
        %squeeze3A_237 = vector.extract %slice3A_236[0] : f32 from vector<1xf32>
        %sub3A_238 = arith.subf %squeeze3A_237, %mul3A_235 : f32
        %broadcast_in_dim3A_239 = vector.broadcast %sub3A_238 : f32 to vector<16xf32>
        %broadcast_in_dim3A_240 = vector.broadcast %mul3A_235 : f32 to vector<16xf32>
        %pack3A_241 = tpu.pack_subelements %broadcast_in_dim3A_239, %broadcast_in_dim3A_240 {pack_format = #tpu.pack_format<interleaved>, positions = array<i32: 0, 1>} : vector<16xf32>, vector<16xf32> -> vector<32xbf16>
        %slice3A_242 = vector.extract_strided_slice %get3A_199 {offsets = [3], sizes = [1], strides = [1]} : vector<16xi32> to vector<1xi32>
        %squeeze3A_243 = vector.extract %slice3A_242[0] : i32 from vector<1xi32>
        %and3A_244 = arith.constant 1 : i32
        %and3A_245 = arith.andi %squeeze3A_243, %and3A_244 : i32
        %convert_element_type3A_246 = arith.sitofp %and3A_245 : i32 to f32
        %slice3A_247 = vector.extract_strided_slice %get3A_203 {offsets = [3], sizes = [1], strides = [1]} : vector<16xf32> to vector<1xf32>
        %squeeze3A_248 = vector.extract %slice3A_247[0] : f32 from vector<1xf32>
        %mul3A_249 = arith.mulf %squeeze3A_248, %convert_element_type3A_246 : f32
        %slice3A_250 = vector.extract_strided_slice %get3A_203 {offsets = [3], sizes = [1], strides = [1]} : vector<16xf32> to vector<1xf32>
        %squeeze3A_251 = vector.extract %slice3A_250[0] : f32 from vector<1xf32>
        %sub3A_252 = arith.subf %squeeze3A_251, %mul3A_249 : f32
        %broadcast_in_dim3A_253 = vector.broadcast %sub3A_252 : f32 to vector<16xf32>
        %broadcast_in_dim3A_254 = vector.broadcast %mul3A_249 : f32 to vector<16xf32>
        %pack3A_255 = tpu.pack_subelements %broadcast_in_dim3A_253, %broadcast_in_dim3A_254 {pack_format = #tpu.pack_format<interleaved>, positions = array<i32: 0, 1>} : vector<16xf32>, vector<16xf32> -> vector<32xbf16>
        %slice3A_256 = vector.extract_strided_slice %get3A_199 {offsets = [4], sizes = [1], strides = [1]} : vector<16xi32> to vector<1xi32>
        %squeeze3A_257 = vector.extract %slice3A_256[0] : i32 from vector<1xi32>
        %and3A_258 = arith.constant 1 : i32
        %and3A_259 = arith.andi %squeeze3A_257, %and3A_258 : i32
        %convert_element_type3A_260 = arith.sitofp %and3A_259 : i32 to f32
        %slice3A_261 = vector.extract_strided_slice %get3A_203 {offsets = [4], sizes = [1], strides = [1]} : vector<16xf32> to vector<1xf32>
        %squeeze3A_262 = vector.extract %slice3A_261[0] : f32 from vector<1xf32>
        %mul3A_263 = arith.mulf %squeeze3A_262, %convert_element_type3A_260 : f32
        %slice3A_264 = vector.extract_strided_slice %get3A_203 {offsets = [4], sizes = [1], strides = [1]} : vector<16xf32> to vector<1xf32>
        %squeeze3A_265 = vector.extract %slice3A_264[0] : f32 from vector<1xf32>
        %sub3A_266 = arith.subf %squeeze3A_265, %mul3A_263 : f32
        %broadcast_in_dim3A_267 = vector.broadcast %sub3A_266 : f32 to vector<16xf32>
        %broadcast_in_dim3A_268 = vector.broadcast %mul3A_263 : f32 to vector<16xf32>
        %pack3A_269 = tpu.pack_subelements %broadcast_in_dim3A_267, %broadcast_in_dim3A_268 {pack_format = #tpu.pack_format<interleaved>, positions = array<i32: 0, 1>} : vector<16xf32>, vector<16xf32> -> vector<32xbf16>
        %slice3A_270 = vector.extract_strided_slice %get3A_199 {offsets = [5], sizes = [1], strides = [1]} : vector<16xi32> to vector<1xi32>
        %squeeze3A_271 = vector.extract %slice3A_270[0] : i32 from vector<1xi32>
        %and3A_272 = arith.constant 1 : i32
        %and3A_273 = arith.andi %squeeze3A_271, %and3A_272 : i32
        %convert_element_type3A_274 = arith.sitofp %and3A_273 : i32 to f32
        %slice3A_275 = vector.extract_strided_slice %get3A_203 {offsets = [5], sizes = [1], strides = [1]} : vector<16xf32> to vector<1xf32>
        %squeeze3A_276 = vector.extract %slice3A_275[0] : f32 from vector<1xf32>
        %mul3A_277 = arith.mulf %squeeze3A_276, %convert_element_type3A_274 : f32
        %slice3A_278 = vector.extract_strided_slice %get3A_203 {offsets = [5], sizes = [1], strides = [1]} : vector<16xf32> to vector<1xf32>
        %squeeze3A_279 = vector.extract %slice3A_278[0] : f32 from vector<1xf32>
        %sub3A_280 = arith.subf %squeeze3A_279, %mul3A_277 : f32
        %broadcast_in_dim3A_281 = vector.broadcast %sub3A_280 : f32 to vector<16xf32>
        %broadcast_in_dim3A_282 = vector.broadcast %mul3A_277 : f32 to vector<16xf32>
        %pack3A_283 = tpu.pack_subelements %broadcast_in_dim3A_281, %broadcast_in_dim3A_282 {pack_format = #tpu.pack_format<interleaved>, positions = array<i32: 0, 1>} : vector<16xf32>, vector<16xf32> -> vector<32xbf16>
        %slice3A_284 = vector.extract_strided_slice %get3A_199 {offsets = [6], sizes = [1], strides = [1]} : vector<16xi32> to vector<1xi32>
        %squeeze3A_285 = vector.extract %slice3A_284[0] : i32 from vector<1xi32>
        %and3A_286 = arith.constant 1 : i32
        %and3A_287 = arith.andi %squeeze3A_285, %and3A_286 : i32
        %convert_element_type3A_288 = arith.sitofp %and3A_287 : i32 to f32
        %slice3A_289 = vector.extract_strided_slice %get3A_203 {offsets = [6], sizes = [1], strides = [1]} : vector<16xf32> to vector<1xf32>
        %squeeze3A_290 = vector.extract %slice3A_289[0] : f32 from vector<1xf32>
        %mul3A_291 = arith.mulf %squeeze3A_290, %convert_element_type3A_288 : f32
        %slice3A_292 = vector.extract_strided_slice %get3A_203 {offsets = [6], sizes = [1], strides = [1]} : vector<16xf32> to vector<1xf32>
        %squeeze3A_293 = vector.extract %slice3A_292[0] : f32 from vector<1xf32>
        %sub3A_294 = arith.subf %squeeze3A_293, %mul3A_291 : f32
        %broadcast_in_dim3A_295 = vector.broadcast %sub3A_294 : f32 to vector<16xf32>
        %broadcast_in_dim3A_296 = vector.broadcast %mul3A_291 : f32 to vector<16xf32>
        %pack3A_297 = tpu.pack_subelements %broadcast_in_dim3A_295, %broadcast_in_dim3A_296 {pack_format = #tpu.pack_format<interleaved>, positions = array<i32: 0, 1>} : vector<16xf32>, vector<16xf32> -> vector<32xbf16>
        %slice3A_298 = vector.extract_strided_slice %get3A_199 {offsets = [7], sizes = [1], strides = [1]} : vector<16xi32> to vector<1xi32>
        %squeeze3A_299 = vector.extract %slice3A_298[0] : i32 from vector<1xi32>
        %and3A_300 = arith.constant 1 : i32
        %and3A_301 = arith.andi %squeeze3A_299, %and3A_300 : i32
        %convert_element_type3A_302 = arith.sitofp %and3A_301 : i32 to f32
        %slice3A_303 = vector.extract_strided_slice %get3A_203 {offsets = [7], sizes = [1], strides = [1]} : vector<16xf32> to vector<1xf32>
        %squeeze3A_304 = vector.extract %slice3A_303[0] : f32 from vector<1xf32>
        %mul3A_305 = arith.mulf %squeeze3A_304, %convert_element_type3A_302 : f32
        %slice3A_306 = vector.extract_strided_slice %get3A_203 {offsets = [7], sizes = [1], strides = [1]} : vector<16xf32> to vector<1xf32>
        %squeeze3A_307 = vector.extract %slice3A_306[0] : f32 from vector<1xf32>
        %sub3A_308 = arith.subf %squeeze3A_307, %mul3A_305 : f32
        %broadcast_in_dim3A_309 = vector.broadcast %sub3A_308 : f32 to vector<16xf32>
        %broadcast_in_dim3A_310 = vector.broadcast %mul3A_305 : f32 to vector<16xf32>
        %pack3A_311 = tpu.pack_subelements %broadcast_in_dim3A_309, %broadcast_in_dim3A_310 {pack_format = #tpu.pack_format<interleaved>, positions = array<i32: 0, 1>} : vector<16xf32>, vector<16xf32> -> vector<32xbf16>
        %slice3A_312 = vector.extract_strided_slice %get3A_199 {offsets = [8], sizes = [1], strides = [1]} : vector<16xi32> to vector<1xi32>
        %squeeze3A_313 = vector.extract %slice3A_312[0] : i32 from vector<1xi32>
        %and3A_314 = arith.constant 1 : i32
        %and3A_315 = arith.andi %squeeze3A_313, %and3A_314 : i32
        %convert_element_type3A_316 = arith.sitofp %and3A_315 : i32 to f32
        %slice3A_317 = vector.extract_strided_slice %get3A_203 {offsets = [8], sizes = [1], strides = [1]} : vector<16xf32> to vector<1xf32>
        %squeeze3A_318 = vector.extract %slice3A_317[0] : f32 from vector<1xf32>
        %mul3A_319 = arith.mulf %squeeze3A_318, %convert_element_type3A_316 : f32
        %slice3A_320 = vector.extract_strided_slice %get3A_203 {offsets = [8], sizes = [1], strides = [1]} : vector<16xf32> to vector<1xf32>
        %squeeze3A_321 = vector.extract %slice3A_320[0] : f32 from vector<1xf32>
        %sub3A_322 = arith.subf %squeeze3A_321, %mul3A_319 : f32
        %broadcast_in_dim3A_323 = vector.broadcast %sub3A_322 : f32 to vector<16xf32>
        %broadcast_in_dim3A_324 = vector.broadcast %mul3A_319 : f32 to vector<16xf32>
        %pack3A_325 = tpu.pack_subelements %broadcast_in_dim3A_323, %broadcast_in_dim3A_324 {pack_format = #tpu.pack_format<interleaved>, positions = array<i32: 0, 1>} : vector<16xf32>, vector<16xf32> -> vector<32xbf16>
        %slice3A_326 = vector.extract_strided_slice %get3A_199 {offsets = [9], sizes = [1], strides = [1]} : vector<16xi32> to vector<1xi32>
        %squeeze3A_327 = vector.extract %slice3A_326[0] : i32 from vector<1xi32>
        %and3A_328 = arith.constant 1 : i32
        %and3A_329 = arith.andi %squeeze3A_327, %and3A_328 : i32
        %convert_element_type3A_330 = arith.sitofp %and3A_329 : i32 to f32
        %slice3A_331 = vector.extract_strided_slice %get3A_203 {offsets = [9], sizes = [1], strides = [1]} : vector<16xf32> to vector<1xf32>
        %squeeze3A_332 = vector.extract %slice3A_331[0] : f32 from vector<1xf32>
        %mul3A_333 = arith.mulf %squeeze3A_332, %convert_element_type3A_330 : f32
        %slice3A_334 = vector.extract_strided_slice %get3A_203 {offsets = [9], sizes = [1], strides = [1]} : vector<16xf32> to vector<1xf32>
        %squeeze3A_335 = vector.extract %slice3A_334[0] : f32 from vector<1xf32>
        %sub3A_336 = arith.subf %squeeze3A_335, %mul3A_333 : f32
        %broadcast_in_dim3A_337 = vector.broadcast %sub3A_336 : f32 to vector<16xf32>
        %broadcast_in_dim3A_338 = vector.broadcast %mul3A_333 : f32 to vector<16xf32>
        %pack3A_339 = tpu.pack_subelements %broadcast_in_dim3A_337, %broadcast_in_dim3A_338 {pack_format = #tpu.pack_format<interleaved>, positions = array<i32: 0, 1>} : vector<16xf32>, vector<16xf32> -> vector<32xbf16>
        %slice3A_340 = vector.extract_strided_slice %get3A_199 {offsets = [10], sizes = [1], strides = [1]} : vector<16xi32> to vector<1xi32>
        %squeeze3A_341 = vector.extract %slice3A_340[0] : i32 from vector<1xi32>
        %and3A_342 = arith.constant 1 : i32
        %and3A_343 = arith.andi %squeeze3A_341, %and3A_342 : i32
        %convert_element_type3A_344 = arith.sitofp %and3A_343 : i32 to f32
        %slice3A_345 = vector.extract_strided_slice %get3A_203 {offsets = [10], sizes = [1], strides = [1]} : vector<16xf32> to vector<1xf32>
        %squeeze3A_346 = vector.extract %slice3A_345[0] : f32 from vector<1xf32>
        %mul3A_347 = arith.mulf %squeeze3A_346, %convert_element_type3A_344 : f32
        %slice3A_348 = vector.extract_strided_slice %get3A_203 {offsets = [10], sizes = [1], strides = [1]} : vector<16xf32> to vector<1xf32>
        %squeeze3A_349 = vector.extract %slice3A_348[0] : f32 from vector<1xf32>
        %sub3A_350 = arith.subf %squeeze3A_349, %mul3A_347 : f32
        %broadcast_in_dim3A_351 = vector.broadcast %sub3A_350 : f32 to vector<16xf32>
        %broadcast_in_dim3A_352 = vector.broadcast %mul3A_347 : f32 to vector<16xf32>
        %pack3A_353 = tpu.pack_subelements %broadcast_in_dim3A_351, %broadcast_in_dim3A_352 {pack_format = #tpu.pack_format<interleaved>, positions = array<i32: 0, 1>} : vector<16xf32>, vector<16xf32> -> vector<32xbf16>
        %slice3A_354 = vector.extract_strided_slice %get3A_199 {offsets = [11], sizes = [1], strides = [1]} : vector<16xi32> to vector<1xi32>
        %squeeze3A_355 = vector.extract %slice3A_354[0] : i32 from vector<1xi32>
        %and3A_356 = arith.constant 1 : i32
        %and3A_357 = arith.andi %squeeze3A_355, %and3A_356 : i32
        %convert_element_type3A_358 = arith.sitofp %and3A_357 : i32 to f32
        %slice3A_359 = vector.extract_strided_slice %get3A_203 {offsets = [11], sizes = [1], strides = [1]} : vector<16xf32> to vector<1xf32>
        %squeeze3A_360 = vector.extract %slice3A_359[0] : f32 from vector<1xf32>
        %mul3A_361 = arith.mulf %squeeze3A_360, %convert_element_type3A_358 : f32
        %slice3A_362 = vector.extract_strided_slice %get3A_203 {offsets = [11], sizes = [1], strides = [1]} : vector<16xf32> to vector<1xf32>
        %squeeze3A_363 = vector.extract %slice3A_362[0] : f32 from vector<1xf32>
        %sub3A_364 = arith.subf %squeeze3A_363, %mul3A_361 : f32
        %broadcast_in_dim3A_365 = vector.broadcast %sub3A_364 : f32 to vector<16xf32>
        %broadcast_in_dim3A_366 = vector.broadcast %mul3A_361 : f32 to vector<16xf32>
        %pack3A_367 = tpu.pack_subelements %broadcast_in_dim3A_365, %broadcast_in_dim3A_366 {pack_format = #tpu.pack_format<interleaved>, positions = array<i32: 0, 1>} : vector<16xf32>, vector<16xf32> -> vector<32xbf16>
        %slice3A_368 = vector.extract_strided_slice %get3A_199 {offsets = [12], sizes = [1], strides = [1]} : vector<16xi32> to vector<1xi32>
        %squeeze3A_369 = vector.extract %slice3A_368[0] : i32 from vector<1xi32>
        %and3A_370 = arith.constant 1 : i32
        %and3A_371 = arith.andi %squeeze3A_369, %and3A_370 : i32
        %convert_element_type3A_372 = arith.sitofp %and3A_371 : i32 to f32
        %slice3A_373 = vector.extract_strided_slice %get3A_203 {offsets = [12], sizes = [1], strides = [1]} : vector<16xf32> to vector<1xf32>
        %squeeze3A_374 = vector.extract %slice3A_373[0] : f32 from vector<1xf32>
        %mul3A_375 = arith.mulf %squeeze3A_374, %convert_element_type3A_372 : f32
        %slice3A_376 = vector.extract_strided_slice %get3A_203 {offsets = [12], sizes = [1], strides = [1]} : vector<16xf32> to vector<1xf32>
        %squeeze3A_377 = vector.extract %slice3A_376[0] : f32 from vector<1xf32>
        %sub3A_378 = arith.subf %squeeze3A_377, %mul3A_375 : f32
        %broadcast_in_dim3A_379 = vector.broadcast %sub3A_378 : f32 to vector<16xf32>
        %broadcast_in_dim3A_380 = vector.broadcast %mul3A_375 : f32 to vector<16xf32>
        %pack3A_381 = tpu.pack_subelements %broadcast_in_dim3A_379, %broadcast_in_dim3A_380 {pack_format = #tpu.pack_format<interleaved>, positions = array<i32: 0, 1>} : vector<16xf32>, vector<16xf32> -> vector<32xbf16>
        %slice3A_382 = vector.extract_strided_slice %get3A_199 {offsets = [13], sizes = [1], strides = [1]} : vector<16xi32> to vector<1xi32>
        %squeeze3A_383 = vector.extract %slice3A_382[0] : i32 from vector<1xi32>
        %and3A_384 = arith.constant 1 : i32
        %and3A_385 = arith.andi %squeeze3A_383, %and3A_384 : i32
        %convert_element_type3A_386 = arith.sitofp %and3A_385 : i32 to f32
        %slice3A_387 = vector.extract_strided_slice %get3A_203 {offsets = [13], sizes = [1], strides = [1]} : vector<16xf32> to vector<1xf32>
        %squeeze3A_388 = vector.extract %slice3A_387[0] : f32 from vector<1xf32>
        %mul3A_389 = arith.mulf %squeeze3A_388, %convert_element_type3A_386 : f32
        %slice3A_390 = vector.extract_strided_slice %get3A_203 {offsets = [13], sizes = [1], strides = [1]} : vector<16xf32> to vector<1xf32>
        %squeeze3A_391 = vector.extract %slice3A_390[0] : f32 from vector<1xf32>
        %sub3A_392 = arith.subf %squeeze3A_391, %mul3A_389 : f32
        %broadcast_in_dim3A_393 = vector.broadcast %sub3A_392 : f32 to vector<16xf32>
        %broadcast_in_dim3A_394 = vector.broadcast %mul3A_389 : f32 to vector<16xf32>
        %pack3A_395 = tpu.pack_subelements %broadcast_in_dim3A_393, %broadcast_in_dim3A_394 {pack_format = #tpu.pack_format<interleaved>, positions = array<i32: 0, 1>} : vector<16xf32>, vector<16xf32> -> vector<32xbf16>
        %slice3A_396 = vector.extract_strided_slice %get3A_199 {offsets = [14], sizes = [1], strides = [1]} : vector<16xi32> to vector<1xi32>
        %squeeze3A_397 = vector.extract %slice3A_396[0] : i32 from vector<1xi32>
        %and3A_398 = arith.constant 1 : i32
        %and3A_399 = arith.andi %squeeze3A_397, %and3A_398 : i32
        %convert_element_type3A_400 = arith.sitofp %and3A_399 : i32 to f32
        %slice3A_401 = vector.extract_strided_slice %get3A_203 {offsets = [14], sizes = [1], strides = [1]} : vector<16xf32> to vector<1xf32>
        %squeeze3A_402 = vector.extract %slice3A_401[0] : f32 from vector<1xf32>
        %mul3A_403 = arith.mulf %squeeze3A_402, %convert_element_type3A_400 : f32
        %slice3A_404 = vector.extract_strided_slice %get3A_203 {offsets = [14], sizes = [1], strides = [1]} : vector<16xf32> to vector<1xf32>
        %squeeze3A_405 = vector.extract %slice3A_404[0] : f32 from vector<1xf32>
        %sub3A_406 = arith.subf %squeeze3A_405, %mul3A_403 : f32
        %broadcast_in_dim3A_407 = vector.broadcast %sub3A_406 : f32 to vector<16xf32>
        %broadcast_in_dim3A_408 = vector.broadcast %mul3A_403 : f32 to vector<16xf32>
        %pack3A_409 = tpu.pack_subelements %broadcast_in_dim3A_407, %broadcast_in_dim3A_408 {pack_format = #tpu.pack_format<interleaved>, positions = array<i32: 0, 1>} : vector<16xf32>, vector<16xf32> -> vector<32xbf16>
        %slice3A_410 = vector.extract_strided_slice %get3A_199 {offsets = [15], sizes = [1], strides = [1]} : vector<16xi32> to vector<1xi32>
        %squeeze3A_411 = vector.extract %slice3A_410[0] : i32 from vector<1xi32>
        %and3A_412 = arith.constant 1 : i32
        %and3A_413 = arith.andi %squeeze3A_411, %and3A_412 : i32
        %convert_element_type3A_414 = arith.sitofp %and3A_413 : i32 to f32
        %slice3A_415 = vector.extract_strided_slice %get3A_203 {offsets = [15], sizes = [1], strides = [1]} : vector<16xf32> to vector<1xf32>
        %squeeze3A_416 = vector.extract %slice3A_415[0] : f32 from vector<1xf32>
        %mul3A_417 = arith.mulf %squeeze3A_416, %convert_element_type3A_414 : f32
        %slice3A_418 = vector.extract_strided_slice %get3A_203 {offsets = [15], sizes = [1], strides = [1]} : vector<16xf32> to vector<1xf32>
        %squeeze3A_419 = vector.extract %slice3A_418[0] : f32 from vector<1xf32>
        %sub3A_420 = arith.subf %squeeze3A_419, %mul3A_417 : f32
        %broadcast_in_dim3A_421 = vector.broadcast %sub3A_420 : f32 to vector<16xf32>
        %broadcast_in_dim3A_422 = vector.broadcast %mul3A_417 : f32 to vector<16xf32>
        %pack3A_423 = tpu.pack_subelements %broadcast_in_dim3A_421, %broadcast_in_dim3A_422 {pack_format = #tpu.pack_format<interleaved>, positions = array<i32: 0, 1>} : vector<16xf32>, vector<16xf32> -> vector<32xbf16>
        %jit3A_424 = arith.constant 2 : i32
        %eq3A_425 = arith.constant 0 : i32
        %eq3A_426 = arith.cmpi eq, %jit3A_424, %eq3A_425 : i32
        %jit3A_427 = arith.constant 1 : i32
        %select_n3A_428 = arith.select %eq3A_426, %jit3A_427, %jit3A_424 : i32
        %rem3A_429 = arith.remsi %scan3A_66, %select_n3A_428 : i32
        %ne3A_430 = arith.constant 0 : i32
        %ne3A_431 = arith.cmpi ne, %rem3A_429, %ne3A_430 : i32
        %lt3A_432 = arith.constant 0 : i32
        %lt3A_433 = arith.cmpi slt, %rem3A_429, %lt3A_432 : i32
        %lt3A_434 = arith.constant 0 : i32
        %lt3A_435 = arith.cmpi slt, %select_n3A_428, %lt3A_434 : i32
        %ne3A_436 = arith.xori %lt3A_433, %lt3A_435 : i1
        %and3A_437 = arith.andi %ne3A_436, %ne3A_431 : i1
        %add3A_438 = arith.addi %rem3A_429, %select_n3A_428 : i32
        %select_n3A_439 = arith.select %and3A_437, %add3A_438, %rem3A_429 : i32
        %parallel_loop3A = arith.constant 0 : i32
        %parallel_loop3A_440 = arith.constant 128 : i32
        %parallel_loop3A_441 = arith.constant 1 : i32
        scf.for %parallel_loop3A_463 = %parallel_loop3A to %parallel_loop3A_440 step %parallel_loop3A_441  : i32 {
          %parallel_loop3A_464 = arith.constant 16 : i32
          %parallel_loop3A_465 = arith.muli %parallel_loop3A_463, %parallel_loop3A_464 : i32
          %parallel_loop3A_466 = arith.constant 0 : i32
          %parallel_loop3A_467 = arith.index_cast %parallel_loop3A_466 : i32 to index
          %parallel_loop3A_468 = arith.index_cast %parallel_loop3A_465 : i32 to index
          %parallel_loop3A_469 = tpu.vector_load %arg11[%parallel_loop3A_467, %parallel_loop3A_468] {strides = array<i32>} : memref<16x2048xi32, #tpu.memory_space<vmem>>, vector<16xi32>,
          %parallel_loop3A_470 = vector.bitcast %parallel_loop3A_469 : vector<16xi32> to vector<32xbf16>
          %parallel_loop3A_471 = arith.mulf %parallel_loop3A_470, %pack3A : vector<32xbf16>
          %parallel_loop3A_472 = arith.constant 16 : i32
          %parallel_loop3A_473 = arith.muli %parallel_loop3A_463, %parallel_loop3A_472 : i32
          %parallel_loop3A_474 = arith.constant 8 : i32
          %parallel_loop3A_475 = arith.index_cast %parallel_loop3A_474 : i32 to index
          %parallel_loop3A_476 = arith.index_cast %parallel_loop3A_473 : i32 to index
          %parallel_loop3A_477 = tpu.vector_load %arg11[%parallel_loop3A_475, %parallel_loop3A_476] {strides = array<i32>} : memref<16x2048xi32, #tpu.memory_space<vmem>>, vector<16xi32>,
          %parallel_loop3A_478 = vector.bitcast %parallel_loop3A_477 : vector<16xi32> to vector<32xbf16>
          %parallel_loop3A_479 = arith.mulf %parallel_loop3A_478, %pack3A_325 : vector<32xbf16>
          %parallel_loop3A_480 = arith.constant 16 : i32
          %parallel_loop3A_481 = arith.muli %parallel_loop3A_463, %parallel_loop3A_480 : i32
          %parallel_loop3A_482 = arith.constant 1 : i32
          %parallel_loop3A_483 = arith.index_cast %parallel_loop3A_482 : i32 to index
          %parallel_loop3A_484 = arith.index_cast %parallel_loop3A_481 : i32 to index
          %parallel_loop3A_485 = tpu.vector_load %arg11[%parallel_loop3A_483, %parallel_loop3A_484] {strides = array<i32>} : memref<16x2048xi32, #tpu.memory_space<vmem>>, vector<16xi32>,
          %parallel_loop3A_486 = vector.bitcast %parallel_loop3A_485 : vector<16xi32> to vector<32xbf16>
          %parallel_loop3A_487 = arith.mulf %parallel_loop3A_486, %pack3A_227 : vector<32xbf16>
          %parallel_loop3A_488 = arith.addf %parallel_loop3A_471, %parallel_loop3A_487 : vector<32xbf16>
          %parallel_loop3A_489 = arith.constant 16 : i32
          %parallel_loop3A_490 = arith.muli %parallel_loop3A_463, %parallel_loop3A_489 : i32
          %parallel_loop3A_491 = arith.constant 9 : i32
          %parallel_loop3A_492 = arith.index_cast %parallel_loop3A_491 : i32 to index
          %parallel_loop3A_493 = arith.index_cast %parallel_loop3A_490 : i32 to index
          %parallel_loop3A_494 = tpu.vector_load %arg11[%parallel_loop3A_492, %parallel_loop3A_493] {strides = array<i32>} : memref<16x2048xi32, #tpu.memory_space<vmem>>, vector<16xi32>,
          %parallel_loop3A_495 = vector.bitcast %parallel_loop3A_494 : vector<16xi32> to vector<32xbf16>
          %parallel_loop3A_496 = arith.mulf %parallel_loop3A_495, %pack3A_339 : vector<32xbf16>
          %parallel_loop3A_497 = arith.addf %parallel_loop3A_479, %parallel_loop3A_496 : vector<32xbf16>
          %parallel_loop3A_498 = arith.constant 16 : i32
          %parallel_loop3A_499 = arith.muli %parallel_loop3A_463, %parallel_loop3A_498 : i32
          %parallel_loop3A_500 = arith.constant 2 : i32
          %parallel_loop3A_501 = arith.index_cast %parallel_loop3A_500 : i32 to index
          %parallel_loop3A_502 = arith.index_cast %parallel_loop3A_499 : i32 to index
          %parallel_loop3A_503 = tpu.vector_load %arg11[%parallel_loop3A_501, %parallel_loop3A_502] {strides = array<i32>} : memref<16x2048xi32, #tpu.memory_space<vmem>>, vector<16xi32>,
          %parallel_loop3A_504 = vector.bitcast %parallel_loop3A_503 : vector<16xi32> to vector<32xbf16>
          %parallel_loop3A_505 = arith.mulf %parallel_loop3A_504, %pack3A_241 : vector<32xbf16>
          %parallel_loop3A_506 = arith.addf %parallel_loop3A_488, %parallel_loop3A_505 : vector<32xbf16>
          %parallel_loop3A_507 = arith.constant 16 : i32
          %parallel_loop3A_508 = arith.muli %parallel_loop3A_463, %parallel_loop3A_507 : i32
          %parallel_loop3A_509 = arith.constant 10 : i32
          %parallel_loop3A_510 = arith.index_cast %parallel_loop3A_509 : i32 to index
          %parallel_loop3A_511 = arith.index_cast %parallel_loop3A_508 : i32 to index
          %parallel_loop3A_512 = tpu.vector_load %arg11[%parallel_loop3A_510, %parallel_loop3A_511] {strides = array<i32>} : memref<16x2048xi32, #tpu.memory_space<vmem>>, vector<16xi32>,
          %parallel_loop3A_513 = vector.bitcast %parallel_loop3A_512 : vector<16xi32> to vector<32xbf16>
          %parallel_loop3A_514 = arith.mulf %parallel_loop3A_513, %pack3A_353 : vector<32xbf16>
          %parallel_loop3A_515 = arith.addf %parallel_loop3A_497, %parallel_loop3A_514 : vector<32xbf16>
          %parallel_loop3A_516 = arith.constant 16 : i32
          %parallel_loop3A_517 = arith.muli %parallel_loop3A_463, %parallel_loop3A_516 : i32
          %parallel_loop3A_518 = arith.constant 3 : i32
          %parallel_loop3A_519 = arith.index_cast %parallel_loop3A_518 : i32 to index
          %parallel_loop3A_520 = arith.index_cast %parallel_loop3A_517 : i32 to index
          %parallel_loop3A_521 = tpu.vector_load %arg11[%parallel_loop3A_519, %parallel_loop3A_520] {strides = array<i32>} : memref<16x2048xi32, #tpu.memory_space<vmem>>, vector<16xi32>,
          %parallel_loop3A_522 = vector.bitcast %parallel_loop3A_521 : vector<16xi32> to vector<32xbf16>
          %parallel_loop3A_523 = arith.mulf %parallel_loop3A_522, %pack3A_255 : vector<32xbf16>
          %parallel_loop3A_524 = arith.addf %parallel_loop3A_506, %parallel_loop3A_523 : vector<32xbf16>
          %parallel_loop3A_525 = arith.constant 16 : i32
          %parallel_loop3A_526 = arith.muli %parallel_loop3A_463, %parallel_loop3A_525 : i32
          %parallel_loop3A_527 = arith.constant 11 : i32
          %parallel_loop3A_528 = arith.index_cast %parallel_loop3A_527 : i32 to index
          %parallel_loop3A_529 = arith.index_cast %parallel_loop3A_526 : i32 to index
          %parallel_loop3A_530 = tpu.vector_load %arg11[%parallel_loop3A_528, %parallel_loop3A_529] {strides = array<i32>} : memref<16x2048xi32, #tpu.memory_space<vmem>>, vector<16xi32>,
          %parallel_loop3A_531 = vector.bitcast %parallel_loop3A_530 : vector<16xi32> to vector<32xbf16>
          %parallel_loop3A_532 = arith.mulf %parallel_loop3A_531, %pack3A_367 : vector<32xbf16>
          %parallel_loop3A_533 = arith.addf %parallel_loop3A_515, %parallel_loop3A_532 : vector<32xbf16>
          %parallel_loop3A_534 = arith.constant 16 : i32
          %parallel_loop3A_535 = arith.muli %parallel_loop3A_463, %parallel_loop3A_534 : i32
          %parallel_loop3A_536 = arith.constant 4 : i32
          %parallel_loop3A_537 = arith.index_cast %parallel_loop3A_536 : i32 to index
          %parallel_loop3A_538 = arith.index_cast %parallel_loop3A_535 : i32 to index
          %parallel_loop3A_539 = tpu.vector_load %arg11[%parallel_loop3A_537, %parallel_loop3A_538] {strides = array<i32>} : memref<16x2048xi32, #tpu.memory_space<vmem>>, vector<16xi32>,
          %parallel_loop3A_540 = vector.bitcast %parallel_loop3A_539 : vector<16xi32> to vector<32xbf16>
          %parallel_loop3A_541 = arith.mulf %parallel_loop3A_540, %pack3A_269 : vector<32xbf16>
          %parallel_loop3A_542 = arith.addf %parallel_loop3A_524, %parallel_loop3A_541 : vector<32xbf16>
          %parallel_loop3A_543 = arith.constant 16 : i32
          %parallel_loop3A_544 = arith.muli %parallel_loop3A_463, %parallel_loop3A_543 : i32
          %parallel_loop3A_545 = arith.constant 12 : i32
          %parallel_loop3A_546 = arith.index_cast %parallel_loop3A_545 : i32 to index
          %parallel_loop3A_547 = arith.index_cast %parallel_loop3A_544 : i32 to index
          %parallel_loop3A_548 = tpu.vector_load %arg11[%parallel_loop3A_546, %parallel_loop3A_547] {strides = array<i32>} : memref<16x2048xi32, #tpu.memory_space<vmem>>, vector<16xi32>,
          %parallel_loop3A_549 = vector.bitcast %parallel_loop3A_548 : vector<16xi32> to vector<32xbf16>
          %parallel_loop3A_550 = arith.mulf %parallel_loop3A_549, %pack3A_381 : vector<32xbf16>
          %parallel_loop3A_551 = arith.addf %parallel_loop3A_533, %parallel_loop3A_550 : vector<32xbf16>
          %parallel_loop3A_552 = arith.constant 16 : i32
          %parallel_loop3A_553 = arith.muli %parallel_loop3A_463, %parallel_loop3A_552 : i32
          %parallel_loop3A_554 = arith.constant 5 : i32
          %parallel_loop3A_555 = arith.index_cast %parallel_loop3A_554 : i32 to index
          %parallel_loop3A_556 = arith.index_cast %parallel_loop3A_553 : i32 to index
          %parallel_loop3A_557 = tpu.vector_load %arg11[%parallel_loop3A_555, %parallel_loop3A_556] {strides = array<i32>} : memref<16x2048xi32, #tpu.memory_space<vmem>>, vector<16xi32>,
          %parallel_loop3A_558 = vector.bitcast %parallel_loop3A_557 : vector<16xi32> to vector<32xbf16>
          %parallel_loop3A_559 = arith.mulf %parallel_loop3A_558, %pack3A_283 : vector<32xbf16>
          %parallel_loop3A_560 = arith.addf %parallel_loop3A_542, %parallel_loop3A_559 : vector<32xbf16>
          %parallel_loop3A_561 = arith.constant 16 : i32
          %parallel_loop3A_562 = arith.muli %parallel_loop3A_463, %parallel_loop3A_561 : i32
          %parallel_loop3A_563 = arith.constant 13 : i32
          %parallel_loop3A_564 = arith.index_cast %parallel_loop3A_563 : i32 to index
          %parallel_loop3A_565 = arith.index_cast %parallel_loop3A_562 : i32 to index
          %parallel_loop3A_566 = tpu.vector_load %arg11[%parallel_loop3A_564, %parallel_loop3A_565] {strides = array<i32>} : memref<16x2048xi32, #tpu.memory_space<vmem>>, vector<16xi32>,
          %parallel_loop3A_567 = vector.bitcast %parallel_loop3A_566 : vector<16xi32> to vector<32xbf16>
          %parallel_loop3A_568 = arith.mulf %parallel_loop3A_567, %pack3A_395 : vector<32xbf16>
          %parallel_loop3A_569 = arith.addf %parallel_loop3A_551, %parallel_loop3A_568 : vector<32xbf16>
          %parallel_loop3A_570 = arith.constant 16 : i32
          %parallel_loop3A_571 = arith.muli %parallel_loop3A_463, %parallel_loop3A_570 : i32
          %parallel_loop3A_572 = arith.constant 6 : i32
          %parallel_loop3A_573 = arith.index_cast %parallel_loop3A_572 : i32 to index
          %parallel_loop3A_574 = arith.index_cast %parallel_loop3A_571 : i32 to index
          %parallel_loop3A_575 = tpu.vector_load %arg11[%parallel_loop3A_573, %parallel_loop3A_574] {strides = array<i32>} : memref<16x2048xi32, #tpu.memory_space<vmem>>, vector<16xi32>,
          %parallel_loop3A_576 = vector.bitcast %parallel_loop3A_575 : vector<16xi32> to vector<32xbf16>
          %parallel_loop3A_577 = arith.mulf %parallel_loop3A_576, %pack3A_297 : vector<32xbf16>
          %parallel_loop3A_578 = arith.addf %parallel_loop3A_560, %parallel_loop3A_577 : vector<32xbf16>
          %parallel_loop3A_579 = arith.constant 16 : i32
          %parallel_loop3A_580 = arith.muli %parallel_loop3A_463, %parallel_loop3A_579 : i32
          %parallel_loop3A_581 = arith.constant 14 : i32
          %parallel_loop3A_582 = arith.index_cast %parallel_loop3A_581 : i32 to index
          %parallel_loop3A_583 = arith.index_cast %parallel_loop3A_580 : i32 to index
          %parallel_loop3A_584 = tpu.vector_load %arg11[%parallel_loop3A_582, %parallel_loop3A_583] {strides = array<i32>} : memref<16x2048xi32, #tpu.memory_space<vmem>>, vector<16xi32>,
          %parallel_loop3A_585 = vector.bitcast %parallel_loop3A_584 : vector<16xi32> to vector<32xbf16>
          %parallel_loop3A_586 = arith.mulf %parallel_loop3A_585, %pack3A_409 : vector<32xbf16>
          %parallel_loop3A_587 = arith.addf %parallel_loop3A_569, %parallel_loop3A_586 : vector<32xbf16>
          %parallel_loop3A_588 = arith.constant 16 : i32
          %parallel_loop3A_589 = arith.muli %parallel_loop3A_463, %parallel_loop3A_588 : i32
          %parallel_loop3A_590 = arith.constant 7 : i32
          %parallel_loop3A_591 = arith.index_cast %parallel_loop3A_590 : i32 to index
          %parallel_loop3A_592 = arith.index_cast %parallel_loop3A_589 : i32 to index
          %parallel_loop3A_593 = tpu.vector_load %arg11[%parallel_loop3A_591, %parallel_loop3A_592] {strides = array<i32>} : memref<16x2048xi32, #tpu.memory_space<vmem>>, vector<16xi32>,
          %parallel_loop3A_594 = vector.bitcast %parallel_loop3A_593 : vector<16xi32> to vector<32xbf16>
          %parallel_loop3A_595 = arith.mulf %parallel_loop3A_594, %pack3A_311 : vector<32xbf16>
          %parallel_loop3A_596 = arith.addf %parallel_loop3A_578, %parallel_loop3A_595 : vector<32xbf16>
          %parallel_loop3A_597 = arith.constant 16 : i32
          %parallel_loop3A_598 = arith.muli %parallel_loop3A_463, %parallel_loop3A_597 : i32
          %parallel_loop3A_599 = arith.constant 15 : i32
          %parallel_loop3A_600 = arith.index_cast %parallel_loop3A_599 : i32 to index
          %parallel_loop3A_601 = arith.index_cast %parallel_loop3A_598 : i32 to index
          %parallel_loop3A_602 = tpu.vector_load %arg11[%parallel_loop3A_600, %parallel_loop3A_601] {strides = array<i32>} : memref<16x2048xi32, #tpu.memory_space<vmem>>, vector<16xi32>,
          %parallel_loop3A_603 = vector.bitcast %parallel_loop3A_602 : vector<16xi32> to vector<32xbf16>
          %parallel_loop3A_604 = arith.mulf %parallel_loop3A_603, %pack3A_423 : vector<32xbf16>
          %parallel_loop3A_605 = arith.addf %parallel_loop3A_587, %parallel_loop3A_604 : vector<32xbf16>
          %parallel_loop3A_606 = tpu.unpack_subelements %parallel_loop3A_596, 0 {pack_format = #tpu.pack_format<interleaved>} : vector<32xbf16> -> vector<16xf32>
          %parallel_loop3A_607 = tpu.unpack_subelements %parallel_loop3A_596, 1 {pack_format = #tpu.pack_format<interleaved>} : vector<32xbf16> -> vector<16xf32>
          %parallel_loop3A_608 = tpu.unpack_subelements %parallel_loop3A_605, 0 {pack_format = #tpu.pack_format<interleaved>} : vector<32xbf16> -> vector<16xf32>
          %parallel_loop3A_609 = tpu.unpack_subelements %parallel_loop3A_605, 1 {pack_format = #tpu.pack_format<interleaved>} : vector<32xbf16> -> vector<16xf32>
          %parallel_loop3A_610 = arith.addf %parallel_loop3A_606, %parallel_loop3A_607 : vector<16xf32>
          %parallel_loop3A_611 = arith.addf %parallel_loop3A_608, %parallel_loop3A_609 : vector<16xf32>
          %parallel_loop3A_612 = tpu.pack_subelements %parallel_loop3A_610, %parallel_loop3A_611 {pack_format = #tpu.pack_format<interleaved>, positions = array<i32: 0, 1>} : vector<16xf32>, vector<16xf32> -> vector<32xbf16>
          %parallel_loop3A_613 = vector.bitcast %parallel_loop3A_612 : vector<32xbf16> to vector<16xi32>
          %parallel_loop3A_614 = arith.constant 16 : i32
          %parallel_loop3A_615 = arith.muli %parallel_loop3A_463, %parallel_loop3A_614 : i32
          %parallel_loop3A_616 = arith.index_cast %select_n3A_173 : i32 to index
          %parallel_loop3A_617 = arith.index_cast %select_n3A_439 : i32 to index
          %parallel_loop3A_618 = arith.index_cast %parallel_loop3A_615 : i32 to index
          %parallel_loop3A_619 = tpu.vector_load %arg12[%parallel_loop3A_616, %parallel_loop3A_617, %parallel_loop3A_618] {strides = array<i32>} : memref<2x2x2048xi32, #tpu.memory_space<vmem>>, vector<16xi32>,
          tpu.vector_store %arg12[%parallel_loop3A_616, %parallel_loop3A_617, %parallel_loop3A_618], %parallel_loop3A_613 {strides = array<i32>} : memref<2x2x2048xi32, #tpu.memory_space<vmem>>, vector<16xi32>,
        } {sc.loop_unroll_factor = 2 : i64, sc.parallel_access}
        %jit3A_442 = arith.constant 2 : i32
        %eq3A_443 = arith.constant 0 : i32
        %eq3A_444 = arith.cmpi eq, %jit3A_442, %eq3A_443 : i32
        %jit3A_445 = arith.constant 1 : i32
        %select_n3A_446 = arith.select %eq3A_444, %jit3A_445, %jit3A_442 : i32
        %rem3A_447 = arith.remsi %scan3A_66, %select_n3A_446 : i32
        %ne3A_448 = arith.constant 0 : i32
        %ne3A_449 = arith.cmpi ne, %rem3A_447, %ne3A_448 : i32
        %lt3A_450 = arith.constant 0 : i32
        %lt3A_451 = arith.cmpi slt, %rem3A_447, %lt3A_450 : i32
        %lt3A_452 = arith.constant 0 : i32
        %lt3A_453 = arith.cmpi slt, %select_n3A_446, %lt3A_452 : i32
        %ne3A_454 = arith.xori %lt3A_451, %lt3A_453 : i1
        %and3A_455 = arith.andi %ne3A_454, %ne3A_449 : i1
        %add3A_456 = arith.addi %rem3A_447, %select_n3A_446 : i32
        %select_n3A_457 = arith.select %and3A_455, %add3A_456, %rem3A_447 : i32
        %eq3A_458 = arith.constant 1 : i32
        %eq3A_459 = arith.cmpi eq, %select_n3A_457, %eq3A_458 : i32
        %convert_element_type3A_460 = arith.extui %eq3A_459 : i1 to i32
        %cond3A_461 = arith.constant 0 : i32
        %cond3A_462 = arith.cmpi ne, %convert_element_type3A_460, %cond3A_461 : i32
        scf.if %cond3A_462 {
          %mul3A_463 = arith.constant 2 : i32
          %mul3A_464 = arith.muli %select_n3A_157, %mul3A_463 : i32
          %add3A_465 = arith.addi %mul3A_4, %mul3A_464 : i32
          %dma_start3A_466 = arith.constant 0 : i32
          %dma_start3A_467 = arith.constant 0 : i32
          %dma_start3A_468 = tpu.memref_slice %arg12[%select_n3A_173, %dma_start3A_466, %dma_start3A_467] : memref<2x2x2048xi32, #tpu.memory_space<vmem>> -> memref<1x2x2048xi32, #tpu.memory_space<vmem>>
          %dma_start3A_469 = tpu.memref_squeeze %dma_start3A_468 : memref<1x2x2048xi32, #tpu.memory_space<vmem>> -> memref<2x2048xi32, #tpu.memory_space<vmem>>
          %dma_start3A_470 = tpu.memref_bitcast %arg5 : memref<8192x2048xbf16, #tpu.memory_space<hbm>> -> memref<4096x2048xi32, #tpu.memory_space<hbm>>
          %dma_start3A_471 = arith.constant 0 : i32
          %dma_start3A_472 = tpu.memref_slice %dma_start3A_470[%add3A_465, %dma_start3A_471] : memref<4096x2048xi32, #tpu.memory_space<hbm>> -> memref<2x2048xi32, #tpu.memory_space<hbm>>
          %dma_start3A_473 = tpu.memref_bitcast %arg5 : memref<8192x2048xbf16, #tpu.memory_space<hbm>> -> memref<4096x2048xi32, #tpu.memory_space<hbm>>
          %dma_start3A_474 = arith.constant 0 : i32
          %dma_start3A_475 = tpu.memref_slice %dma_start3A_473[%add3A_465, %dma_start3A_474] : memref<4096x2048xi32, #tpu.memory_space<hbm>> -> memref<2x2048xi32, #tpu.memory_space<hbm>>
          %dma_start3A_476 = arith.constant 0 : i32
          %dma_start3A_477 = arith.constant 0 : i32
          %dma_start3A_478 = tpu.memref_slice %arg12[%select_n3A_173, %dma_start3A_476, %dma_start3A_477] : memref<2x2x2048xi32, #tpu.memory_space<vmem>> -> memref<1x2x2048xi32, #tpu.memory_space<vmem>>
          %dma_start3A_479 = tpu.memref_squeeze %dma_start3A_478 : memref<1x2x2048xi32, #tpu.memory_space<vmem>> -> memref<2x2048xi32, #tpu.memory_space<vmem>>
          tpu.enqueue_dma source(%dma_start3A_479 : memref<2x2048xi32, #tpu.memory_space<vmem>>) target(%dma_start3A_475 : memref<2x2048xi32, #tpu.memory_space<hbm>>) target_semaphore(%arg16 : memref<!tpu.dma_semaphore, #tpu.memory_space<semaphore_mem>>)
        } else {
        }
      } else {
      }
      %scan3A_122 = arith.constant 0 : i32
      scf.yield %scan3A_122 : i32
    }
    %scan3A_32 = arith.constant 128 : i32
    %add3A_33 = arith.constant 124 : i32
    %add3A_34 = arith.addi %mul3A_4, %add3A_33 : i32
    %dma_wait3A = arith.constant 0 : i32
    %dma_wait3A_35 = arith.constant 0 : i32
    %dma_wait3A_36 = arith.constant 0 : i32
    %dma_wait3A_37 = tpu.memref_slice %arg12[%dma_wait3A, %dma_wait3A_35, %dma_wait3A_36] : memref<2x2x2048xi32, #tpu.memory_space<vmem>> -> memref<1x2x2048xi32, #tpu.memory_space<vmem>>
    %dma_wait3A_38 = tpu.memref_squeeze %dma_wait3A_37 : memref<1x2x2048xi32, #tpu.memory_space<vmem>> -> memref<2x2048xi32, #tpu.memory_space<vmem>>
    %dma_wait3A_39 = tpu.memref_bitcast %arg5 : memref<8192x2048xbf16, #tpu.memory_space<hbm>> -> memref<4096x2048xi32, #tpu.memory_space<hbm>>
    %dma_wait3A_40 = arith.constant 0 : i32
    %dma_wait3A_41 = tpu.memref_slice %dma_wait3A_39[%add3A_34, %dma_wait3A_40] : memref<4096x2048xi32, #tpu.memory_space<hbm>> -> memref<2x2048xi32, #tpu.memory_space<hbm>>
    %dma_wait3A_42 = tpu.memref_bitcast %arg5 : memref<8192x2048xbf16, #tpu.memory_space<hbm>> -> memref<4096x2048xi32, #tpu.memory_space<hbm>>
    %dma_wait3A_43 = arith.constant 0 : i32
    %dma_wait3A_44 = tpu.memref_slice %dma_wait3A_42[%add3A_34, %dma_wait3A_43] : memref<4096x2048xi32, #tpu.memory_space<hbm>> -> memref<2x2048xi32, #tpu.memory_space<hbm>>
    %dma_wait3A_45 = arith.constant 0 : i32
    %dma_wait3A_46 = arith.constant 0 : i32
    %dma_wait3A_47 = tpu.memref_slice %arg12[%dma_wait3A, %dma_wait3A_45, %dma_wait3A_46] : memref<2x2x2048xi32, #tpu.memory_space<vmem>> -> memref<1x2x2048xi32, #tpu.memory_space<vmem>>
    %dma_wait3A_48 = tpu.memref_squeeze %dma_wait3A_47 : memref<1x2x2048xi32, #tpu.memory_space<vmem>> -> memref<2x2048xi32, #tpu.memory_space<vmem>>
    tpu.wait_dma2 semaphore(%arg16 : memref<!tpu.dma_semaphore, #tpu.memory_space<semaphore_mem>>) src(%dma_wait3A_48 : memref<2x2048xi32, #tpu.memory_space<vmem>>) dst(%dma_wait3A_44 : memref<2x2048xi32, #tpu.memory_space<hbm>>)
    %add3A_49 = arith.constant 126 : i32
    %add3A_50 = arith.addi %mul3A_4, %add3A_49 : i32
    %dma_wait3A_51 = arith.constant 1 : i32
    %dma_wait3A_52 = arith.constant 0 : i32
    %dma_wait3A_53 = arith.constant 0 : i32
    %dma_wait3A_54 = tpu.memref_slice %arg12[%dma_wait3A_51, %dma_wait3A_52, %dma_wait3A_53] : memref<2x2x2048xi32, #tpu.memory_space<vmem>> -> memref<1x2x2048xi32, #tpu.memory_space<vmem>>
    %dma_wait3A_55 = tpu.memref_squeeze %dma_wait3A_54 : memref<1x2x2048xi32, #tpu.memory_space<vmem>> -> memref<2x2048xi32, #tpu.memory_space<vmem>>
    %dma_wait3A_56 = tpu.memref_bitcast %arg5 : memref<8192x2048xbf16, #tpu.memory_space<hbm>> -> memref<4096x2048xi32, #tpu.memory_space<hbm>>
    %dma_wait3A_57 = arith.constant 0 : i32
    %dma_wait3A_58 = tpu.memref_slice %dma_wait3A_56[%add3A_50, %dma_wait3A_57] : memref<4096x2048xi32, #tpu.memory_space<hbm>> -> memref<2x2048xi32, #tpu.memory_space<hbm>>
    %dma_wait3A_59 = tpu.memref_bitcast %arg5 : memref<8192x2048xbf16, #tpu.memory_space<hbm>> -> memref<4096x2048xi32, #tpu.memory_space<hbm>>
    %dma_wait3A_60 = arith.constant 0 : i32
    %dma_wait3A_61 = tpu.memref_slice %dma_wait3A_59[%add3A_50, %dma_wait3A_60] : memref<4096x2048xi32, #tpu.memory_space<hbm>> -> memref<2x2048xi32, #tpu.memory_space<hbm>>
    %dma_wait3A_62 = arith.constant 0 : i32
    %dma_wait3A_63 = arith.constant 0 : i32
    %dma_wait3A_64 = tpu.memref_slice %arg12[%dma_wait3A_51, %dma_wait3A_62, %dma_wait3A_63] : memref<2x2x2048xi32, #tpu.memory_space<vmem>> -> memref<1x2x2048xi32, #tpu.memory_space<vmem>>
    %dma_wait3A_65 = tpu.memref_squeeze %dma_wait3A_64 : memref<1x2x2048xi32, #tpu.memory_space<vmem>> -> memref<2x2048xi32, #tpu.memory_space<vmem>>
    tpu.wait_dma2 semaphore(%arg16 : memref<!tpu.dma_semaphore, #tpu.memory_space<semaphore_mem>>) src(%dma_wait3A_65 : memref<2x2048xi32, #tpu.memory_space<vmem>>) dst(%dma_wait3A_61 : memref<2x2048xi32, #tpu.memory_space<hbm>>)
    return
  }
}

</mosaic_0001>

<sc_bundles>
// kernel: kernel.3.cloned.1.call-start
scs
__scs_entry_jumppad:
0x0: {  	(pc) =	sbr.rel $0x88, $3  }
0x1: {  	(tag) =	ssettag $0x0;
	lr =	simm.s32 $0x1  }
0x2: {  	[smem:$0x3F9E] =	sst lr;
	_ =	strace $0xD0000000  }
0x3: {  	_ = 	snop  }
0x4: {  	_ = 	snop  }
0x5: {  	_ = 	snop  }
0x6: {  	_ = 	snop  }
0x7: {  	_ = 	snop  }
__scs_overlays_trampoline_lowered:
0x8: {  	[smem:$0x3FAD] =	sst s0  }
0x9: {  	[smem:$0x3FAE] =	sst s1  }
0xa: {  	[smem:$0x3FAF] =	sst s2  }
0xb: {  	[smem:$0x3FB0] =	sst s3  }
0xc: {  	[smem:$0x3FB1] =	sst s4  }
0xd: {  	[smem:$0x3FB2] =	sst s5  }
0xe: {  	[smem:$0x3FB3] =	sst s6  }
0xf: {  	[smem:$0x3FB4] =	sst s7  }
0x10: {  	[smem:$0x3FB5] =	sst s8  }
0x11: {  	[smem:$0x3FB6] =	sst s9;
	s0 =	simm.s32 @!p0 $0x0  }
0x12: {  	s1 =	sld [smem:$0x3F9C];
	s0 =	simm.s32 @p0 $0x1  }
0x13: {  	[smem:$0x3FB7] =	sst s0;
	s0 =	simm.s32 @!p1 $0x0  }
0x14: {  	s2 =	sld [smem:$0x3F9B];
	s0 =	simm.s32 @p1 $0x1  }
0x15: {  	[smem:$0x3FB8] =	sst s0;
	s0 =	simm.s32 @!p2 $0x0  }
0x16: {  	s3 =	sld [smem:$0x3FDB];
	s0 =	simm.s32 @p2 $0x1  }
0x17: {  	s4 =	simm.s32 $0x1BF5;
	[smem:$0x3FBA] =	sst s0  }
0x18: {  	s0 =	sld [smem:$0x3F9D];
	_ =	swait.ge [sflag:s4], $0x0  }
0x19: {  	s7 =	sld [smem:$0x3F9E]  }
0x1a: {  	s8 =	sadd.s32 $0xFFFFE003, lr  }
0x1b: {  	s9 =	sadd.s32 $0xFFFFFEF7, lr;
	s5 =	simm.s32 $0xFFFFFFFF;
	p2 =	slt.u32 s8, $0xFFFFF086  }
0x1c: {  	p1 =	slt.u32 s9, $0xF7A;
	s5 =	simm.s32 @!p2 $0x0  }
0x1d: {  	s5 =	simm.s32 @p1 $0x1;
	p0 =	seq.s32 s7, s2  }
0x1e: {  	s7 =	smul.u32 @!p0 $0xF7A, s2;
	p2 =	seq.s32 @!p0 s5, $0x0  }
0x1f: {  	s9 =	smul.u32 $0xF7A, s1;
	s8 =	simm.s32 @!p0 $0x1BF5;
	p2 =	por !p2, p0  }
0x20: {  	[sflag:s8] =	ssyncset.s32 @!p0 $0xFFFFF086;
	s6 =	sadd.s32 @!p0 s3, s7;
	s7 =	simm.s32 @!p0 $0x108  }
0x21: {  	s3 =	sadd.s32 s3, s9;
	s6 =	sadd.s32 @!p0 $0x88, s6;
	s7 =	simm.s32 @p2 $0x1082  }
0x22: {  	[simem:s7], [sflag:s8] =	dma.local @!p0 [hbm:s6], $0xF7A  }
0x23: {  	s9 =	sor.u32 $0xD0000000, s2;
	s6 =	simm.s32 $0x108;
	_ =	swait.ge @!p0 [sflag:s8], $0x0  }
0x24: {  	s3 =	sadd.s32 $0x88, s3;
	s6 =	simm.s32 @!p1 $0x1082;
	[sflag:s4] =	ssyncset.s32 $0xFFFFF086  }
0x25: {  	[simem:s6], [sflag:s4] =	dma.local [hbm:s3], $0xF7A  }
0x26: {  	[smem:$0x3F9E] =	sst s1;
	(tag) =	ssettag s2;
	_ =	strace s9  }
0x27: {  	s1 =	sld [smem:$0x3FAE]  }
0x28: {  	s2 =	sld [smem:$0x3FAF]  }
0x29: {  	s4 =	sld [smem:$0x3FB1]  }
0x2a: {  	p0 =	seq.s32 s5, $0x0;
	s5 =	sld [smem:$0x3FB2]  }
0x2b: {  	s6 =	sld [smem:$0x3FB3]  }
0x2c: {  	s7 =	sld [smem:$0x3FB4]  }
0x2d: {  	s3 =	simm.s32 $0x108;
	s8 =	sld [smem:$0x3FB5]  }
0x2e: {  	s3 =	simm.s32 @!p0 $0x1082;
	s9 =	sld [smem:$0x3FB6]  }
0x2f: {  	lr =	sadd.s32 s0, s3;
	s0 =	sld [smem:$0x3FAD]  }
0x30: {  	s3 =	sld [smem:$0x3FB0]  }
0x31: {  	[smem:$0x3FB9] =	sst s10  }
0x32: {  	s10 =	sld [smem:$0x3FB7];
	_ =	sdelay $0x3  }
0x33: {  	p0 =	seq.s32 s10, $0x1;
	s10 =	sld [smem:$0x3FB9];
	_ =	sdelay $0x3  }
0x34: {  	[smem:$0x3FB9] =	sst s10  }
0x35: {  	s10 =	sld [smem:$0x3FB8];
	_ =	sdelay $0x3  }
0x36: {  	p1 =	seq.s32 s10, $0x1;
	s10 =	sld [smem:$0x3FB9];
	_ =	sdelay $0x3  }
0x37: {  	[smem:$0x3FB9] =	sst s10  }
0x38: {  	s10 =	sld [smem:$0x3FBA]  }
0x39: {  	_ = 	snop;
	(pc) =	sbr.ind lr, $3  }
0x3a: {  	_ = 	snop  }
0x3b: {  	_ = 	snop  }
0x3c: {  	p2 =	seq.s32 s10, $0x1;
	s10 =	sld [smem:$0x3FB9]  }
0x3d: {  	_ =	shalt  }
0x3e: {  	_ =	shalt  }
0x3f: {  	_ =	shalt  }
0x40: {  	_ =	shalt  }
0x41: {  	_ =	shalt  }
0x42: {  	_ =	shalt  }
0x43: {  	_ =	shalt  }
0x44: {  	_ =	shalt  }
0x45: {  	_ =	shalt  }
0x46: {  	_ =	shalt  }
0x47: {  	_ =	shalt  }
0x48: {  	_ =	shalt  }
0x49: {  	_ =	shalt  }
0x4a: {  	_ =	shalt  }
0x4b: {  	_ =	shalt  }
0x4c: {  	_ =	shalt  }
0x4d: {  	_ =	shalt  }
0x4e: {  	_ =	shalt  }
0x4f: {  	_ =	shalt  }
0x50: {  	_ =	shalt  }
0x51: {  	_ =	shalt  }
0x52: {  	_ =	shalt  }
0x53: {  	_ =	shalt  }
0x54: {  	_ =	shalt  }
0x55: {  	_ =	shalt  }
0x56: {  	_ =	shalt  }
0x57: {  	_ =	shalt  }
0x58: {  	_ =	shalt  }
0x59: {  	_ =	shalt  }
0x5a: {  	_ =	shalt  }
0x5b: {  	_ =	shalt  }
0x5c: {  	_ =	shalt  }
0x5d: {  	_ =	shalt  }
0x5e: {  	_ =	shalt  }
0x5f: {  	_ =	shalt  }
0x60: {  	_ =	shalt  }
0x61: {  	_ =	shalt  }
0x62: {  	_ =	shalt  }
0x63: {  	_ =	shalt  }
0x64: {  	_ =	shalt  }
0x65: {  	_ =	shalt  }
0x66: {  	_ =	shalt  }
0x67: {  	_ =	shalt  }
0x68: {  	_ =	shalt  }
0x69: {  	_ =	shalt  }
0x6a: {  	_ =	shalt  }
0x6b: {  	_ =	shalt  }
0x6c: {  	_ =	shalt  }
0x6d: {  	_ =	shalt  }
0x6e: {  	_ =	shalt  }
0x6f: {  	_ =	shalt  }
0x70: {  	_ =	shalt  }
0x71: {  	_ =	shalt  }
0x72: {  	_ =	shalt  }
0x73: {  	_ =	shalt  }
0x74: {  	_ =	shalt  }
0x75: {  	_ =	shalt  }
0x76: {  	_ =	shalt  }
0x77: {  	_ =	shalt  }
0x78: {  	_ =	shalt  }
0x79: {  	_ =	shalt  }
0x7a: {  	_ =	shalt  }
0x7b: {  	_ =	shalt  }
0x7c: {  	_ =	shalt  }
0x7d: {  	_ =	shalt  }
0x7e: {  	_ =	shalt  }
0x7f: {  	_ =	shalt  }
0x80: {  	_ =	shalt  }
0x81: {  	_ =	shalt  }
0x82: {  	_ =	shalt  }
0x83: {  	_ =	shalt  }
0x84: {  	_ =	shalt  }
0x85: {  	_ =	shalt  }
0x86: {  	_ =	shalt  }
0x87: {  	_ =	shalt  }
.Lfunc_end0:
.L_simem_size_0:
called_computation_lowered:
.L_overlay_start_0:
0x88: {  	s2 =	sld [smem:$0x3FD9]  }
0x89: {  	s3 =	sld [smem:$0x3FFE];
	_ =	sdelay $0x1  }
0x8a: {  	s1 =	srdreg.scid  }
0x8b: {  	s0 =	sand.u32 $0x1, s1  }
0x8c: {  	s17 =	sshll.u32 s0, $0xA;
	s2 =	sadd.s32 s3, s2  }
0x8d: {  	s2 =	sadd.s32 s2, s17  }
0x8e: {  	[smem:$0x3FC5] =	sst s2  }
0x8f: {  	_ = 	snop  }
0x90: {  	s2 =	sld [smem:$0x3FC9]  }
0x91: {  	s18 =	sld [smem:$0x3FC7]  }
0x92: {  	s4 =	sld [smem:$0x3FD0];
	(tm) =	ssettm $0x1  }
0x93: {  	s5 =	sld [smem:$0x3FFB];
	_ =	sdelay $0x3  }
0x94: {  	_ =	strace s5  }
0x95: {  	s5 =	sld [smem:$0x3FFC];
	_ =	sdelay $0x3  }
0x96: {  	_ =	strace s5  }
0x97: {  	s5 =	sld [smem:$0x3FFD];
	_ =	sdelay $0x3  }
0x98: {  	_ =	strace s5  }
0x99: {  	_ =	strace $0x8FFFFFFF  }
0x9a: {  	s19 =	sld [smem:$0x3FDB];
	_ =	sdelay $0x1  }
0x9b: {  	s6 =	simm.s32 $_scs_section_size  }
0x9c: {  	s7 =	simm.s32 $_size__tile_overlayer_lowered;
	s8 =	simm.s32 $_tile_overlayer_lowered  }
0x9d: {  	s22 =	simm.s32 $0x1BFF;
	s21 =	sshll.u32 s8, $0x1;
	s5 =	sadd.s32 s6, s19  }
0x9e: {  	s9 =	simm.s32 $0x0;
	s20 =	sshll.u32 s7, $0x1;
	s7 =	sadd.s32 s21, s5  }
0x9f: {  	[timem:s9], [sflag:s22] =	dma.local [hbm:s7], s20  }
0xa0: {  	_ =	swait.ge [sflag:s22], s20  }
0xa1: {  	s6 =	ssub.s32 $0x0, s20;
	[sflag:s22] =	ssyncset.done $0x0  }
0xa2: {  	[sflag:s22] =	ssyncadd.s32 s6;
	_ =	sdelay $0x1  }
0xa3: {  	s23 =	simm.s32 $0x1B8B  }
0xa4: {  	_ =	swait.ge [sflag:s23], $0x1  }
0xa5: {  	[sflag:s23] =	ssyncset.done $0x0  }
0xa6: {  	s25 =	simm.s32 $0x1B8E;
	s24 =	sld [smem:$0x3FFE];
	[sflag:s23] =	ssyncadd.s32 $0xFFFFFFFF  }
0xa7: {  	s26 =	simm.s32 $execute0_lowered;
	[smem:$0x3FD2] =	sst s25  }
0xa8: {  	s7 =	sshll.u32 s26, $0x1;
	_ =	strace $0x80000046;
	[dreg:$0x1] =	wrdreg $0xFFFFFFFF  }
0xa9: {  	s28 =	simm.s32 $_size_execute0_lowered;
	s5 =	sadd.s32 s5, s7;
	[dreg:$0x0] =	wrdreg $0x0  }
0xaa: {  	s7 =	sshll.u32 s28, $0x1;
	[dreg:$0x2] =	wrdreg s5  }
0xab: {  	[dreg:$0x3] =	wrdreg s7  }
0xac: {  	[dreg:$0x4] =	wrdreg $0xC0  }
0xad: {  	_ =	task [dreg:s9], $0x5FFFF  }
0xae: {  	[dreg:$0x1] =	wrdreg $0xFFFFFFFF  }
0xaf: {  	[dreg:$0x0] =	wrdreg $0x60  }
0xb0: {  	[dreg:$0x2] =	wrdreg s2  }
0xb1: {  	[dreg:$0x3] =	wrdreg s24  }
0xb2: {  	[dreg:$0x4] =	wrdreg s18  }
0xb3: {  	[dreg:$0x5] =	wrdreg s4  }
0xb4: {  	[dreg:$0x6] =	wrdreg $0x9  }
0xb5: {  	_ =	task.clear_ibuf [dreg:s9], $0x7FFFF;
	_ =	strace $0x90000046  }
0xb6: {  	s29 =	simm.s32 $0x9;
	_ =	strace $0x80000048  }
0xb7: {  	_ =	swait.ge [sflag:s29], $0x1  }
0xb8: {  	[sflag:s29] =	ssyncadd.s32 $0xFFFFFFFF  }
0xb9: {  	_ =	strace $0x90000048  }
0xba: {  	_ =	sfence  }
0xbb: {  	s30 =	sld [smem:$0x0];
	_ =	sdelay $0x2  }
0xbc: {  	s31 =	sshll.u32 s1, $0xD;
	s1 =	sshrl.u32 s1, $0x2  }
0xbd: {  	s3 =	sand.u32 $0x4000, s31;
	s1 =	sadd.s32 s1, s30  }
0xbe: {  	s0 =	sor.u32 s3, s0;
	s1 =	sshll.u32 s1, $0x11  }
0xbf: {  	s0 =	sor.u32 s1, s0  }
0xc0: {  	s0 =	sadd.s32 $0x8F2B, s0  }
0xc1: {  	[sflag:s0] =	ssyncadd.remote.s32 $0x1  }
0xc2: {  	_ =	sfence.sel $0xFFFF  }
0xc3: {  	[dreg:$0x0] =	wrdreg $0xFFFFFFFF;
	(pc) =	sbr.abs _section_cstart, $3  }
0xc4: {  	[dreg:$0x1] =	wrdreg $0xFFFFFFFF  }
0xc5: {  	_ =	task.clear_ibuf [dreg:s9], $0x2FFFF;
	_ =	strace $0x9FFFFFFF  }
0xc6: {  	(tm) =	ssettm $0x7FFFFFFF  }
0xc7: {  	_ =	shalt  }
tec
execute0_lowered:
.L_overlay_start_1:
0x0: {  	(tag) =	ssettag $0x1  }
0x1: {  	s1 =	rddreg [dreg:$0x0]  }
0x2: {  	s0 =	rddreg [dreg:$0x1]  }
0x3: {  	s2 =	rddreg [dreg:$0x2];
	s5 =	simm.s32 $0x0  }
0x4: {  	[smem:$0x7FF] =	sst s5;
	s22 =	sadd.s32 $0x80, s1  }
0x5: {  	s23 =	sadd.s32 $0x100, s1;
	_ =	strace $0x80000047;
	[dreg:$0xa] =	wrdreg s22  }
0x6: {  	s3 =	srdreg.scid;
	s24 =	sadd.s32 $0x180, s1;
	[dreg:$0xb] =	wrdreg s23  }
0x7: {  	s4 =	stileid.u32;
	s25 =	sadd.s32 $0x200, s1;
	[dreg:$0xc] =	wrdreg s24  }
0x8: {  	s3 =	sand.u32 $0x1, s3;
	s26 =	sadd.s32 $0x280, s1;
	[dreg:$0xd] =	wrdreg s25  }
0x9: {  	s4 =	sshll.u32 s4, $0x1;
	s28 =	sadd.s32 $0x300, s1;
	[dreg:$0xe] =	wrdreg s26  }
0xa: {  	s29 =	sadd.s32 $0x380, s1;
	s4 =	sor.u32 s3, s4;
	[dreg:$0xf] =	wrdreg s28  }
0xb: {  	s3 =	ssub.s32 $0x2, s3;
	[dreg:$0x10] =	wrdreg s29;
	s21 =	sshll.u32 s4, $0x8  }
.Ltmp0:
0xc: {  	s6 =	sshrl.u32 s3, $0x1;
	s31 =	sshll.u32 s4, $0xF;
	(pc) =	sbr.rel .LBB2_1-.Ltmp0, $4  }
0xd: {  	s0 =	sadd.s32 s21, s0;
	s2 =	sadd.s32 s2, s21;
	[dreg:$0x12] =	wrdreg s31  }
0xe: {  	v2 =	vlaneseq.u32;
	s3 =	ssub.s32 s3, s6;
	[dreg:$0x8] =	wrdreg s2;
	s0 =	sadd.s32 $0x400, s0  }
0xf: {  	vm0 =	vmmov $0xffff;
	v1 =	vshrl.u32 v2, $0x3;
	s30 =	smax.u32 s3, $0x1;
	[dreg:$0x9] =	wrdreg s0  }
0x10: {  	v0 =	vand.u32 $0x7, v2;
	v2 =	vor.u32 $0x8, v2;
	v1 =	vmul.u32 $0x4, v1;
	s2 =	simm.s32 $0x0;
	[dreg:$0x11] =	wrdreg s30  }
.LBB2_17:
0x11: {  	s1 =	simm.s32 $0x4  }
0x12: {  	_ =	swait.ge [sflag:s1], $0x1000  }
0x13: {  	[sflag:s1] =	ssyncset.done $0x0  }
0x14: {  	[sflag:s1] =	ssyncadd.s32 $0xFFFFF000  }
0x15: {  	_ =	swait.ge [sflag:s1], $0x1000  }
0x16: {  	s2 =	rddreg [dreg:$0x13]  }
0x17: {  	s0 =	rddreg [dreg:$0x11];
	s2 =	sadd.s32 $0x1, s2  }
0x18: {  	p0 =	sne.s32 s2, s0  }
.Ltmp1:
0x19: {  	_ = 	snop;
	(pc) =	sbr.rel @!p0 .LBB2_18-.Ltmp1, $3  }
0x1a: {  	_ =	sdelay $0x1  }
0x1b: {  	[sflag:s1] =	ssyncset.done $0x0  }
0x1c: {  	[sflag:s1] =	ssyncadd.s32 $0xFFFFF000  }
.LBB2_1:
0x1d: {  	[dreg:$0x13] =	wrdreg s2  }
0x1e: {  	s0 =	simm.s32 $0x0;
	s1 =	rddreg [dreg:$0x8];
	s30 =	simm.s32 $0x5  }
0x1f: {  	[tilespmem:s0], [sflag:$0x5] =	stream.linear.gather [hbm4b:s1+s0], $0x800, $0x38;
	[tilespmem:$0x1B800] =	vst v63  }
0x20: {  	_ =	swait.ge [sflag:s30], $0x800  }
0x21: {  	[sflag:s30] =	ssyncset.done $0x0  }
0x22: {  	s3 =	simm.s32 $0x1000;
	s31 =	rddreg [dreg:$0x9];
	[sflag:s30] =	ssyncadd.s32 $0xFFFFF800  }
0x23: {  	[tilespmem:s3], [sflag:$0x5] =	stream.linear.gather [hbm4b:s31+s0], $0x800, $0x38;
	[tilespmem:$0x1B800] =	vst v63  }
0x24: {  	_ =	swait.ge [sflag:s30], $0x800  }
0x25: {  	[sflag:s30] =	ssyncset.done $0x0  }
0x26: {  	s0 =	simm.s32 $0x0;
	[sflag:s30] =	ssyncadd.s32 $0xFFFFF800  }
0x27: {  	s2 =	simm.s32 $0x40;
	v3 =	vld [tilespmem:s0+$0x0]  }
.LBB2_2:
0x28: {  	p0 =	sne.s32 s2, $0x1FC0  }
.Ltmp2:
0x29: {  	_ = 	snop;
	(pc) =	sbr.rel @p0 .LBB2_2-.Ltmp2, $3  }
0x2a: {  	_ =	sdelay $0x1  }
0x2b: {  	s3 =	sshra.s32 s2, $0x2;
	s2 =	sadd.s32 $0x40, s2;
	v4 =	vshrl.u32 v3, $0x1  }
0x2c: {  	v3 =	vld [tilespmem:s3+$0x0];
	[tilespmem:s0+$0x800] =	vst v4;
	s0 =	smov.u32 s3  }
0x2d: {  	_ =	sdelay $0x3  }
0x2e: {  	v3 =	vshrl.u32 v3, $0x1  }
0x2f: {  	[tilespmem:s0+$0x800] =	vst v3  }
0x30: {  	v3 =	vld [tilespmem:$0x800];
	_ =	sdelay $0x4  }
0x31: {  	v4 =	vshll.u32 v3, $0x4  }
0x32: {  	v3 =	vand.u32 $0x3, v3;
	v4 =	vand.u32 $0xFFFFFFC0, v4  }
0x33: {  	v3 =	vor.u32 v3, v4  }
0x34: {  	v4 =	vperm.xlane v3, v0;
	_ =	sdelay $0x1  }
0x35: {  	v4 =	vadd.s32 v1, v4;
	_ =	sdelay $0x3  }
0x36: {  	s25 =	simm.s32 $0x0;
	s23 =	rddreg [dreg:$0x0];
	s1 =	simm.s32 $0x1800  }
0x37: {  	[tilespmem:s1], [sflag:$0x1] =	stream.indirect_vreg.gather [hbm4b:s23+s25], $0x80, v4, vm0, $0xb8;
	[tilespmem:$0x1B800] =	vst v63  }
0x38: {  	s24 =	rddreg [dreg:$0xa];
	s2 =	simm.s32 $0x2000  }
0x39: {  	[tilespmem:s2], [sflag:$0x1] =	stream.indirect_vreg.gather [hbm4b:s24+s25], $0x80, v4, vm0, $0xb8;
	[tilespmem:$0x1B800] =	vst v63  }
0x3a: {  	s26 =	rddreg [dreg:$0xb];
	s3 =	simm.s32 $0x2800  }
0x3b: {  	[tilespmem:s3], [sflag:$0x1] =	stream.indirect_vreg.gather [hbm4b:s26+s25], $0x80, v4, vm0, $0xb8;
	[tilespmem:$0x1B800] =	vst v63  }
0x3c: {  	s28 =	rddreg [dreg:$0xc];
	s4 =	simm.s32 $0x3000  }
0x3d: {  	[tilespmem:s4], [sflag:$0x1] =	stream.indirect_vreg.gather [hbm4b:s28+s25], $0x80, v4, vm0, $0xb8;
	[tilespmem:$0x1B800] =	vst v63  }
0x3e: {  	s5 =	simm.s32 $0x3800;
	s4 =	rddreg [dreg:$0xd]  }
0x3f: {  	[tilespmem:s5], [sflag:$0x1] =	stream.indirect_vreg.gather [hbm4b:s4+s25], $0x80, v4, vm0, $0xb8;
	[tilespmem:$0x1B800] =	vst v63  }
0x40: {  	s6 =	simm.s32 $0x4000;
	v3 =	vperm.xlane v3, v2;
	s5 =	rddreg [dreg:$0xe]  }
0x41: {  	[tilespmem:s6], [sflag:$0x1] =	stream.indirect_vreg.gather [hbm4b:s5+s25], $0x80, v4, vm0, $0xb8;
	[tilespmem:$0x1B800] =	vst v63  }
0x42: {  	s7 =	simm.s32 $0x4800;
	v3 =	vadd.s32 v1, v3;
	s6 =	rddreg [dreg:$0xf]  }
0x43: {  	[tilespmem:s7], [sflag:$0x1] =	stream.indirect_vreg.gather [hbm4b:s6+s25], $0x80, v4, vm0, $0xb8;
	[tilespmem:$0x1B800] =	vst v63  }
0x44: {  	s8 =	simm.s32 $0x5000;
	s7 =	rddreg [dreg:$0x10]  }
0x45: {  	[tilespmem:s8], [sflag:$0x1] =	stream.indirect_vreg.gather [hbm4b:s7+s25], $0x80, v4, vm0, $0xb8;
	[tilespmem:$0x1B800] =	vst v63  }
0x46: {  	s29 =	simm.s32 $0x5800  }
0x47: {  	[tilespmem:s29], [sflag:$0x1] =	stream.indirect_vreg.gather [hbm4b:s23+s25], $0x80, v3, vm0, $0xb8;
	[tilespmem:$0x1B800] =	vst v63  }
0x48: {  	s30 =	simm.s32 $0x6000  }
0x49: {  	[tilespmem:s30], [sflag:$0x1] =	stream.indirect_vreg.gather [hbm4b:s24+s25], $0x80, v3, vm0, $0xb8;
	[tilespmem:$0x1B800] =	vst v63  }
0x4a: {  	s31 =	simm.s32 $0x6800  }
0x4b: {  	[tilespmem:s31], [sflag:$0x1] =	stream.indirect_vreg.gather [hbm4b:s26+s25], $0x80, v3, vm0, $0xb8;
	[tilespmem:$0x1B800] =	vst v63  }
0x4c: {  	s9 =	simm.s32 $0x7000  }
0x4d: {  	[tilespmem:s9], [sflag:$0x1] =	stream.indirect_vreg.gather [hbm4b:s28+s25], $0x80, v3, vm0, $0xb8;
	[tilespmem:$0x1B800] =	vst v63  }
0x4e: {  	s10 =	simm.s32 $0x7800  }
0x4f: {  	[tilespmem:s10], [sflag:$0x1] =	stream.indirect_vreg.gather [hbm4b:s4+s25], $0x80, v3, vm0, $0xb8;
	[tilespmem:$0x1B800] =	vst v63  }
0x50: {  	s11 =	simm.s32 $0x8000  }
0x51: {  	[tilespmem:s11], [sflag:$0x1] =	stream.indirect_vreg.gather [hbm4b:s5+s25], $0x80, v3, vm0, $0xb8;
	[tilespmem:$0x1B800] =	vst v63  }
0x52: {  	s12 =	simm.s32 $0x8800  }
0x53: {  	[tilespmem:s12], [sflag:$0x1] =	stream.indirect_vreg.gather [hbm4b:s6+s25], $0x80, v3, vm0, $0xb8;
	[tilespmem:$0x1B800] =	vst v63  }
0x54: {  	s13 =	simm.s32 $0x9000  }
0x55: {  	[tilespmem:s13], [sflag:$0x1] =	stream.indirect_vreg.gather [hbm4b:s7+s25], $0x80, v3, vm0, $0xb8;
	[tilespmem:$0x1B800] =	vst v63  }
0x56: {  	v3 =	vld [tilespmem:$0x810];
	_ =	sdelay $0x4  }
0x57: {  	v63 =	vshll.u32 v3, $0x4  }
0x58: {  	v3 =	vand.u32 $0x3, v3;
	v4 =	vand.u32 $0xFFFFFFC0, v63  }
0x59: {  	v3 =	vor.u32 v3, v4  }
0x5a: {  	v4 =	vperm.xlane v3, v0;
	_ =	sdelay $0x1  }
0x5b: {  	v4 =	vadd.s32 v1, v4;
	_ =	sdelay $0x3  }
0x5c: {  	s14 =	simm.s32 $0x9800  }
0x5d: {  	[tilespmem:s14], [sflag:$0x2] =	stream.indirect_vreg.gather [hbm4b:s23+s25], $0x80, v4, vm0, $0xb8;
	[tilespmem:$0x1B800] =	vst v63  }
0x5e: {  	s15 =	simm.s32 $0xA000  }
0x5f: {  	[tilespmem:s15], [sflag:$0x2] =	stream.indirect_vreg.gather [hbm4b:s24+s25], $0x80, v4, vm0, $0xb8;
	[tilespmem:$0x1B800] =	vst v63  }
0x60: {  	s16 =	simm.s32 $0xA800  }
0x61: {  	[tilespmem:s16], [sflag:$0x2] =	stream.indirect_vreg.gather [hbm4b:s26+s25], $0x80, v4, vm0, $0xb8;
	[tilespmem:$0x1B800] =	vst v63  }
0x62: {  	s17 =	simm.s32 $0xB000  }
0x63: {  	[tilespmem:s17], [sflag:$0x2] =	stream.indirect_vreg.gather [hbm4b:s28+s25], $0x80, v4, vm0, $0xb8;
	[tilespmem:$0x1B800] =	vst v63  }
0x64: {  	s18 =	simm.s32 $0xB800  }
0x65: {  	[tilespmem:s18], [sflag:$0x2] =	stream.indirect_vreg.gather [hbm4b:s4+s25], $0x80, v4, vm0, $0xb8;
	[tilespmem:$0x1B800] =	vst v63  }
0x66: {  	s19 =	simm.s32 $0xC000;
	v3 =	vperm.xlane v3, v2  }
0x67: {  	[tilespmem:s19], [sflag:$0x2] =	stream.indirect_vreg.gather [hbm4b:s5+s25], $0x80, v4, vm0, $0xb8;
	[tilespmem:$0x1B800] =	vst v63  }
0x68: {  	s20 =	simm.s32 $0xC800;
	v3 =	vadd.s32 v1, v3  }
0x69: {  	[tilespmem:s20], [sflag:$0x2] =	stream.indirect_vreg.gather [hbm4b:s6+s25], $0x80, v4, vm0, $0xb8;
	[tilespmem:$0x1B800] =	vst v63  }
0x6a: {  	s21 =	simm.s32 $0xD000  }
0x6b: {  	[tilespmem:s21], [sflag:$0x2] =	stream.indirect_vreg.gather [hbm4b:s7+s25], $0x80, v4, vm0, $0xb8;
	[tilespmem:$0x1B800] =	vst v63  }
0x6c: {  	s22 =	simm.s32 $0xD800  }
0x6d: {  	[tilespmem:s22], [sflag:$0x2] =	stream.indirect_vreg.gather [hbm4b:s23+s25], $0x80, v3, vm0, $0xb8;
	[tilespmem:$0x1B800] =	vst v63  }
0x6e: {  	s23 =	simm.s32 $0xE000  }
0x6f: {  	[tilespmem:s23], [sflag:$0x2] =	stream.indirect_vreg.gather [hbm4b:s24+s25], $0x80, v3, vm0, $0xb8;
	[tilespmem:$0x1B800] =	vst v63  }
0x70: {  	s24 =	simm.s32 $0xE800  }
0x71: {  	[tilespmem:s24], [sflag:$0x2] =	stream.indirect_vreg.gather [hbm4b:s26+s25], $0x80, v3, vm0, $0xb8;
	[tilespmem:$0x1B800] =	vst v63  }
0x72: {  	s26 =	simm.s32 $0xF000  }
0x73: {  	[tilespmem:s26], [sflag:$0x2] =	stream.indirect_vreg.gather [hbm4b:s28+s25], $0x80, v3, vm0, $0xb8;
	[tilespmem:$0x1B800] =	vst v63  }
0x74: {  	s28 =	simm.s32 $0xF800  }
0x75: {  	[tilespmem:s28], [sflag:$0x2] =	stream.indirect_vreg.gather [hbm4b:s4+s25], $0x80, v3, vm0, $0xb8;
	[tilespmem:$0x1B800] =	vst v63  }
0x76: {  	s29 =	simm.s32 $0x10000  }
0x77: {  	[tilespmem:s29], [sflag:$0x2] =	stream.indirect_vreg.gather [hbm4b:s5+s25], $0x80, v3, vm0, $0xb8;
	[tilespmem:$0x1B800] =	vst v63  }
.Ltmp3:
0x78: {  	_ = 	snop;
	(pc) =	sbr.rel .LBB2_4-.Ltmp3, $4  }
0x79: {  	s30 =	simm.s32 $0x10800  }
0x7a: {  	[tilespmem:s30], [sflag:$0x2] =	stream.indirect_vreg.gather [hbm4b:s6+s25], $0x80, v3, vm0, $0xb8;
	[tilespmem:$0x1B800] =	vst v63  }
0x7b: {  	s31 =	simm.s32 $0x11000  }
0x7c: {  	[tilespmem:s31], [sflag:$0x2] =	stream.indirect_vreg.gather [hbm4b:s7+s25], $0x80, v3, vm0, $0xb8;
	[tilespmem:$0x1B800] =	vst v63  }
.LBB2_15:
0x7d: {  	s1 =	rddreg [dreg:$0x14]  }
0x7e: {  	s0 =	sshll.u32 s25, $0x8;
	s2 =	rddreg [dreg:$0x12];
	s1 =	sshll.u32 s1, $0x5  }
0x7f: {  	s29 =	rddreg [dreg:$0x3];
	s0 =	sadd.s32 s0, s2;
	s1 =	sand.u32 $0x20, s1  }
0x80: {  	s0 =	sand.u32 $0xFFFFC00, s0;
	s1 =	sadd.s32 s29, s1  }
0x81: {  	s30 =	simm.s32 $0x100;
	s31 =	simm.s32 $0x200;
	s0 =	sadd.s32 s0, s1  }
0x82: {  	[hbm4b:s0+s30] =	stream.strided.scatter [tilespmem:s12], [sflag:$0x4], $0x1000, s31, s30, $0x38;
	[tilespmem:$0x1B800] =	vst v63  }
.LBB2_16:
0x83: {  	s25 =	sadd.s32 $0x1, s25  }
0x84: {  	p0 =	sne.s32 s25, $0x80  }
.Ltmp4:
0x85: {  	_ = 	snop;
	(pc) =	sbr.rel @!p0 .LBB2_17-.Ltmp4, $1  }
0x86: {  	_ =	sdelay $0x3  }
.LBB2_4:
0x87: {  	s0 =	smul.u32 $0xAB, s25;
	_ =	sdelay $0x1  }
0x88: {  	s0 =	sshrl.u32 s0, $0x9  }
0x89: {  	s0 =	sand.u32 $0x7F, s0  }
0x8a: {  	s0 =	smul.u32 $0x3, s0;
	_ =	sdelay $0x1  }
0x8b: {  	s0 =	ssub.s32 s25, s0  }
0x8c: {  	s0 =	sand.u32 $0xFF, s0  }
0x8d: {  	p1 =	seq.s32 s0, $0x2  }
.Ltmp5:
0x8e: {  	_ = 	snop;
	(pc) =	sbr.rel @p1 .LBB2_12-.Ltmp5, $2  }
0x8f: {  	_ =	sdelay $0x2  }
0x90: {  	p0 =	sgt.u32 s25, $0x7D  }
0x91: {  	p1 =	seq.s32 s0, $0x1  }
.Ltmp6:
0x92: {  	_ = 	snop;
	(pc) =	sbr.rel @!p1 .LBB2_6-.Ltmp6, $2  }
0x93: {  	_ =	sdelay $0x2  }
0x94: {  	s0 =	sshll.u32 @!p0 s25, $0x4  }
0x95: {  	s1 =	simm.s32 $0x2  }
0x96: {  	_ =	swait.ge [sflag:s1], $0x8000  }
0x97: {  	[sflag:s1] =	ssyncset.done $0x0  }
0x98: {  	s0 =	sand.u32 @!p0 $0x3FFFFFF0, s0;
	[sflag:s1] =	ssyncadd.s32 $0xFFFF8000  }
0x99: {  	v3 =	vld @!p0 [tilespmem:s0+$0x820];
	_ =	sdelay $0x4  }
0x9a: {  	v4 =	vshll.u32 @!p0 v3, $0x4  }
0x9b: {  	v5 =	vlaneseq.u32 @!p0;
	v3 =	vand.u32 @!p0 $0x3, v3;
	v4 =	vand.u32 @!p0 $0xFFFFFFC0, v4  }
0x9c: {  	v6 =	vshrl.u32 @!p0 v5, $0x3;
	v3 =	vor.u32 @!p0 v3, v4;
	v4 =	vand.u32 @!p0 $0x7, v5  }
0x9d: {  	v6 =	vmul.u32 @!p0 $0x4, v6;
	v4 =	vperm.xlane @!p0 v3, v4;
	_ =	sdelay $0x1  }
0x9e: {  	v4 =	vadd.s32 @!p0 v6, v4;
	_ =	sdelay $0x3  }
0x9f: {  	vm1 =	vmmov @!p0 $0xffff;
	s1 =	simm.s32 @!p0 $0x1800;
	s0 =	simm.s32 @!p0 $0x0;
	s2 =	rddreg [dreg:$0x0]  }
0xa0: {  	[tilespmem:s1], [sflag:$0x1] =	stream.indirect_vreg.gather @!p0 [hbm4b:s2+s0], $0x80, v4, vm1, $0xb8;
	[tilespmem:$0x1B800] =	vst v63  }
0xa1: {  	s3 =	rddreg [dreg:$0xa];
	s1 =	simm.s32 @!p0 $0x2000  }
0xa2: {  	[tilespmem:s1], [sflag:$0x1] =	stream.indirect_vreg.gather @!p0 [hbm4b:s3+s0], $0x80, v4, vm1, $0xb8;
	[tilespmem:$0x1B800] =	vst v63  }
0xa3: {  	s4 =	rddreg [dreg:$0xb];
	s1 =	simm.s32 @!p0 $0x2800  }
0xa4: {  	[tilespmem:s1], [sflag:$0x1] =	stream.indirect_vreg.gather @!p0 [hbm4b:s4+s0], $0x80, v4, vm1, $0xb8;
	[tilespmem:$0x1B800] =	vst v63  }
0xa5: {  	s5 =	rddreg [dreg:$0xc];
	s1 =	simm.s32 @!p0 $0x3000  }
0xa6: {  	[tilespmem:s1], [sflag:$0x1] =	stream.indirect_vreg.gather @!p0 [hbm4b:s5+s0], $0x80, v4, vm1, $0xb8;
	[tilespmem:$0x1B800] =	vst v63  }
0xa7: {  	s6 =	rddreg [dreg:$0xd];
	s1 =	simm.s32 @!p0 $0x3800  }
0xa8: {  	v5 =	vor.u32 @!p0 $0x8, v5;
	[tilespmem:s1], [sflag:$0x1] =	stream.indirect_vreg.gather @!p0 [hbm4b:s6+s0], $0x80, v4, vm1, $0xb8;
	[tilespmem:$0x1B800] =	vst v63  }
0xa9: {  	s7 =	rddreg [dreg:$0xe];
	v3 =	vperm.xlane @!p0 v3, v5;
	s1 =	simm.s32 @!p0 $0x4000  }
0xaa: {  	[tilespmem:s1], [sflag:$0x1] =	stream.indirect_vreg.gather @!p0 [hbm4b:s7+s0], $0x80, v4, vm1, $0xb8;
	[tilespmem:$0x1B800] =	vst v63  }
0xab: {  	s8 =	rddreg [dreg:$0xf];
	v3 =	vadd.s32 @!p0 v6, v3;
	s1 =	simm.s32 @!p0 $0x4800  }
0xac: {  	[tilespmem:s1], [sflag:$0x1] =	stream.indirect_vreg.gather @!p0 [hbm4b:s8+s0], $0x80, v4, vm1, $0xb8;
	[tilespmem:$0x1B800] =	vst v63  }
0xad: {  	s9 =	rddreg [dreg:$0x10];
	s1 =	simm.s32 @!p0 $0x5000  }
0xae: {  	[tilespmem:s1], [sflag:$0x1] =	stream.indirect_vreg.gather @!p0 [hbm4b:s9+s0], $0x80, v4, vm1, $0xb8;
	[tilespmem:$0x1B800] =	vst v63  }
0xaf: {  	s1 =	simm.s32 @!p0 $0x5800  }
0xb0: {  	[tilespmem:s1], [sflag:$0x1] =	stream.indirect_vreg.gather @!p0 [hbm4b:s2+s0], $0x80, v3, vm1, $0xb8;
	[tilespmem:$0x1B800] =	vst v63  }
0xb1: {  	s1 =	simm.s32 @!p0 $0x6000  }
0xb2: {  	[tilespmem:s1], [sflag:$0x1] =	stream.indirect_vreg.gather @!p0 [hbm4b:s3+s0], $0x80, v3, vm1, $0xb8;
	[tilespmem:$0x1B800] =	vst v63  }
0xb3: {  	s1 =	simm.s32 @!p0 $0x6800  }
0xb4: {  	[tilespmem:s1], [sflag:$0x1] =	stream.indirect_vreg.gather @!p0 [hbm4b:s4+s0], $0x80, v3, vm1, $0xb8;
	[tilespmem:$0x1B800] =	vst v63  }
0xb5: {  	s1 =	simm.s32 @!p0 $0x7000  }
0xb6: {  	[tilespmem:s1], [sflag:$0x1] =	stream.indirect_vreg.gather @!p0 [hbm4b:s5+s0], $0x80, v3, vm1, $0xb8;
	[tilespmem:$0x1B800] =	vst v63  }
0xb7: {  	s1 =	simm.s32 @!p0 $0x7800  }
0xb8: {  	[tilespmem:s1], [sflag:$0x1] =	stream.indirect_vreg.gather @!p0 [hbm4b:s6+s0], $0x80, v3, vm1, $0xb8;
	[tilespmem:$0x1B800] =	vst v63  }
0xb9: {  	s1 =	simm.s32 @!p0 $0x8000  }
0xba: {  	[tilespmem:s1], [sflag:$0x1] =	stream.indirect_vreg.gather @!p0 [hbm4b:s7+s0], $0x80, v3, vm1, $0xb8;
	[tilespmem:$0x1B800] =	vst v63  }
0xbb: {  	s1 =	simm.s32 @!p0 $0x8800  }
0xbc: {  	[tilespmem:s1], [sflag:$0x1] =	stream.indirect_vreg.gather @!p0 [hbm4b:s8+s0], $0x80, v3, vm1, $0xb8;
	[tilespmem:$0x1B800] =	vst v63  }
0xbd: {  	s1 =	simm.s32 @!p0 $0x9000  }
0xbe: {  	[tilespmem:s1], [sflag:$0x1] =	stream.indirect_vreg.gather @!p0 [hbm4b:s9+s0], $0x80, v3, vm1, $0xb8;
	[tilespmem:$0x1B800] =	vst v63  }
0xbf: {  	s29 =	sand.u32 $0x1, s25;
	p0 =	slt.u32 s25, $0x4  }
0xc0: {  	p1 =	sne.s32 @!p0 s29, $0x0  }
0xc1: {  	p0 =	por p1, p0  }
0xc2: {  	s0 =	simm.s32 @!p0 $0x4  }
0xc3: {  	_ =	swait.ge @!p0 [sflag:s0], $0x1000  }
0xc4: {  	[sflag:s0] =	ssyncset.done @!p0 $0x0  }
0xc5: {  	s15 =	sshll.u32 s25, $0x4;
	[sflag:s0] =	ssyncadd.s32 @!p0 $0xFFFFF000  }
0xc6: {  	v3 =	vld [tilespmem:s15+$0x0];
	_ =	sdelay $0x1  }
0xc7: {  	v4 =	vld [tilespmem:s15+$0x1000];
	_ =	sdelay $0x2  }
0xc8: {  	(v2sf) =	vpush v3, $0x0;
	_ =	sdelay $0x1  }
0xc9: {  	(v2sf) =	vpush v4, $0x0  }
0xca: {  	(v2sf) =	vpush v3, $0x1  }
0xcb: {  	(v2sf) =	vpush v4, $0x1  }
0xcc: {  	(v2sf) =	vpush v3, $0x2  }
0xcd: {  	(v2sf) =	vpush v4, $0x2  }
0xce: {  	(v2sf) =	vpush v3, $0x3  }
0xcf: {  	(v2sf) =	vpush v4, $0x3  }
0xd0: {  	(v2sf) =	vpush v3, $0x4  }
0xd1: {  	(v2sf) =	vpush v4, $0x4  }
0xd2: {  	(v2sf) =	vpush v3, $0x5  }
0xd3: {  	(v2sf) =	vpush v4, $0x5  }
0xd4: {  	(v2sf) =	vpush v3, $0x6  }
0xd5: {  	(v2sf) =	vpush v4, $0x6  }
0xd6: {  	s16 =	spop (v2sf);
	(v2sf) =	vpush v3, $0x7;
	_ =	sdelay $0x1  }
0xd7: {  	s17 =	spop (v2sf);
	(v2sf) =	vpush v4, $0x7  }
0xd8: {  	s18 =	spop (v2sf);
	(v2sf) =	vpush v3, $0x8  }
0xd9: {  	s19 =	spop (v2sf)  }
0xda: {  	s0 =	sand.u32 $0x1, s16;
	(v2sf) =	vpush v4, $0x8;
	s22 =	spop (v2sf)  }
0xdb: {  	s0 =	scvt.s32.f32 s0;
	(v2sf) =	vpush v3, $0x9;
	s23 =	spop (v2sf)  }
0xdc: {  	(v2sf) =	vpush v4, $0x9;
	s24 =	spop (v2sf)  }
0xdd: {  	s2 =	sand.u32 $0x1, s18;
	s0 =	smul.f32 s0, s17;
	(v2sf) =	vpush v3, $0xA;
	s26 =	spop (v2sf)  }
0xde: {  	s2 =	scvt.s32.f32 s2;
	s28 =	spop (v2sf)  }
0xdf: {  	s6 =	ssub.f32 s17, s0;
	s10 =	spop (v2sf)  }
0xe0: {  	s14 =	sand.u32 $0x1, s22;
	s2 =	smul.f32 s2, s19;
	s11 =	spop (v2sf)  }
0xe1: {  	s1 =	scvt.s32.f32 s14;
	s12 =	spop (v2sf)  }
0xe2: {  	(v2sf) =	vpush v4, $0xA;
	s15 =	sand.u32 $0x1, s24;
	s14 =	ssub.f32 s19, s2;
	s13 =	spop (v2sf)  }
0xe3: {  	s17 =	scvt.s32.f32 s15;
	s20 =	spop (v2sf)  }
0xe4: {  	s4 =	smul.f32 s1, s23;
	s18 =	sand.u32 $0x1, s28;
	s16 =	spop (v2sf);
	(v2sf) =	vpush v3, $0xB  }
0xe5: {  	s19 =	scvt.s32.f32 s18;
	s5 =	smul.f32 s17, s26  }
0xe6: {  	s18 =	ssub.f32 s23, s4;
	s21 =	spop (v2sf);
	(v2sf) =	vpush v4, $0xB  }
0xe7: {  	s23 =	sand.u32 $0x1, s11;
	s3 =	smul.f32 s19, s10;
	s22 =	spop (v2sf);
	(v2sf) =	vpush v3, $0xC  }
0xe8: {  	s1 =	scvt.s32.f32 s23;
	s19 =	ssub.f32 s26, s5  }
0xe9: {  	s17 =	ssub.f32 s10, s3;
	s7 =	spop (v2sf);
	(v2sf) =	vpush v4, $0xC  }
0xea: {  	s24 =	sand.u32 $0x1, s13;
	s15 =	smul.f32 s1, s12;
	s8 =	spop (v2sf);
	(v2sf) =	vpush v3, $0xD  }
0xeb: {  	s1 =	scvt.s32.f32 s24;
	s26 =	sand.u32 $0x1, s16;
	s11 =	spop (v2sf);
	(v2sf) =	vpush v4, $0xD  }
0xec: {  	s31 =	sshrl.u32 s25, $0x1;
	s10 =	scvt.s32.f32 s26;
	s28 =	spop (v2sf);
	(v2sf) =	vpush v3, $0xE  }
0xed: {  	[dreg:$0x14] =	wrdreg s31;
	s1 =	smul.f32 s1, s20  }
0xee: {  	s12 =	ssub.f32 s12, s15;
	s9 =	sand.u32 $0x1, s22;
	s16 =	smul.f32 s10, s21  }
0xef: {  	s22 =	ssub.f32 s20, s1;
	s9 =	scvt.s32.f32 s9;
	s8 =	sand.u32 $0x1, s8  }
0xf0: {  	s24 =	ssub.f32 s21, s16;
	s8 =	scvt.s32.f32 s8  }
0xf1: {  	s20 =	smul.f32 s9, s7;
	s10 =	spop (v2sf);
	s21 =	sand.u32 $0x1, s28  }
0xf2: {  	(v2sf) =	vpush v4, $0xE;
	s9 =	scvt.s32.f32 s21;
	s8 =	smul.f32 s8, s11  }
0xf3: {  	s31 =	sshll.u32 s31, $0xC;
	s7 =	ssub.f32 s7, s20;
	s23 =	spop (v2sf);
	(v2sf) =	vpush v3, $0xF  }
0xf4: {  	v10 =	vmov s5;
	s5 =	sshll.u32 s29, $0x7;
	s9 =	smul.f32 s9, s10;
	s11 =	ssub.f32 s11, s8  }
0xf5: {  	s13 =	spop (v2sf);
	s26 =	sand.u32 $0x1, s23;
	(v2sf) =	vpush v4, $0xF;
	v4 =	vmov s0;
	s0 =	sand.u32 $0x1000, s31  }
0xf6: {  	s31 =	simm.s32 $0x0;
	s21 =	scvt.s32.f32 s26;
	s28 =	spop (v2sf)  }
0xf7: {  	v6 =	vmov s2;
	v8 =	vmov s4;
	s2 =	sadd.s32 $0x19800, s0;
	s0 =	sand.u32 $0x60, s31;
	s4 =	sand.u32 $0x3C00, s31  }
0xf8: {  	v13 =	vmov s12;
	s23 =	sand.u32 $0x1, s28;
	s26 =	spop (v2sf);
	s12 =	smov.u32 s2  }
0xf9: {  	v5 =	vmov s14;
	v7 =	vmov s18;
	v11 =	vmov s17;
	s17 =	sor.u32 s5, s2;
	s5 =	sadd.s32 $0x9800, s4;
	s28 =	spop (v2sf)  }
0xfa: {  	v9 =	vmov s19;
	v12 =	vmov s3;
	v14 =	vmov s15;
	s2 =	sor.u32 $0x10, s0;
	s3 =	sadd.s32 $0xD800, s4;
	s30 =	spop (v2sf)  }
0xfb: {  	v16 =	vmov s1;
	v13 =	vpack.i.f32.bf16 v14, v13;
	v3 =	vmov s6;
	[dreg:$0x6] =	wrdreg s17;
	s14 =	sor.u32 s2, s5;
	s6 =	spop (v2sf)  }
0xfc: {  	v15 =	vmov s22;
	v18 =	vmov s16;
	v17 =	vmov s24;
	s10 =	ssub.f32 s10, s9;
	s22 =	sor.u32 s2, s3;
	v20 =	vld [tilespmem:s14+$0x0];
	s6 =	sand.u32 $0x1, s6  }
0xfd: {  	v15 =	vpack.i.f32.bf16 v16, v15;
	v21 =	vmov s20;
	v17 =	vpack.i.f32.bf16 v18, v17;
	s21 =	smul.f32 s21, s13;
	v24 =	vld [tilespmem:s22+$0x0];
	s19 =	scvt.s32.f32 s6;
	s6 =	sadd.s32 $0xD880, s4  }
0xfe: {  	v19 =	vmov s7;
	v23 =	vmov s8;
	v22 =	vmov s11;
	s23 =	scvt.s32.f32 s23;
	s28 =	sand.u32 $0x1, s28;
	v28 =	vld [tilespmem:s14+$0x80];
	s16 =	sor.u32 s2, s6  }
0xff: {  	v26 =	vmov s9;
	v25 =	vmov s10;
	v3 =	vpack.i.f32.bf16 v4, v3;
	s17 =	sadd.s32 $0xD900, s4;
	s28 =	scvt.s32.f32 s28;
	v32 =	vld [tilespmem:s16+$0x0]  }
0x100: {  	v4 =	vpack.i.f32.bf16 v6, v5;
	v5 =	vpack.i.f32.bf16 v8, v7;
	v6 =	vpack.i.f32.bf16 v10, v9;
	v34 =	vld [tilespmem:s14+$0x100];
	s20 =	sor.u32 s2, s17;
	s13 =	ssub.f32 s13, s21;
	s23 =	smul.f32 s23, s26  }
0x101: {  	v7 =	vpack.i.f32.bf16 v12, v11;
	v8 =	vpack.i.f32.bf16 v21, v19;
	v9 =	vpack.i.f32.bf16 v23, v22;
	s22 =	sadd.s32 $0xD980, s4;
	v36 =	vld [tilespmem:s20+$0x0];
	s18 =	spop (v2sf);
	s1 =	smul.f32 s28, s30  }
0x102: {  	v10 =	vpack.i.f32.bf16 v26, v25;
	v12 =	vld [tilespmem:s14+$0x180];
	v29 =	vmov s21;
	s28 =	ssub.f32 s26, s23;
	v31 =	vmov s23;
	s23 =	sor.u32 s2, s22;
	s24 =	spop (v2sf)  }
0x103: {  	v27 =	vmov s13;
	v21 =	vld [tilespmem:s23+$0x0];
	v11 =	vmul.bf16 v20, v3;
	v20 =	vmul.bf16 v28, v4;
	s8 =	sand.u32 $0x1, s24;
	s24 =	sadd.s32 $0xDA00, s4  }
0x104: {  	s15 =	ssub.f32 s30, s1;
	v30 =	vmov s28;
	v23 =	vmul.bf16 v24, v8;
	v28 =	vld [tilespmem:s14+$0x200];
	v24 =	vmul.bf16 v32, v9;
	s26 =	sor.u32 s2, s24  }
0x105: {  	v35 =	vmov s1;
	s28 =	sadd.s32 $0xDA80, s4;
	v26 =	vmul.bf16 v34, v5;
	v20 =	vadd.bf16 v20, v11;
	v25 =	vld [tilespmem:s26+$0x0]  }
0x106: {  	v60 =	vld [tilespmem:s14+$0x280];
	s7 =	smul.f32 s19, s18;
	s9 =	sor.u32 s2, s28;
	v33 =	vmov s15;
	v23 =	vadd.bf16 v24, v23;
	v24 =	vmul.bf16 v36, v10  }
0x107: {  	s10 =	sadd.s32 $0xDB00, s4;
	v11 =	vpack.i.f32.bf16 v29, v27;
	v27 =	vld [tilespmem:s9+$0x0];
	v20 =	vadd.bf16 v26, v20;
	v26 =	vmul.bf16 v12, v6  }
0x108: {  	s11 =	sor.u32 s2, s10;
	v22 =	vmov s7;
	v21 =	vmul.bf16 v21, v11;
	s8 =	scvt.s32.f32 s8;
	v23 =	vadd.bf16 v24, v23;
	v24 =	vld [tilespmem:s14+$0x300]  }
0x109: {  	s13 =	sadd.s32 $0xDB80, s4;
	s19 =	ssub.f32 s18, s7;
	v12 =	vpack.i.f32.bf16 v31, v30;
	v28 =	vmul.bf16 v28, v7;
	s21 =	spop (v2sf);
	v20 =	vadd.bf16 v26, v20;
	v26 =	vld [tilespmem:s11+$0x0]  }
0x10a: {  	v14 =	vpack.i.f32.bf16 v35, v33;
	s8 =	smul.f32 s8, s21;
	v21 =	vadd.bf16 v21, v23;
	v23 =	vmul.bf16 v25, v12;
	v25 =	vld [tilespmem:s14+$0x380];
	s14 =	sor.u32 s2, s13  }
0x10b: {  	s3 =	sor.u32 s0, s3;
	v19 =	vmov s19;
	v20 =	vadd.bf16 v28, v20;
	v28 =	vmul.bf16 v60, v13;
	v30 =	vld [tilespmem:s14+$0x0]  }
0x10c: {  	s30 =	sor.u32 s0, s5;
	v31 =	vld [tilespmem:s3+$0x0];
	v16 =	vpack.i.f32.bf16 v22, v19;
	s1 =	ssub.f32 s21, s8;
	v21 =	vadd.bf16 v23, v21;
	v23 =	vmul.bf16 v27, v14  }
0x10d: {  	v19 =	vld [tilespmem:s30+$0x0];
	v20 =	vadd.bf16 v28, v20;
	v29 =	vmov s8;
	v22 =	vmul.bf16 v24, v15  }
0x10e: {  	v59 =	vmov s1;
	v24 =	vld [tilespmem:s30+$0x80];
	v21 =	vadd.bf16 v23, v21;
	v23 =	vmul.bf16 v26, v16  }
0x10f: {  	s20 =	sor.u32 s0, s6;
	v18 =	vpack.i.f32.bf16 v29, v59;
	v29 =	vld [tilespmem:s30+$0x180];
	v20 =	vadd.bf16 v22, v20;
	v22 =	vmul.bf16 v25, v17  }
0x110: {  	v26 =	vld [tilespmem:s20+$0x0];
	v21 =	vadd.bf16 v23, v21;
	v23 =	vmul.bf16 v30, v18  }
0x111: {  	s21 =	sor.u32 s0, s17;
	v27 =	vld [tilespmem:s30+$0x100];
	v22 =	vadd.bf16 v22, v20  }
0x112: {  	s22 =	sor.u32 s0, s22;
	v28 =	vmul.bf16 v19, v3;
	v25 =	vld [tilespmem:s21+$0x0];
	v19 =	vadd.bf16 v23, v21  }
0x113: {  	s23 =	sor.u32 s0, s24;
	v24 =	vmul.bf16 v24, v4;
	v30 =	vld [tilespmem:s22+$0x0];
	v23 =	vmul.bf16 v31, v8;
	v21 =	vunpack.i.u.bf16.f32 v22  }
0x114: {  	v20 =	vld [tilespmem:s23+$0x0];
	v22 =	vunpack.i.l.bf16.f32 v22;
	v31 =	vunpack.i.u.bf16.f32 v19;
	v61 =	vunpack.i.l.bf16.f32 v19  }
0x115: {  	s4 =	sshrl.u32 s4, $0x2;
	s24 =	rddreg [dreg:$0x6];
	s26 =	sor.u32 s0, s28;
	v26 =	vmul.bf16 v26, v9;
	v62 =	vadd.f32 v22, v21;
	v21 =	vld [tilespmem:s30+$0x200];
	v31 =	vadd.f32 v61, v31  }
0x116: {  	s31 =	simm.s32 $0x0;
	s3 =	sadd.s32 s4, s24;
	v63 =	vmul.bf16 v27, v5;
	v28 =	vadd.bf16 v24, v28;
	v19 =	vld [tilespmem:s26+$0x0]  }
0x117: {  	s16 =	sor.u32 s0, s10;
	s28 =	sadd.s32 s2, s3;
	s17 =	sadd.s32 s0, s3;
	v24 =	vmul.bf16 v25, v10;
	v22 =	vld [tilespmem:s30+$0x280];
	v27 =	vadd.bf16 v26, v23;
	v31 =	vpack.i.f32.bf16 v31, v62  }
0x118: {  	s2 =	simm.s32 $0x100;
	s14 =	sor.u32 s0, s13;
	s0 =	simm.s32 $0x20;
	v25 =	vmul.bf16 v29, v6;
	v28 =	vadd.bf16 v63, v28;
	v26 =	vmul.bf16 v30, v11;
	v23 =	vld [tilespmem:s30+$0x300];
	[tilespmem:s28+$0x0] =	vst v31  }
.LBB2_10:
0x119: {  	s4 =	sand.u32 $0x60, s0;
	s6 =	sand.u32 $0x3C00, s2;
	v24 =	vadd.bf16 v24, v27;
	v27 =	vld [tilespmem:s16+$0x0]  }
0x11a: {  	s1 =	sadd.s32 $0x9800, s6;
	s5 =	sor.u32 $0x10, s4;
	v25 =	vadd.bf16 v25, v28;
	v28 =	vld [tilespmem:s30+$0x380];
	v21 =	vmul.bf16 v21, v7  }
0x11b: {  	s3 =	sadd.s32 $0xD800, s6;
	s20 =	sor.u32 s5, s1;
	v24 =	vadd.bf16 v26, v24;
	v26 =	vld [tilespmem:s14+$0x0];
	v20 =	vmul.bf16 v20, v12  }
0x11c: {  	s21 =	sor.u32 s5, s3;
	v29 =	vld [tilespmem:s20+$0x0];
	v22 =	vmul.bf16 v22, v13;
	v21 =	vadd.bf16 v21, v25  }
0x11d: {  	s22 =	sadd.s32 $0xD880, s6;
	v19 =	vmul.bf16 v19, v14;
	v25 =	vld [tilespmem:s21+$0x0];
	v20 =	vadd.bf16 v20, v24  }
0x11e: {  	s23 =	sor.u32 s5, s22;
	v23 =	vmul.bf16 v23, v15;
	v24 =	vld [tilespmem:s20+$0x80];
	v21 =	vadd.bf16 v22, v21  }
0x11f: {  	s7 =	sadd.s32 $0xD900, s6;
	v22 =	vmul.bf16 v27, v16;
	v27 =	vld [tilespmem:s23+$0x0];
	v19 =	vadd.bf16 v19, v20  }
0x120: {  	s26 =	sor.u32 s5, s7;
	v20 =	vmul.bf16 v28, v17;
	v28 =	vld [tilespmem:s20+$0x100];
	v21 =	vadd.bf16 v23, v21  }
0x121: {  	s28 =	sadd.s32 $0xD980, s6;
	v23 =	vmul.bf16 v26, v18;
	v26 =	vld [tilespmem:s26+$0x0];
	v19 =	vadd.bf16 v22, v19  }
0x122: {  	s19 =	sor.u32 s4, s3;
	s3 =	sor.u32 s4, s7;
	s7 =	sor.u32 s5, s28;
	v22 =	vld [tilespmem:s20+$0x180];
	v20 =	vadd.bf16 v20, v21  }
0x123: {  	s8 =	sadd.s32 $0xDA00, s6;
	v24 =	vmul.bf16 v24, v4;
	v21 =	vmul.bf16 v29, v3;
	v29 =	vld [tilespmem:s7+$0x0];
	v19 =	vadd.bf16 v23, v19  }
0x124: {  	s9 =	sor.u32 s5, s8;
	v23 =	vmul.bf16 v25, v8;
	v25 =	vmul.bf16 v27, v9;
	v27 =	vld [tilespmem:s20+$0x200];
	v30 =	vunpack.i.u.bf16.f32 v20  }
0x125: {  	s10 =	sadd.s32 $0xDA80, s6;
	v21 =	vadd.bf16 v24, v21;
	v24 =	vmul.bf16 v28, v5;
	v28 =	vld [tilespmem:s9+$0x0];
	v20 =	vunpack.i.l.bf16.f32 v20  }
0x126: {  	s11 =	sor.u32 s5, s10;
	v31 =	vunpack.i.u.bf16.f32 v19;
	v23 =	vadd.bf16 v25, v23;
	v25 =	vmul.bf16 v26, v10;
	v26 =	vld [tilespmem:s20+$0x280]  }
0x127: {  	s13 =	sadd.s32 $0xDB00, s6;
	v19 =	vunpack.i.l.bf16.f32 v19;
	v22 =	vmul.bf16 v22, v6;
	v21 =	vadd.bf16 v24, v21;
	v24 =	vld [tilespmem:s11+$0x0]  }
0x128: {  	s14 =	sor.u32 s5, s13;
	v20 =	vadd.f32 v20, v30;
	v23 =	vadd.bf16 v25, v23;
	v25 =	vmul.bf16 v29, v11;
	v29 =	vld [tilespmem:s20+$0x300]  }
0x129: {  	s24 =	sor.u32 s4, s22;
	s22 =	sadd.s32 $0xDB80, s6;
	v19 =	vadd.f32 v19, v31;
	v21 =	vadd.bf16 v22, v21;
	v22 =	vmul.bf16 v27, v7;
	v27 =	vld [tilespmem:s14+$0x0]  }
0x12a: {  	s23 =	sor.u32 s5, s22;
	v23 =	vadd.bf16 v25, v23;
	v25 =	vmul.bf16 v28, v12;
	v28 =	vld [tilespmem:s20+$0x380]  }
0x12b: {  	s30 =	sor.u32 s4, s1;
	v19 =	vpack.i.f32.bf16 v19, v20;
	v21 =	vadd.bf16 v22, v21;
	v22 =	vmul.bf16 v26, v13;
	v26 =	vld [tilespmem:s23+$0x0]  }
0x12c: {  	v20 =	vld [tilespmem:s30+$0x0];
	[tilespmem:s17+$0x0] =	vst v19;
	v23 =	vadd.bf16 v25, v23;
	v24 =	vmul.bf16 v24, v14  }
0x12d: {  	v19 =	vld [tilespmem:s19+$0x0];
	v21 =	vadd.bf16 v22, v21;
	v22 =	vmul.bf16 v29, v15  }
0x12e: {  	v25 =	vld [tilespmem:s30+$0x80];
	v23 =	vadd.bf16 v24, v23;
	v24 =	vmul.bf16 v27, v16  }
0x12f: {  	v30 =	vld [tilespmem:s30+$0x180];
	v21 =	vadd.bf16 v22, v21;
	v22 =	vmul.bf16 v28, v17  }
0x130: {  	v27 =	vld [tilespmem:s24+$0x0];
	v23 =	vadd.bf16 v24, v23;
	v24 =	vmul.bf16 v26, v18  }
0x131: {  	v28 =	vld [tilespmem:s30+$0x100];
	v26 =	vmul.bf16 v20, v3;
	v20 =	vadd.bf16 v22, v21  }
0x132: {  	s31 =	sadd.s32 $0x2, s31;
	s21 =	sor.u32 s4, s28;
	v29 =	vld [tilespmem:s3+$0x0];
	v22 =	vadd.bf16 v24, v23  }
0x133: {  	p0 =	slt.u32 s31, $0x7E;
	v31 =	vld [tilespmem:s21+$0x0];
	v19 =	vmul.bf16 v19, v8;
	v23 =	vmul.bf16 v25, v4;
	v24 =	vunpack.i.u.bf16.f32 v20  }
.Ltmp7:
0x134: {  	s15 =	sor.u32 s4, s8;
	v21 =	vld [tilespmem:s30+$0x200];
	v25 =	vunpack.i.l.bf16.f32 v20;
	v32 =	vunpack.i.u.bf16.f32 v22;
	v22 =	vunpack.i.l.bf16.f32 v22;
	(pc) =	sbr.rel @p0 .LBB2_10-.Ltmp7, $4  }
0x135: {  	s28 =	sshrl.u32 s6, $0x2;
	s26 =	rddreg [dreg:$0x6];
	v27 =	vmul.bf16 v27, v9;
	v20 =	vld [tilespmem:s15+$0x0];
	v33 =	vadd.f32 v25, v24;
	v32 =	vadd.f32 v22, v32  }
0x136: {  	s18 =	sor.u32 s4, s10;
	s1 =	sadd.s32 s28, s26;
	v23 =	vadd.bf16 v23, v26;
	v26 =	vmul.bf16 v28, v5;
	v22 =	vld [tilespmem:s30+$0x280]  }
0x137: {  	s0 =	sadd.s32 $0x20, s0;
	s17 =	sadd.s32 s4, s1;
	s1 =	sadd.s32 s5, s1;
	v24 =	vmul.bf16 v29, v10;
	v27 =	vadd.bf16 v27, v19;
	v19 =	vld [tilespmem:s18+$0x0];
	v29 =	vpack.i.f32.bf16 v32, v33  }
0x138: {  	s2 =	sadd.s32 $0x100, s2;
	s16 =	sor.u32 s4, s13;
	s14 =	sor.u32 s4, s22;
	v25 =	vmul.bf16 v30, v6;
	v28 =	vadd.bf16 v26, v23;
	v26 =	vmul.bf16 v31, v11;
	v23 =	vld [tilespmem:s30+$0x300];
	[tilespmem:s1+$0x0] =	vst v29  }
0x139: {  	v3 =	vadd.bf16 v24, v27  }
0x13a: {  	v4 =	vmul.bf16 v21, v7;
	v5 =	vld [tilespmem:s16+$0x0];
	v6 =	vadd.bf16 v25, v28  }
0x13b: {  	v8 =	vld [tilespmem:s30+$0x380];
	v57 =	vmul.bf16 v20, v12;
	v3 =	vadd.bf16 v26, v3  }
0x13c: {  	v10 =	vld [tilespmem:s14+$0x0];
	v9 =	vmul.bf16 v22, v13;
	v4 =	vadd.bf16 v4, v6  }
0x13d: {  	v58 =	vmul.bf16 v19, v14;
	v3 =	vadd.bf16 v57, v3  }
0x13e: {  	v59 =	vmul.bf16 v23, v15;
	v4 =	vadd.bf16 v9, v4  }
0x13f: {  	v5 =	vmul.bf16 v5, v16;
	v3 =	vadd.bf16 v58, v3  }
0x140: {  	v60 =	vmul.bf16 v8, v17;
	v4 =	vadd.bf16 v59, v4  }
0x141: {  	v61 =	vmul.bf16 v10, v18;
	v3 =	vadd.bf16 v5, v3  }
0x142: {  	v4 =	vadd.bf16 v60, v4  }
0x143: {  	v3 =	vadd.bf16 v61, v3  }
0x144: {  	p0 =	seq.s32 s29, $0x0;
	v62 =	vunpack.i.u.bf16.f32 v4  }
.Ltmp8:
0x145: {  	v4 =	vunpack.i.l.bf16.f32 v4;
	v63 =	vunpack.i.u.bf16.f32 v3;
	v3 =	vunpack.i.l.bf16.f32 v3;
	(pc) =	sbr.rel @p0 .LBB2_16-.Ltmp8, $4  }
.Ltmp9:
0x146: {  	v4 =	vadd.f32 v4, v62;
	v3 =	vadd.f32 v3, v63;
	(pc) =	sbr.rel @!p0 .LBB2_15-.Ltmp9, $4  }
0x147: {  	_ = 	snop  }
0x148: {  	v3 =	vpack.i.f32.bf16 v3, v4  }
0x149: {  	[tilespmem:s17+$0x0] =	vst v3  }
0x14a: {  	_ = 	snop  }
.LBB2_12:
0x14b: {  	s1 =	simm.s32 $0x3  }
0x14c: {  	_ =	swait.ge [sflag:s1], $0x8000  }
0x14d: {  	s0 =	sshll.u32 @!p0 s25, $0x4;
	[sflag:s1] =	ssyncset.done $0x0  }
0x14e: {  	s0 =	sand.u32 @!p0 $0x3FFFFFF0, s0;
	[sflag:s1] =	ssyncadd.s32 $0xFFFF8000  }
0x14f: {  	v3 =	vld @!p0 [tilespmem:s0+$0x820];
	_ =	sdelay $0x4  }
0x150: {  	v4 =	vshll.u32 @!p0 v3, $0x4  }
0x151: {  	v5 =	vlaneseq.u32 @!p0;
	v3 =	vand.u32 @!p0 $0x3, v3;
	v4 =	vand.u32 @!p0 $0xFFFFFFC0, v4  }
0x152: {  	v6 =	vshrl.u32 @!p0 v5, $0x3;
	v3 =	vor.u32 @!p0 v3, v4;
	v4 =	vand.u32 @!p0 $0x7, v5  }
0x153: {  	v6 =	vmul.u32 @!p0 $0x4, v6;
	v4 =	vperm.xlane @!p0 v3, v4;
	_ =	sdelay $0x1  }
0x154: {  	v4 =	vadd.s32 @!p0 v6, v4;
	_ =	sdelay $0x3  }
0x155: {  	vm1 =	vmmov @!p0 $0xffff;
	s1 =	simm.s32 @!p0 $0x9800;
	s0 =	simm.s32 @!p0 $0x0;
	s2 =	rddreg [dreg:$0x0]  }
0x156: {  	[tilespmem:s1], [sflag:$0x2] =	stream.indirect_vreg.gather @!p0 [hbm4b:s2+s0], $0x80, v4, vm1, $0xb8;
	[tilespmem:$0x1B800] =	vst v63  }
0x157: {  	s3 =	rddreg [dreg:$0xa];
	s1 =	simm.s32 @!p0 $0xA000  }
0x158: {  	[tilespmem:s1], [sflag:$0x2] =	stream.indirect_vreg.gather @!p0 [hbm4b:s3+s0], $0x80, v4, vm1, $0xb8;
	[tilespmem:$0x1B800] =	vst v63  }
0x159: {  	s4 =	rddreg [dreg:$0xb];
	s1 =	simm.s32 @!p0 $0xA800  }
0x15a: {  	[tilespmem:s1], [sflag:$0x2] =	stream.indirect_vreg.gather @!p0 [hbm4b:s4+s0], $0x80, v4, vm1, $0xb8;
	[tilespmem:$0x1B800] =	vst v63  }
0x15b: {  	s5 =	rddreg [dreg:$0xc];
	s1 =	simm.s32 @!p0 $0xB000  }
0x15c: {  	[tilespmem:s1], [sflag:$0x2] =	stream.indirect_vreg.gather @!p0 [hbm4b:s5+s0], $0x80, v4, vm1, $0xb8;
	[tilespmem:$0x1B800] =	vst v63  }
0x15d: {  	s6 =	rddreg [dreg:$0xd];
	s1 =	simm.s32 @!p0 $0xB800  }
0x15e: {  	v5 =	vor.u32 @!p0 $0x8, v5;
	[tilespmem:s1], [sflag:$0x2] =	stream.indirect_vreg.gather @!p0 [hbm4b:s6+s0], $0x80, v4, vm1, $0xb8;
	[tilespmem:$0x1B800] =	vst v63  }
0x15f: {  	s7 =	rddreg [dreg:$0xe];
	v3 =	vperm.xlane @!p0 v3, v5;
	s1 =	simm.s32 @!p0 $0xC000  }
0x160: {  	[tilespmem:s1], [sflag:$0x2] =	stream.indirect_vreg.gather @!p0 [hbm4b:s7+s0], $0x80, v4, vm1, $0xb8;
	[tilespmem:$0x1B800] =	vst v63  }
0x161: {  	s8 =	rddreg [dreg:$0xf];
	v3 =	vadd.s32 @!p0 v6, v3;
	s1 =	simm.s32 @!p0 $0xC800  }
0x162: {  	[tilespmem:s1], [sflag:$0x2] =	stream.indirect_vreg.gather @!p0 [hbm4b:s8+s0], $0x80, v4, vm1, $0xb8;
	[tilespmem:$0x1B800] =	vst v63  }
0x163: {  	s9 =	rddreg [dreg:$0x10];
	s1 =	simm.s32 @!p0 $0xD000  }
0x164: {  	[tilespmem:s1], [sflag:$0x2] =	stream.indirect_vreg.gather @!p0 [hbm4b:s9+s0], $0x80, v4, vm1, $0xb8;
	[tilespmem:$0x1B800] =	vst v63  }
0x165: {  	s1 =	simm.s32 @!p0 $0xD800  }
0x166: {  	[tilespmem:s1], [sflag:$0x2] =	stream.indirect_vreg.gather @!p0 [hbm4b:s2+s0], $0x80, v3, vm1, $0xb8;
	[tilespmem:$0x1B800] =	vst v63  }
0x167: {  	s1 =	simm.s32 @!p0 $0xE000  }
0x168: {  	[tilespmem:s1], [sflag:$0x2] =	stream.indirect_vreg.gather @!p0 [hbm4b:s3+s0], $0x80, v3, vm1, $0xb8;
	[tilespmem:$0x1B800] =	vst v63  }
0x169: {  	s1 =	simm.s32 @!p0 $0xE800  }
0x16a: {  	[tilespmem:s1], [sflag:$0x2] =	stream.indirect_vreg.gather @!p0 [hbm4b:s4+s0], $0x80, v3, vm1, $0xb8;
	[tilespmem:$0x1B800] =	vst v63  }
0x16b: {  	s1 =	simm.s32 @!p0 $0xF000  }
0x16c: {  	[tilespmem:s1], [sflag:$0x2] =	stream.indirect_vreg.gather @!p0 [hbm4b:s5+s0], $0x80, v3, vm1, $0xb8;
	[tilespmem:$0x1B800] =	vst v63  }
0x16d: {  	s1 =	simm.s32 @!p0 $0xF800  }
0x16e: {  	[tilespmem:s1], [sflag:$0x2] =	stream.indirect_vreg.gather @!p0 [hbm4b:s6+s0], $0x80, v3, vm1, $0xb8;
	[tilespmem:$0x1B800] =	vst v63  }
0x16f: {  	s1 =	simm.s32 @!p0 $0x10000  }
0x170: {  	[tilespmem:s1], [sflag:$0x2] =	stream.indirect_vreg.gather @!p0 [hbm4b:s7+s0], $0x80, v3, vm1, $0xb8;
	[tilespmem:$0x1B800] =	vst v63  }
0x171: {  	s1 =	simm.s32 @!p0 $0x10800  }
0x172: {  	[tilespmem:s1], [sflag:$0x2] =	stream.indirect_vreg.gather @!p0 [hbm4b:s8+s0], $0x80, v3, vm1, $0xb8;
	[tilespmem:$0x1B800] =	vst v63  }
0x173: {  	s1 =	simm.s32 @!p0 $0x11000  }
0x174: {  	[tilespmem:s1], [sflag:$0x2] =	stream.indirect_vreg.gather @!p0 [hbm4b:s9+s0], $0x80, v3, vm1, $0xb8;
	[tilespmem:$0x1B800] =	vst v63  }
0x175: {  	s29 =	sand.u32 $0x1, s25;
	p0 =	slt.u32 s25, $0x4  }
0x176: {  	p1 =	sne.s32 @!p0 s29, $0x0  }
0x177: {  	p0 =	por p1, p0  }
0x178: {  	s0 =	simm.s32 @!p0 $0x4  }
0x179: {  	_ =	swait.ge @!p0 [sflag:s0], $0x1000  }
0x17a: {  	[sflag:s0] =	ssyncset.done @!p0 $0x0  }
0x17b: {  	s15 =	sshll.u32 s25, $0x4;
	[sflag:s0] =	ssyncadd.s32 @!p0 $0xFFFFF000  }
0x17c: {  	v3 =	vld [tilespmem:s15+$0x0];
	_ =	sdelay $0x1  }
0x17d: {  	v4 =	vld [tilespmem:s15+$0x1000];
	_ =	sdelay $0x2  }
0x17e: {  	(v2sf) =	vpush v3, $0x0;
	_ =	sdelay $0x1  }
0x17f: {  	(v2sf) =	vpush v4, $0x0  }
0x180: {  	(v2sf) =	vpush v3, $0x1  }
0x181: {  	(v2sf) =	vpush v4, $0x1  }
0x182: {  	(v2sf) =	vpush v3, $0x2  }
0x183: {  	(v2sf) =	vpush v4, $0x2  }
0x184: {  	(v2sf) =	vpush v3, $0x3  }
0x185: {  	(v2sf) =	vpush v4, $0x3  }
0x186: {  	(v2sf) =	vpush v3, $0x4  }
0x187: {  	(v2sf) =	vpush v4, $0x4  }
0x188: {  	(v2sf) =	vpush v3, $0x5  }
0x189: {  	(v2sf) =	vpush v4, $0x5  }
0x18a: {  	(v2sf) =	vpush v3, $0x6  }
0x18b: {  	(v2sf) =	vpush v4, $0x6  }
0x18c: {  	s16 =	spop (v2sf);
	(v2sf) =	vpush v3, $0x7;
	_ =	sdelay $0x1  }
0x18d: {  	s17 =	spop (v2sf);
	(v2sf) =	vpush v4, $0x7  }
0x18e: {  	s18 =	spop (v2sf);
	(v2sf) =	vpush v3, $0x8  }
0x18f: {  	s19 =	spop (v2sf)  }
0x190: {  	s0 =	sand.u32 $0x1, s16;
	(v2sf) =	vpush v4, $0x8;
	s22 =	spop (v2sf)  }
0x191: {  	s0 =	scvt.s32.f32 s0;
	(v2sf) =	vpush v3, $0x9;
	s23 =	spop (v2sf)  }
0x192: {  	(v2sf) =	vpush v4, $0x9;
	s24 =	spop (v2sf)  }
0x193: {  	s2 =	sand.u32 $0x1, s18;
	s0 =	smul.f32 s0, s17;
	(v2sf) =	vpush v3, $0xA;
	s26 =	spop (v2sf)  }
0x194: {  	s2 =	scvt.s32.f32 s2;
	s28 =	spop (v2sf)  }
0x195: {  	s6 =	ssub.f32 s17, s0;
	s10 =	spop (v2sf)  }
0x196: {  	s14 =	sand.u32 $0x1, s22;
	s2 =	smul.f32 s2, s19;
	s11 =	spop (v2sf)  }
0x197: {  	s1 =	scvt.s32.f32 s14;
	s12 =	spop (v2sf)  }
0x198: {  	(v2sf) =	vpush v4, $0xA;
	s15 =	sand.u32 $0x1, s24;
	s14 =	ssub.f32 s19, s2;
	s13 =	spop (v2sf)  }
0x199: {  	s17 =	scvt.s32.f32 s15;
	s20 =	spop (v2sf)  }
0x19a: {  	s4 =	smul.f32 s1, s23;
	s18 =	sand.u32 $0x1, s28;
	s16 =	spop (v2sf);
	(v2sf) =	vpush v3, $0xB  }
0x19b: {  	s19 =	scvt.s32.f32 s18;
	s5 =	smul.f32 s17, s26  }
0x19c: {  	s18 =	ssub.f32 s23, s4;
	s21 =	spop (v2sf);
	(v2sf) =	vpush v4, $0xB  }
0x19d: {  	s23 =	sand.u32 $0x1, s11;
	s3 =	smul.f32 s19, s10;
	s22 =	spop (v2sf);
	(v2sf) =	vpush v3, $0xC  }
0x19e: {  	s1 =	scvt.s32.f32 s23;
	s19 =	ssub.f32 s26, s5  }
0x19f: {  	s17 =	ssub.f32 s10, s3;
	s7 =	spop (v2sf);
	(v2sf) =	vpush v4, $0xC  }
0x1a0: {  	s24 =	sand.u32 $0x1, s13;
	s15 =	smul.f32 s1, s12;
	s8 =	spop (v2sf);
	(v2sf) =	vpush v3, $0xD  }
0x1a1: {  	s1 =	scvt.s32.f32 s24;
	s26 =	sand.u32 $0x1, s16;
	s11 =	spop (v2sf);
	(v2sf) =	vpush v4, $0xD  }
0x1a2: {  	s31 =	sshrl.u32 s25, $0x1;
	s10 =	scvt.s32.f32 s26;
	s28 =	spop (v2sf);
	(v2sf) =	vpush v3, $0xE  }
0x1a3: {  	[dreg:$0x14] =	wrdreg s31;
	s1 =	smul.f32 s1, s20  }
0x1a4: {  	s12 =	ssub.f32 s12, s15;
	s9 =	sand.u32 $0x1, s22;
	s16 =	smul.f32 s10, s21  }
0x1a5: {  	s22 =	ssub.f32 s20, s1;
	s9 =	scvt.s32.f32 s9;
	s8 =	sand.u32 $0x1, s8  }
0x1a6: {  	s24 =	ssub.f32 s21, s16;
	s8 =	scvt.s32.f32 s8  }
0x1a7: {  	s20 =	smul.f32 s9, s7;
	s10 =	spop (v2sf);
	s21 =	sand.u32 $0x1, s28  }
0x1a8: {  	(v2sf) =	vpush v4, $0xE;
	s9 =	scvt.s32.f32 s21;
	s8 =	smul.f32 s8, s11  }
0x1a9: {  	s31 =	sshll.u32 s31, $0xC;
	s7 =	ssub.f32 s7, s20;
	s23 =	spop (v2sf);
	(v2sf) =	vpush v3, $0xF  }
0x1aa: {  	v10 =	vmov s5;
	s5 =	sshll.u32 s29, $0x7;
	s9 =	smul.f32 s9, s10;
	s11 =	ssub.f32 s11, s8  }
0x1ab: {  	s13 =	spop (v2sf);
	s26 =	sand.u32 $0x1, s23;
	(v2sf) =	vpush v4, $0xF;
	v4 =	vmov s0;
	s0 =	sand.u32 $0x1000, s31  }
0x1ac: {  	s31 =	simm.s32 $0x0;
	s21 =	scvt.s32.f32 s26;
	s28 =	spop (v2sf)  }
0x1ad: {  	v6 =	vmov s2;
	v8 =	vmov s4;
	s2 =	sadd.s32 $0x19800, s0;
	s0 =	sand.u32 $0x60, s31;
	s4 =	sand.u32 $0x3C00, s31  }
0x1ae: {  	v13 =	vmov s12;
	s23 =	sand.u32 $0x1, s28;
	s26 =	spop (v2sf);
	s12 =	smov.u32 s2  }
0x1af: {  	v5 =	vmov s14;
	v7 =	vmov s18;
	v11 =	vmov s17;
	s17 =	sor.u32 s5, s2;
	s5 =	sadd.s32 $0x11800, s4;
	s28 =	spop (v2sf)  }
0x1b0: {  	v9 =	vmov s19;
	v12 =	vmov s3;
	v14 =	vmov s15;
	s2 =	sor.u32 $0x10, s0;
	s3 =	sadd.s32 $0x15800, s4;
	s30 =	spop (v2sf)  }
0x1b1: {  	v16 =	vmov s1;
	v13 =	vpack.i.f32.bf16 v14, v13;
	v3 =	vmov s6;
	[dreg:$0x7] =	wrdreg s17;
	s14 =	sor.u32 s2, s5;
	s6 =	spop (v2sf)  }
0x1b2: {  	v15 =	vmov s22;
	v18 =	vmov s16;
	v17 =	vmov s24;
	s10 =	ssub.f32 s10, s9;
	s22 =	sor.u32 s2, s3;
	v20 =	vld [tilespmem:s14+$0x0];
	s6 =	sand.u32 $0x1, s6  }
0x1b3: {  	v15 =	vpack.i.f32.bf16 v16, v15;
	v21 =	vmov s20;
	v17 =	vpack.i.f32.bf16 v18, v17;
	s21 =	smul.f32 s21, s13;
	v24 =	vld [tilespmem:s22+$0x0];
	s19 =	scvt.s32.f32 s6;
	s6 =	sadd.s32 $0x15880, s4  }
0x1b4: {  	v19 =	vmov s7;
	v23 =	vmov s8;
	v22 =	vmov s11;
	s23 =	scvt.s32.f32 s23;
	s28 =	sand.u32 $0x1, s28;
	v28 =	vld [tilespmem:s14+$0x80];
	s16 =	sor.u32 s2, s6  }
0x1b5: {  	v26 =	vmov s9;
	v25 =	vmov s10;
	v3 =	vpack.i.f32.bf16 v4, v3;
	s17 =	sadd.s32 $0x15900, s4;
	s28 =	scvt.s32.f32 s28;
	v32 =	vld [tilespmem:s16+$0x0]  }
0x1b6: {  	v4 =	vpack.i.f32.bf16 v6, v5;
	v5 =	vpack.i.f32.bf16 v8, v7;
	v6 =	vpack.i.f32.bf16 v10, v9;
	v34 =	vld [tilespmem:s14+$0x100];
	s20 =	sor.u32 s2, s17;
	s13 =	ssub.f32 s13, s21;
	s23 =	smul.f32 s23, s26  }
0x1b7: {  	v7 =	vpack.i.f32.bf16 v12, v11;
	v8 =	vpack.i.f32.bf16 v21, v19;
	v9 =	vpack.i.f32.bf16 v23, v22;
	s22 =	sadd.s32 $0x15980, s4;
	v36 =	vld [tilespmem:s20+$0x0];
	s18 =	spop (v2sf);
	s1 =	smul.f32 s28, s30  }
0x1b8: {  	v10 =	vpack.i.f32.bf16 v26, v25;
	v12 =	vld [tilespmem:s14+$0x180];
	v29 =	vmov s21;
	s28 =	ssub.f32 s26, s23;
	v31 =	vmov s23;
	s23 =	sor.u32 s2, s22;
	s24 =	spop (v2sf)  }
0x1b9: {  	v27 =	vmov s13;
	v21 =	vld [tilespmem:s23+$0x0];
	v11 =	vmul.bf16 v20, v3;
	v20 =	vmul.bf16 v28, v4;
	s8 =	sand.u32 $0x1, s24;
	s24 =	sadd.s32 $0x15A00, s4  }
0x1ba: {  	s15 =	ssub.f32 s30, s1;
	v30 =	vmov s28;
	v23 =	vmul.bf16 v24, v8;
	v28 =	vld [tilespmem:s14+$0x200];
	v24 =	vmul.bf16 v32, v9;
	s26 =	sor.u32 s2, s24  }
0x1bb: {  	v35 =	vmov s1;
	s28 =	sadd.s32 $0x15A80, s4;
	v26 =	vmul.bf16 v34, v5;
	v20 =	vadd.bf16 v20, v11;
	v25 =	vld [tilespmem:s26+$0x0]  }
0x1bc: {  	v60 =	vld [tilespmem:s14+$0x280];
	s7 =	smul.f32 s19, s18;
	s9 =	sor.u32 s2, s28;
	v33 =	vmov s15;
	v23 =	vadd.bf16 v24, v23;
	v24 =	vmul.bf16 v36, v10  }
0x1bd: {  	s10 =	sadd.s32 $0x15B00, s4;
	v11 =	vpack.i.f32.bf16 v29, v27;
	v27 =	vld [tilespmem:s9+$0x0];
	v20 =	vadd.bf16 v26, v20;
	v26 =	vmul.bf16 v12, v6  }
0x1be: {  	s11 =	sor.u32 s2, s10;
	v22 =	vmov s7;
	v21 =	vmul.bf16 v21, v11;
	s8 =	scvt.s32.f32 s8;
	v23 =	vadd.bf16 v24, v23;
	v24 =	vld [tilespmem:s14+$0x300]  }
0x1bf: {  	s13 =	sadd.s32 $0x15B80, s4;
	s19 =	ssub.f32 s18, s7;
	v12 =	vpack.i.f32.bf16 v31, v30;
	v28 =	vmul.bf16 v28, v7;
	s21 =	spop (v2sf);
	v20 =	vadd.bf16 v26, v20;
	v26 =	vld [tilespmem:s11+$0x0]  }
0x1c0: {  	v14 =	vpack.i.f32.bf16 v35, v33;
	s8 =	smul.f32 s8, s21;
	v21 =	vadd.bf16 v21, v23;
	v23 =	vmul.bf16 v25, v12;
	v25 =	vld [tilespmem:s14+$0x380];
	s14 =	sor.u32 s2, s13  }
0x1c1: {  	s3 =	sor.u32 s0, s3;
	v19 =	vmov s19;
	v20 =	vadd.bf16 v28, v20;
	v28 =	vmul.bf16 v60, v13;
	v30 =	vld [tilespmem:s14+$0x0]  }
0x1c2: {  	s30 =	sor.u32 s0, s5;
	v31 =	vld [tilespmem:s3+$0x0];
	v16 =	vpack.i.f32.bf16 v22, v19;
	s1 =	ssub.f32 s21, s8;
	v21 =	vadd.bf16 v23, v21;
	v23 =	vmul.bf16 v27, v14  }
0x1c3: {  	v19 =	vld [tilespmem:s30+$0x0];
	v20 =	vadd.bf16 v28, v20;
	v29 =	vmov s8;
	v22 =	vmul.bf16 v24, v15  }
0x1c4: {  	v59 =	vmov s1;
	v24 =	vld [tilespmem:s30+$0x80];
	v21 =	vadd.bf16 v23, v21;
	v23 =	vmul.bf16 v26, v16  }
0x1c5: {  	s20 =	sor.u32 s0, s6;
	v18 =	vpack.i.f32.bf16 v29, v59;
	v29 =	vld [tilespmem:s30+$0x180];
	v20 =	vadd.bf16 v22, v20;
	v22 =	vmul.bf16 v25, v17  }
0x1c6: {  	v26 =	vld [tilespmem:s20+$0x0];
	v21 =	vadd.bf16 v23, v21;
	v23 =	vmul.bf16 v30, v18  }
0x1c7: {  	s21 =	sor.u32 s0, s17;
	v27 =	vld [tilespmem:s30+$0x100];
	v22 =	vadd.bf16 v22, v20  }
0x1c8: {  	s22 =	sor.u32 s0, s22;
	v28 =	vmul.bf16 v19, v3;
	v25 =	vld [tilespmem:s21+$0x0];
	v19 =	vadd.bf16 v23, v21  }
0x1c9: {  	s23 =	sor.u32 s0, s24;
	v24 =	vmul.bf16 v24, v4;
	v30 =	vld [tilespmem:s22+$0x0];
	v23 =	vmul.bf16 v31, v8;
	v21 =	vunpack.i.u.bf16.f32 v22  }
0x1ca: {  	v20 =	vld [tilespmem:s23+$0x0];
	v22 =	vunpack.i.l.bf16.f32 v22;
	v31 =	vunpack.i.u.bf16.f32 v19;
	v61 =	vunpack.i.l.bf16.f32 v19  }
0x1cb: {  	s4 =	sshrl.u32 s4, $0x2;
	s24 =	rddreg [dreg:$0x7];
	s26 =	sor.u32 s0, s28;
	v26 =	vmul.bf16 v26, v9;
	v62 =	vadd.f32 v22, v21;
	v21 =	vld [tilespmem:s30+$0x200];
	v31 =	vadd.f32 v61, v31  }
0x1cc: {  	s31 =	simm.s32 $0x0;
	s3 =	sadd.s32 s4, s24;
	v63 =	vmul.bf16 v27, v5;
	v28 =	vadd.bf16 v24, v28;
	v19 =	vld [tilespmem:s26+$0x0]  }
0x1cd: {  	s16 =	sor.u32 s0, s10;
	s28 =	sadd.s32 s2, s3;
	s17 =	sadd.s32 s0, s3;
	v24 =	vmul.bf16 v25, v10;
	v22 =	vld [tilespmem:s30+$0x280];
	v27 =	vadd.bf16 v26, v23;
	v31 =	vpack.i.f32.bf16 v31, v62  }
0x1ce: {  	s2 =	simm.s32 $0x100;
	s14 =	sor.u32 s0, s13;
	s0 =	simm.s32 $0x20;
	v25 =	vmul.bf16 v29, v6;
	v28 =	vadd.bf16 v63, v28;
	v26 =	vmul.bf16 v30, v11;
	v23 =	vld [tilespmem:s30+$0x300];
	[tilespmem:s28+$0x0] =	vst v31  }
.LBB2_13:
0x1cf: {  	s4 =	sand.u32 $0x60, s0;
	s6 =	sand.u32 $0x3C00, s2;
	v24 =	vadd.bf16 v24, v27;
	v27 =	vld [tilespmem:s16+$0x0]  }
0x1d0: {  	s1 =	sadd.s32 $0x11800, s6;
	s5 =	sor.u32 $0x10, s4;
	v25 =	vadd.bf16 v25, v28;
	v28 =	vld [tilespmem:s30+$0x380];
	v21 =	vmul.bf16 v21, v7  }
0x1d1: {  	s3 =	sadd.s32 $0x15800, s6;
	s20 =	sor.u32 s5, s1;
	v24 =	vadd.bf16 v26, v24;
	v26 =	vld [tilespmem:s14+$0x0];
	v20 =	vmul.bf16 v20, v12  }
0x1d2: {  	s21 =	sor.u32 s5, s3;
	v29 =	vld [tilespmem:s20+$0x0];
	v22 =	vmul.bf16 v22, v13;
	v21 =	vadd.bf16 v21, v25  }
0x1d3: {  	s22 =	sadd.s32 $0x15880, s6;
	v19 =	vmul.bf16 v19, v14;
	v25 =	vld [tilespmem:s21+$0x0];
	v20 =	vadd.bf16 v20, v24  }
0x1d4: {  	s23 =	sor.u32 s5, s22;
	v23 =	vmul.bf16 v23, v15;
	v24 =	vld [tilespmem:s20+$0x80];
	v21 =	vadd.bf16 v22, v21  }
0x1d5: {  	s7 =	sadd.s32 $0x15900, s6;
	v22 =	vmul.bf16 v27, v16;
	v27 =	vld [tilespmem:s23+$0x0];
	v19 =	vadd.bf16 v19, v20  }
0x1d6: {  	s26 =	sor.u32 s5, s7;
	v20 =	vmul.bf16 v28, v17;
	v28 =	vld [tilespmem:s20+$0x100];
	v21 =	vadd.bf16 v23, v21  }
0x1d7: {  	s28 =	sadd.s32 $0x15980, s6;
	v23 =	vmul.bf16 v26, v18;
	v26 =	vld [tilespmem:s26+$0x0];
	v19 =	vadd.bf16 v22, v19  }
0x1d8: {  	s19 =	sor.u32 s4, s3;
	s3 =	sor.u32 s4, s7;
	s7 =	sor.u32 s5, s28;
	v22 =	vld [tilespmem:s20+$0x180];
	v20 =	vadd.bf16 v20, v21  }
0x1d9: {  	s8 =	sadd.s32 $0x15A00, s6;
	v24 =	vmul.bf16 v24, v4;
	v21 =	vmul.bf16 v29, v3;
	v29 =	vld [tilespmem:s7+$0x0];
	v19 =	vadd.bf16 v23, v19  }
0x1da: {  	s9 =	sor.u32 s5, s8;
	v23 =	vmul.bf16 v25, v8;
	v25 =	vmul.bf16 v27, v9;
	v27 =	vld [tilespmem:s20+$0x200];
	v30 =	vunpack.i.u.bf16.f32 v20  }
0x1db: {  	s10 =	sadd.s32 $0x15A80, s6;
	v21 =	vadd.bf16 v24, v21;
	v24 =	vmul.bf16 v28, v5;
	v28 =	vld [tilespmem:s9+$0x0];
	v20 =	vunpack.i.l.bf16.f32 v20  }
0x1dc: {  	s11 =	sor.u32 s5, s10;
	v31 =	vunpack.i.u.bf16.f32 v19;
	v23 =	vadd.bf16 v25, v23;
	v25 =	vmul.bf16 v26, v10;
	v26 =	vld [tilespmem:s20+$0x280]  }
0x1dd: {  	s13 =	sadd.s32 $0x15B00, s6;
	v19 =	vunpack.i.l.bf16.f32 v19;
	v22 =	vmul.bf16 v22, v6;
	v21 =	vadd.bf16 v24, v21;
	v24 =	vld [tilespmem:s11+$0x0]  }
0x1de: {  	s14 =	sor.u32 s5, s13;
	v20 =	vadd.f32 v20, v30;
	v23 =	vadd.bf16 v25, v23;
	v25 =	vmul.bf16 v29, v11;
	v29 =	vld [tilespmem:s20+$0x300]  }
0x1df: {  	s24 =	sor.u32 s4, s22;
	s22 =	sadd.s32 $0x15B80, s6;
	v19 =	vadd.f32 v19, v31;
	v21 =	vadd.bf16 v22, v21;
	v22 =	vmul.bf16 v27, v7;
	v27 =	vld [tilespmem:s14+$0x0]  }
0x1e0: {  	s23 =	sor.u32 s5, s22;
	v23 =	vadd.bf16 v25, v23;
	v25 =	vmul.bf16 v28, v12;
	v28 =	vld [tilespmem:s20+$0x380]  }
0x1e1: {  	s30 =	sor.u32 s4, s1;
	v19 =	vpack.i.f32.bf16 v19, v20;
	v21 =	vadd.bf16 v22, v21;
	v22 =	vmul.bf16 v26, v13;
	v26 =	vld [tilespmem:s23+$0x0]  }
0x1e2: {  	v20 =	vld [tilespmem:s30+$0x0];
	[tilespmem:s17+$0x0] =	vst v19;
	v23 =	vadd.bf16 v25, v23;
	v24 =	vmul.bf16 v24, v14  }
0x1e3: {  	v19 =	vld [tilespmem:s19+$0x0];
	v21 =	vadd.bf16 v22, v21;
	v22 =	vmul.bf16 v29, v15  }
0x1e4: {  	v25 =	vld [tilespmem:s30+$0x80];
	v23 =	vadd.bf16 v24, v23;
	v24 =	vmul.bf16 v27, v16  }
0x1e5: {  	v30 =	vld [tilespmem:s30+$0x180];
	v21 =	vadd.bf16 v22, v21;
	v22 =	vmul.bf16 v28, v17  }
0x1e6: {  	v27 =	vld [tilespmem:s24+$0x0];
	v23 =	vadd.bf16 v24, v23;
	v24 =	vmul.bf16 v26, v18  }
0x1e7: {  	v28 =	vld [tilespmem:s30+$0x100];
	v26 =	vmul.bf16 v20, v3;
	v20 =	vadd.bf16 v22, v21  }
0x1e8: {  	s31 =	sadd.s32 $0x2, s31;
	s21 =	sor.u32 s4, s28;
	v29 =	vld [tilespmem:s3+$0x0];
	v22 =	vadd.bf16 v24, v23  }
0x1e9: {  	p0 =	slt.u32 s31, $0x7E;
	v31 =	vld [tilespmem:s21+$0x0];
	v19 =	vmul.bf16 v19, v8;
	v23 =	vmul.bf16 v25, v4;
	v24 =	vunpack.i.u.bf16.f32 v20  }
.Ltmp10:
0x1ea: {  	s15 =	sor.u32 s4, s8;
	v21 =	vld [tilespmem:s30+$0x200];
	v25 =	vunpack.i.l.bf16.f32 v20;
	v32 =	vunpack.i.u.bf16.f32 v22;
	v22 =	vunpack.i.l.bf16.f32 v22;
	(pc) =	sbr.rel @p0 .LBB2_13-.Ltmp10, $4  }
0x1eb: {  	s28 =	sshrl.u32 s6, $0x2;
	s26 =	rddreg [dreg:$0x7];
	v27 =	vmul.bf16 v27, v9;
	v20 =	vld [tilespmem:s15+$0x0];
	v33 =	vadd.f32 v25, v24;
	v32 =	vadd.f32 v22, v32  }
0x1ec: {  	s18 =	sor.u32 s4, s10;
	s1 =	sadd.s32 s28, s26;
	v23 =	vadd.bf16 v23, v26;
	v26 =	vmul.bf16 v28, v5;
	v22 =	vld [tilespmem:s30+$0x280]  }
0x1ed: {  	s0 =	sadd.s32 $0x20, s0;
	s17 =	sadd.s32 s4, s1;
	s1 =	sadd.s32 s5, s1;
	v24 =	vmul.bf16 v29, v10;
	v27 =	vadd.bf16 v27, v19;
	v19 =	vld [tilespmem:s18+$0x0];
	v29 =	vpack.i.f32.bf16 v32, v33  }
0x1ee: {  	s2 =	sadd.s32 $0x100, s2;
	s16 =	sor.u32 s4, s13;
	s14 =	sor.u32 s4, s22;
	v25 =	vmul.bf16 v30, v6;
	v28 =	vadd.bf16 v26, v23;
	v26 =	vmul.bf16 v31, v11;
	v23 =	vld [tilespmem:s30+$0x300];
	[tilespmem:s1+$0x0] =	vst v29  }
0x1ef: {  	v3 =	vadd.bf16 v24, v27  }
0x1f0: {  	v4 =	vmul.bf16 v21, v7;
	v5 =	vld [tilespmem:s16+$0x0];
	v6 =	vadd.bf16 v25, v28  }
0x1f1: {  	v8 =	vld [tilespmem:s30+$0x380];
	v57 =	vmul.bf16 v20, v12;
	v3 =	vadd.bf16 v26, v3  }
0x1f2: {  	v10 =	vld [tilespmem:s14+$0x0];
	v9 =	vmul.bf16 v22, v13;
	v4 =	vadd.bf16 v4, v6  }
0x1f3: {  	v58 =	vmul.bf16 v19, v14;
	v3 =	vadd.bf16 v57, v3  }
0x1f4: {  	v59 =	vmul.bf16 v23, v15;
	v4 =	vadd.bf16 v9, v4  }
0x1f5: {  	v5 =	vmul.bf16 v5, v16;
	v3 =	vadd.bf16 v58, v3  }
0x1f6: {  	v60 =	vmul.bf16 v8, v17;
	v4 =	vadd.bf16 v59, v4  }
0x1f7: {  	v61 =	vmul.bf16 v10, v18;
	v3 =	vadd.bf16 v5, v3  }
0x1f8: {  	v4 =	vadd.bf16 v60, v4  }
0x1f9: {  	v3 =	vadd.bf16 v61, v3  }
0x1fa: {  	p0 =	seq.s32 s29, $0x0;
	v62 =	vunpack.i.u.bf16.f32 v4  }
.Ltmp11:
0x1fb: {  	v4 =	vunpack.i.l.bf16.f32 v4;
	v63 =	vunpack.i.u.bf16.f32 v3;
	v3 =	vunpack.i.l.bf16.f32 v3;
	(pc) =	sbr.rel @p0 .LBB2_16-.Ltmp11, $4  }
.Ltmp12:
0x1fc: {  	v4 =	vadd.f32 v4, v62;
	v3 =	vadd.f32 v3, v63;
	(pc) =	sbr.rel @!p0 .LBB2_15-.Ltmp12, $4  }
0x1fd: {  	_ = 	snop  }
0x1fe: {  	v3 =	vpack.i.f32.bf16 v3, v4  }
0x1ff: {  	[tilespmem:s17+$0x0] =	vst v3  }
0x200: {  	_ = 	snop  }
.LBB2_6:
0x201: {  	s1 =	simm.s32 $0x1  }
0x202: {  	_ =	swait.ge [sflag:s1], $0x8000  }
0x203: {  	[sflag:s1] =	ssyncset.done $0x0  }
0x204: {  	s0 =	sand.u32 @!p0 $0x3FFFFFF0, s0;
	[sflag:s1] =	ssyncadd.s32 $0xFFFF8000  }
0x205: {  	v3 =	vld @!p0 [tilespmem:s0+$0x820];
	_ =	sdelay $0x4  }
0x206: {  	v4 =	vshll.u32 @!p0 v3, $0x4  }
0x207: {  	v5 =	vlaneseq.u32 @!p0;
	v3 =	vand.u32 @!p0 $0x3, v3;
	v4 =	vand.u32 @!p0 $0xFFFFFFC0, v4  }
0x208: {  	v6 =	vshrl.u32 @!p0 v5, $0x3;
	v3 =	vor.u32 @!p0 v3, v4;
	v4 =	vand.u32 @!p0 $0x7, v5  }
0x209: {  	v6 =	vmul.u32 @!p0 $0x4, v6;
	v4 =	vperm.xlane @!p0 v3, v4;
	_ =	sdelay $0x1  }
0x20a: {  	v4 =	vadd.s32 @!p0 v6, v4;
	_ =	sdelay $0x3  }
0x20b: {  	vm1 =	vmmov @!p0 $0xffff;
	s2 =	simm.s32 @!p0 $0x11800;
	s0 =	simm.s32 @!p0 $0x0;
	s1 =	rddreg [dreg:$0x0]  }
0x20c: {  	[tilespmem:s2], [sflag:$0x3] =	stream.indirect_vreg.gather @!p0 [hbm4b:s1+s0], $0x80, v4, vm1, $0xb8;
	[tilespmem:$0x1B800] =	vst v63  }
0x20d: {  	s3 =	rddreg [dreg:$0xa];
	s2 =	simm.s32 @!p0 $0x12000  }
0x20e: {  	[tilespmem:s2], [sflag:$0x3] =	stream.indirect_vreg.gather @!p0 [hbm4b:s3+s0], $0x80, v4, vm1, $0xb8;
	[tilespmem:$0x1B800] =	vst v63  }
0x20f: {  	s4 =	rddreg [dreg:$0xb];
	s2 =	simm.s32 @!p0 $0x12800  }
0x210: {  	[tilespmem:s2], [sflag:$0x3] =	stream.indirect_vreg.gather @!p0 [hbm4b:s4+s0], $0x80, v4, vm1, $0xb8;
	[tilespmem:$0x1B800] =	vst v63  }
0x211: {  	s5 =	rddreg [dreg:$0xc];
	s2 =	simm.s32 @!p0 $0x13000  }
0x212: {  	[tilespmem:s2], [sflag:$0x3] =	stream.indirect_vreg.gather @!p0 [hbm4b:s5+s0], $0x80, v4, vm1, $0xb8;
	[tilespmem:$0x1B800] =	vst v63  }
0x213: {  	s6 =	rddreg [dreg:$0xd];
	s2 =	simm.s32 @!p0 $0x13800  }
0x214: {  	v5 =	vor.u32 @!p0 $0x8, v5;
	[tilespmem:s2], [sflag:$0x3] =	stream.indirect_vreg.gather @!p0 [hbm4b:s6+s0], $0x80, v4, vm1, $0xb8;
	[tilespmem:$0x1B800] =	vst v63  }
0x215: {  	s7 =	rddreg [dreg:$0xe];
	v3 =	vperm.xlane @!p0 v3, v5;
	s2 =	simm.s32 @!p0 $0x14000  }
0x216: {  	[tilespmem:s2], [sflag:$0x3] =	stream.indirect_vreg.gather @!p0 [hbm4b:s7+s0], $0x80, v4, vm1, $0xb8;
	[tilespmem:$0x1B800] =	vst v63  }
0x217: {  	s8 =	rddreg [dreg:$0xf];
	v3 =	vadd.s32 @!p0 v6, v3;
	s2 =	simm.s32 @!p0 $0x14800  }
0x218: {  	[tilespmem:s2], [sflag:$0x3] =	stream.indirect_vreg.gather @!p0 [hbm4b:s8+s0], $0x80, v4, vm1, $0xb8;
	[tilespmem:$0x1B800] =	vst v63  }
0x219: {  	s9 =	rddreg [dreg:$0x10];
	s2 =	simm.s32 @!p0 $0x15000  }
0x21a: {  	[tilespmem:s2], [sflag:$0x3] =	stream.indirect_vreg.gather @!p0 [hbm4b:s9+s0], $0x80, v4, vm1, $0xb8;
	[tilespmem:$0x1B800] =	vst v63  }
0x21b: {  	s2 =	simm.s32 @!p0 $0x15800  }
0x21c: {  	[tilespmem:s2], [sflag:$0x3] =	stream.indirect_vreg.gather @!p0 [hbm4b:s1+s0], $0x80, v3, vm1, $0xb8;
	[tilespmem:$0x1B800] =	vst v63  }
0x21d: {  	s2 =	simm.s32 @!p0 $0x16000  }
0x21e: {  	[tilespmem:s2], [sflag:$0x3] =	stream.indirect_vreg.gather @!p0 [hbm4b:s3+s0], $0x80, v3, vm1, $0xb8;
	[tilespmem:$0x1B800] =	vst v63  }
0x21f: {  	s2 =	simm.s32 @!p0 $0x16800  }
0x220: {  	[tilespmem:s2], [sflag:$0x3] =	stream.indirect_vreg.gather @!p0 [hbm4b:s4+s0], $0x80, v3, vm1, $0xb8;
	[tilespmem:$0x1B800] =	vst v63  }
0x221: {  	s2 =	simm.s32 @!p0 $0x17000  }
0x222: {  	[tilespmem:s2], [sflag:$0x3] =	stream.indirect_vreg.gather @!p0 [hbm4b:s5+s0], $0x80, v3, vm1, $0xb8;
	[tilespmem:$0x1B800] =	vst v63  }
0x223: {  	s2 =	simm.s32 @!p0 $0x17800  }
0x224: {  	[tilespmem:s2], [sflag:$0x3] =	stream.indirect_vreg.gather @!p0 [hbm4b:s6+s0], $0x80, v3, vm1, $0xb8;
	[tilespmem:$0x1B800] =	vst v63  }
0x225: {  	s2 =	simm.s32 @!p0 $0x18000  }
0x226: {  	[tilespmem:s2], [sflag:$0x3] =	stream.indirect_vreg.gather @!p0 [hbm4b:s7+s0], $0x80, v3, vm1, $0xb8;
	[tilespmem:$0x1B800] =	vst v63  }
0x227: {  	s2 =	simm.s32 @!p0 $0x18800  }
0x228: {  	[tilespmem:s2], [sflag:$0x3] =	stream.indirect_vreg.gather @!p0 [hbm4b:s8+s0], $0x80, v3, vm1, $0xb8;
	[tilespmem:$0x1B800] =	vst v63  }
0x229: {  	s2 =	simm.s32 @!p0 $0x19000  }
0x22a: {  	[tilespmem:s2], [sflag:$0x3] =	stream.indirect_vreg.gather @!p0 [hbm4b:s9+s0], $0x80, v3, vm1, $0xb8;
	[tilespmem:$0x1B800] =	vst v63  }
0x22b: {  	s0 =	sand.u32 $0x1, s25;
	p0 =	slt.u32 s25, $0x4  }
0x22c: {  	p1 =	sne.s32 @!p0 s0, $0x0  }
0x22d: {  	p0 =	por p1, p0  }
0x22e: {  	[dreg:$0x15] =	wrdreg s0;
	s0 =	simm.s32 @!p0 $0x4  }
0x22f: {  	_ =	swait.ge @!p0 [sflag:s0], $0x1000  }
0x230: {  	[sflag:s0] =	ssyncset.done @!p0 $0x0  }
0x231: {  	s7 =	sshll.u32 s25, $0x4;
	[sflag:s0] =	ssyncadd.s32 @!p0 $0xFFFFF000  }
0x232: {  	v3 =	vld [tilespmem:s7+$0x0];
	_ =	sdelay $0x1  }
0x233: {  	v4 =	vld [tilespmem:s7+$0x1000];
	_ =	sdelay $0x2  }
0x234: {  	(v2sf) =	vpush v3, $0x0;
	_ =	sdelay $0x1  }
0x235: {  	(v2sf) =	vpush v4, $0x0  }
0x236: {  	(v2sf) =	vpush v3, $0x1  }
0x237: {  	(v2sf) =	vpush v4, $0x1  }
0x238: {  	(v2sf) =	vpush v3, $0x2  }
0x239: {  	(v2sf) =	vpush v4, $0x2  }
0x23a: {  	(v2sf) =	vpush v3, $0x3  }
0x23b: {  	(v2sf) =	vpush v4, $0x3  }
0x23c: {  	(v2sf) =	vpush v3, $0x4  }
0x23d: {  	(v2sf) =	vpush v4, $0x4  }
0x23e: {  	(v2sf) =	vpush v3, $0x5  }
0x23f: {  	(v2sf) =	vpush v4, $0x5  }
0x240: {  	(v2sf) =	vpush v3, $0x6  }
0x241: {  	(v2sf) =	vpush v4, $0x6  }
0x242: {  	s8 =	spop (v2sf);
	(v2sf) =	vpush v3, $0x7;
	_ =	sdelay $0x1  }
0x243: {  	s9 =	spop (v2sf);
	(v2sf) =	vpush v4, $0x7  }
0x244: {  	s10 =	spop (v2sf);
	(v2sf) =	vpush v3, $0x8  }
0x245: {  	s11 =	spop (v2sf);
	(v2sf) =	vpush v4, $0x8  }
0x246: {  	s12 =	spop (v2sf);
	(v2sf) =	vpush v3, $0x9  }
0x247: {  	s0 =	sand.u32 $0x1, s8;
	s15 =	spop (v2sf)  }
0x248: {  	s29 =	sshrl.u32 s25, $0x1;
	s0 =	scvt.s32.f32 s0;
	s14 =	spop (v2sf)  }
0x249: {  	[dreg:$0x14] =	wrdreg s29;
	(v2sf) =	vpush v4, $0x9;
	s16 =	spop (v2sf)  }
0x24a: {  	s3 =	sand.u32 $0x1, s10;
	s0 =	smul.f32 s0, s9;
	s17 =	spop (v2sf)  }
0x24b: {  	s3 =	scvt.s32.f32 s3;
	s20 =	spop (v2sf)  }
0x24c: {  	s6 =	ssub.f32 s9, s0;
	s19 =	spop (v2sf)  }
0x24d: {  	s13 =	sand.u32 $0x1, s12;
	(v2sf) =	vpush v3, $0xA;
	s2 =	smul.f32 s3, s11;
	s21 =	spop (v2sf)  }
0x24e: {  	s3 =	scvt.s32.f32 s13;
	s18 =	sand.u32 $0x1, s14;
	s24 =	spop (v2sf)  }
0x24f: {  	(v2sf) =	vpush v4, $0xA;
	s5 =	scvt.s32.f32 s18;
	s26 =	spop (v2sf)  }
0x250: {  	s4 =	smul.f32 s3, s15;
	s17 =	sand.u32 $0x1, s17;
	s28 =	spop (v2sf);
	(v2sf) =	vpush v3, $0xB  }
0x251: {  	s22 =	scvt.s32.f32 s17;
	s5 =	smul.f32 s5, s16  }
0x252: {  	s18 =	ssub.f32 s15, s4;
	s30 =	spop (v2sf);
	(v2sf) =	vpush v4, $0xB  }
0x253: {  	s23 =	sand.u32 $0x1, s19;
	s3 =	smul.f32 s22, s20;
	s31 =	spop (v2sf);
	(v2sf) =	vpush v3, $0xC  }
0x254: {  	s15 =	scvt.s32.f32 s23;
	s22 =	spop (v2sf);
	(v2sf) =	vpush v4, $0xC  }
0x255: {  	s19 =	ssub.f32 s16, s5;
	s23 =	spop (v2sf);
	(v2sf) =	vpush v3, $0xD  }
0x256: {  	s1 =	sand.u32 $0x1, s24;
	s17 =	ssub.f32 s20, s3  }
0x257: {  	s15 =	smul.f32 s15, s21;
	s16 =	scvt.s32.f32 s1;
	s7 =	sand.u32 $0x1, s28  }
0x258: {  	s20 =	scvt.s32.f32 s7;
	s8 =	spop (v2sf);
	(v2sf) =	vpush v4, $0xD  }
0x259: {  	s14 =	ssub.f32 s11, s2;
	s7 =	smul.f32 s16, s26  }
0x25a: {  	s1 =	ssub.f32 s21, s15;
	s9 =	sand.u32 $0x1, s31;
	s16 =	smul.f32 s20, s30  }
0x25b: {  	s31 =	ssub.f32 s26, s7;
	s20 =	scvt.s32.f32 s9  }
0x25c: {  	s23 =	sand.u32 $0x1, s23;
	s28 =	spop (v2sf);
	s30 =	ssub.f32 s30, s16  }
0x25d: {  	(v2sf) =	vpush v3, $0xE;
	s20 =	smul.f32 s20, s22;
	s23 =	scvt.s32.f32 s23;
	s28 =	sand.u32 $0x1, s28  }
0x25e: {  	s10 =	spop (v2sf);
	s28 =	scvt.s32.f32 s28  }
0x25f: {  	(v2sf) =	vpush v4, $0xE;
	s23 =	smul.f32 s23, s8;
	s11 =	spop (v2sf)  }
0x260: {  	s22 =	ssub.f32 s22, s20;
	s9 =	smul.f32 s28, s10;
	(v2sf) =	vpush v3, $0xF;
	s26 =	sand.u32 $0x1, s11  }
0x261: {  	s12 =	spop (v2sf);
	s26 =	scvt.s32.f32 s26  }
0x262: {  	s24 =	ssub.f32 s8, s23;
	s28 =	spop (v2sf)  }
0x263: {  	s13 =	sand.u32 $0x1, s28;
	s11 =	spop (v2sf);
	s21 =	smul.f32 s26, s12  }
0x264: {  	s26 =	scvt.s32.f32 s13;
	s28 =	spop (v2sf)  }
0x265: {  	s28 =	sand.u32 $0x1, s28;
	s8 =	ssub.f32 s12, s21  }
0x266: {  	s12 =	smul.f32 s26, s11;
	s13 =	scvt.s32.f32 s28;
	s28 =	sshll.u32 s29, $0xC  }
0x267: {  	v6 =	vmov s2;
	(v2sf) =	vpush v4, $0xF;
	v4 =	vmov s0;
	s26 =	spop (v2sf);
	s29 =	rddreg [dreg:$0x15];
	s0 =	sand.u32 $0x1000, s28  }
0x268: {  	v5 =	vmov s14;
	v8 =	vmov s4;
	v10 =	vmov s5;
	s28 =	simm.s32 $0x0;
	s5 =	sshll.u32 s29, $0x7;
	s2 =	sadd.s32 $0x19800, s0  }
0x269: {  	v7 =	vmov s18;
	v9 =	vmov s19;
	v12 =	vmov s3;
	s0 =	sand.u32 $0x60, s28;
	s4 =	sand.u32 $0x3C00, s28;
	s28 =	smov.u32 s2  }
0x26a: {  	v11 =	vmov s17;
	v14 =	vmov s15;
	v13 =	vmov s1;
	s17 =	sor.u32 s5, s2;
	s5 =	sadd.s32 $0x1800, s4;
	s2 =	sor.u32 $0x10, s0  }
0x26b: {  	v16 =	vmov s7;
	v13 =	vpack.i.f32.bf16 v14, v13;
	v15 =	vmov s31;
	s3 =	sadd.s32 $0x5800, s4;
	[dreg:$0x5] =	wrdreg s17;
	s14 =	sor.u32 s2, s5  }
0x26c: {  	v18 =	vmov s16;
	v19 =	vmov s22;
	s10 =	ssub.f32 s10, s9;
	v3 =	vmov s6;
	s6 =	spop (v2sf);
	s22 =	sor.u32 s2, s3;
	v20 =	vld [tilespmem:s14+$0x0]  }
0x26d: {  	v15 =	vpack.i.f32.bf16 v16, v15;
	v17 =	vmov s30;
	v21 =	vmov s20;
	s6 =	sand.u32 $0x1, s6;
	s1 =	smul.f32 s13, s26;
	s15 =	sadd.s32 $0x5880, s4;
	v24 =	vld [tilespmem:s22+$0x0]  }
0x26e: {  	v17 =	vpack.i.f32.bf16 v18, v17;
	v23 =	vmov s23;
	v22 =	vmov s24;
	s18 =	spop (v2sf);
	s19 =	scvt.s32.f32 s6;
	s17 =	sor.u32 s2, s15;
	v28 =	vld [tilespmem:s14+$0x80]  }
0x26f: {  	v26 =	vmov s9;
	v25 =	vmov s10;
	v3 =	vpack.i.f32.bf16 v4, v3;
	s20 =	sadd.s32 $0x5900, s4;
	s16 =	ssub.f32 s26, s1;
	v32 =	vld [tilespmem:s17+$0x0];
	s24 =	spop (v2sf)  }
0x270: {  	v4 =	vpack.i.f32.bf16 v6, v5;
	v5 =	vpack.i.f32.bf16 v8, v7;
	v6 =	vpack.i.f32.bf16 v10, v9;
	s7 =	smul.f32 s19, s18;
	v34 =	vld [tilespmem:s14+$0x100];
	s17 =	sor.u32 s2, s20;
	s19 =	sand.u32 $0x1, s24  }
0x271: {  	v7 =	vpack.i.f32.bf16 v12, v11;
	v8 =	vpack.i.f32.bf16 v21, v19;
	v33 =	vmov s16;
	v36 =	vld [tilespmem:s17+$0x0];
	s16 =	scvt.s32.f32 s19;
	s19 =	sadd.s32 $0x5980, s4  }
0x272: {  	v9 =	vpack.i.f32.bf16 v23, v22;
	v10 =	vpack.i.f32.bf16 v26, v25;
	v29 =	vmov s21;
	v12 =	vld [tilespmem:s14+$0x180];
	s22 =	sor.u32 s2, s19  }
0x273: {  	s11 =	ssub.f32 s11, s12;
	v27 =	vmov s8;
	s23 =	sadd.s32 $0x5A00, s4;
	v11 =	vmul.bf16 v20, v3;
	v20 =	vmul.bf16 v28, v4;
	v21 =	vld [tilespmem:s22+$0x0]  }
0x274: {  	v31 =	vmov s12;
	v23 =	vmul.bf16 v24, v8;
	v24 =	vmul.bf16 v32, v9;
	v28 =	vld [tilespmem:s14+$0x200];
	s24 =	sor.u32 s2, s23  }
0x275: {  	v30 =	vmov s11;
	s26 =	sadd.s32 $0x5A80, s4;
	v26 =	vmul.bf16 v34, v5;
	v25 =	vld [tilespmem:s24+$0x0];
	v20 =	vadd.bf16 v20, v11  }
0x276: {  	v35 =	vmov s1;
	v60 =	vld [tilespmem:s14+$0x280];
	s9 =	sor.u32 s2, s26;
	v23 =	vadd.bf16 v24, v23;
	v24 =	vmul.bf16 v36, v10  }
0x277: {  	s10 =	sadd.s32 $0x5B00, s4;
	v11 =	vpack.i.f32.bf16 v29, v27;
	v27 =	vld [tilespmem:s9+$0x0];
	v20 =	vadd.bf16 v26, v20;
	v26 =	vmul.bf16 v12, v6  }
0x278: {  	s11 =	sor.u32 s2, s10;
	s13 =	ssub.f32 s18, s7;
	v22 =	vmov s7;
	v23 =	vadd.bf16 v24, v23;
	v24 =	vld [tilespmem:s14+$0x300];
	v21 =	vmul.bf16 v21, v11  }
0x279: {  	s12 =	sadd.s32 $0x5B80, s4;
	s18 =	spop (v2sf);
	v12 =	vpack.i.f32.bf16 v31, v30;
	v28 =	vmul.bf16 v28, v7;
	v20 =	vadd.bf16 v26, v20;
	v26 =	vld [tilespmem:s11+$0x0]  }
0x27a: {  	v19 =	vmov s13;
	s13 =	sor.u32 s2, s12;
	s21 =	smul.f32 s16, s18;
	v21 =	vadd.bf16 v21, v23;
	v23 =	vmul.bf16 v25, v12;
	v25 =	vld [tilespmem:s14+$0x380]  }
0x27b: {  	s30 =	sor.u32 s0, s5;
	v14 =	vpack.i.f32.bf16 v35, v33;
	v30 =	vld [tilespmem:s13+$0x0];
	v20 =	vadd.bf16 v28, v20;
	v28 =	vmul.bf16 v60, v13  }
0x27c: {  	s3 =	sor.u32 s0, s3;
	v16 =	vpack.i.f32.bf16 v22, v19;
	v19 =	vld [tilespmem:s30+$0x0];
	s1 =	ssub.f32 s18, s21;
	v21 =	vadd.bf16 v23, v21;
	v23 =	vmul.bf16 v27, v14  }
0x27d: {  	v31 =	vld [tilespmem:s3+$0x0];
	v29 =	vmov s21;
	v22 =	vmul.bf16 v24, v15;
	v20 =	vadd.bf16 v28, v20  }
0x27e: {  	v59 =	vmov s1;
	v24 =	vld [tilespmem:s30+$0x80];
	v21 =	vadd.bf16 v23, v21;
	v23 =	vmul.bf16 v26, v16  }
0x27f: {  	v18 =	vpack.i.f32.bf16 v29, v59;
	v29 =	vld [tilespmem:s30+$0x180];
	s14 =	sor.u32 s0, s15;
	v20 =	vadd.bf16 v22, v20;
	v22 =	vmul.bf16 v25, v17  }
0x280: {  	v26 =	vld [tilespmem:s14+$0x0];
	v21 =	vadd.bf16 v23, v21;
	v23 =	vmul.bf16 v30, v18  }
0x281: {  	s20 =	sor.u32 s0, s20;
	v27 =	vld [tilespmem:s30+$0x100];
	v22 =	vadd.bf16 v22, v20  }
0x282: {  	s21 =	sor.u32 s0, s19;
	v28 =	vmul.bf16 v19, v3;
	v25 =	vld [tilespmem:s20+$0x0];
	v19 =	vadd.bf16 v23, v21  }
0x283: {  	s22 =	sor.u32 s0, s23;
	v24 =	vmul.bf16 v24, v4;
	v30 =	vld [tilespmem:s21+$0x0];
	v23 =	vmul.bf16 v31, v8;
	v21 =	vunpack.i.u.bf16.f32 v22  }
0x284: {  	v20 =	vld [tilespmem:s22+$0x0];
	v22 =	vunpack.i.l.bf16.f32 v22;
	v31 =	vunpack.i.u.bf16.f32 v19;
	v61 =	vunpack.i.l.bf16.f32 v19  }
0x285: {  	s24 =	sor.u32 s0, s26;
	s4 =	sshrl.u32 s4, $0x2;
	s23 =	rddreg [dreg:$0x5];
	v26 =	vmul.bf16 v26, v9;
	v62 =	vadd.f32 v22, v21;
	v21 =	vld [tilespmem:s30+$0x200];
	v31 =	vadd.f32 v61, v31  }
0x286: {  	s31 =	simm.s32 $0x0;
	s3 =	sadd.s32 s4, s23;
	v28 =	vadd.bf16 v24, v28;
	v63 =	vmul.bf16 v27, v5;
	v19 =	vld [tilespmem:s24+$0x0]  }
0x287: {  	s16 =	sor.u32 s0, s10;
	s26 =	sadd.s32 s2, s3;
	s17 =	sadd.s32 s0, s3;
	v24 =	vmul.bf16 v25, v10;
	v22 =	vld [tilespmem:s30+$0x280];
	v27 =	vadd.bf16 v26, v23;
	v31 =	vpack.i.f32.bf16 v31, v62  }
0x288: {  	s2 =	simm.s32 $0x100;
	s14 =	sor.u32 s0, s12;
	s0 =	simm.s32 $0x20;
	v28 =	vadd.bf16 v63, v28;
	v25 =	vmul.bf16 v29, v6;
	v26 =	vmul.bf16 v30, v11;
	v23 =	vld [tilespmem:s30+$0x300];
	[tilespmem:s26+$0x0] =	vst v31  }
.LBB2_7:
0x289: {  	s4 =	sand.u32 $0x60, s0;
	s6 =	sand.u32 $0x3C00, s2;
	v24 =	vadd.bf16 v24, v27;
	v27 =	vld [tilespmem:s16+$0x0]  }
0x28a: {  	s1 =	sadd.s32 $0x1800, s6;
	s5 =	sor.u32 $0x10, s4;
	v25 =	vadd.bf16 v25, v28;
	v28 =	vld [tilespmem:s30+$0x380];
	v21 =	vmul.bf16 v21, v7  }
0x28b: {  	s3 =	sadd.s32 $0x5800, s6;
	s20 =	sor.u32 s5, s1;
	v24 =	vadd.bf16 v26, v24;
	v26 =	vld [tilespmem:s14+$0x0];
	v20 =	vmul.bf16 v20, v12  }
0x28c: {  	s18 =	sor.u32 s5, s3;
	v29 =	vld [tilespmem:s20+$0x0];
	v22 =	vmul.bf16 v22, v13;
	v21 =	vadd.bf16 v21, v25  }
0x28d: {  	s21 =	sadd.s32 $0x5880, s6;
	v19 =	vmul.bf16 v19, v14;
	v25 =	vld [tilespmem:s18+$0x0];
	v20 =	vadd.bf16 v20, v24  }
0x28e: {  	s22 =	sor.u32 s5, s21;
	v23 =	vmul.bf16 v23, v15;
	v24 =	vld [tilespmem:s20+$0x80];
	v21 =	vadd.bf16 v22, v21  }
0x28f: {  	s7 =	sadd.s32 $0x5900, s6;
	v22 =	vmul.bf16 v27, v16;
	v27 =	vld [tilespmem:s22+$0x0];
	v19 =	vadd.bf16 v19, v20  }
0x290: {  	s23 =	sor.u32 s5, s7;
	v20 =	vmul.bf16 v28, v17;
	v28 =	vld [tilespmem:s20+$0x100];
	v21 =	vadd.bf16 v23, v21  }
0x291: {  	s26 =	sadd.s32 $0x5980, s6;
	v23 =	vmul.bf16 v26, v18;
	v26 =	vld [tilespmem:s23+$0x0];
	v19 =	vadd.bf16 v22, v19  }
0x292: {  	s8 =	sor.u32 s5, s26;
	v22 =	vld [tilespmem:s20+$0x180];
	v20 =	vadd.bf16 v20, v21  }
0x293: {  	s9 =	sadd.s32 $0x5A00, s6;
	v24 =	vmul.bf16 v24, v4;
	v21 =	vmul.bf16 v29, v3;
	v29 =	vld [tilespmem:s8+$0x0];
	v19 =	vadd.bf16 v23, v19  }
0x294: {  	s10 =	sor.u32 s5, s9;
	v23 =	vmul.bf16 v25, v8;
	v25 =	vmul.bf16 v27, v9;
	v27 =	vld [tilespmem:s20+$0x200];
	v30 =	vunpack.i.u.bf16.f32 v20  }
0x295: {  	s11 =	sadd.s32 $0x5A80, s6;
	v21 =	vadd.bf16 v24, v21;
	v24 =	vmul.bf16 v28, v5;
	v28 =	vld [tilespmem:s10+$0x0];
	v20 =	vunpack.i.l.bf16.f32 v20  }
0x296: {  	s12 =	sor.u32 s5, s11;
	v31 =	vunpack.i.u.bf16.f32 v19;
	v23 =	vadd.bf16 v25, v23;
	v25 =	vmul.bf16 v26, v10;
	v26 =	vld [tilespmem:s20+$0x280]  }
0x297: {  	s13 =	sadd.s32 $0x5B00, s6;
	v19 =	vunpack.i.l.bf16.f32 v19;
	v22 =	vmul.bf16 v22, v6;
	v21 =	vadd.bf16 v24, v21;
	v24 =	vld [tilespmem:s12+$0x0]  }
0x298: {  	s14 =	sor.u32 s5, s13;
	v20 =	vadd.f32 v20, v30;
	v23 =	vadd.bf16 v25, v23;
	v25 =	vmul.bf16 v29, v11;
	v29 =	vld [tilespmem:s20+$0x300]  }
0x299: {  	s22 =	sadd.s32 $0x5B80, s6;
	v19 =	vadd.f32 v19, v31;
	v21 =	vadd.bf16 v22, v21;
	v22 =	vmul.bf16 v27, v7;
	v27 =	vld [tilespmem:s14+$0x0]  }
0x29a: {  	s23 =	sor.u32 s5, s22;
	v23 =	vadd.bf16 v25, v23;
	v25 =	vmul.bf16 v28, v12;
	v28 =	vld [tilespmem:s20+$0x380]  }
0x29b: {  	s30 =	sor.u32 s4, s1;
	v19 =	vpack.i.f32.bf16 v19, v20;
	v21 =	vadd.bf16 v22, v21;
	v22 =	vmul.bf16 v26, v13;
	v26 =	vld [tilespmem:s23+$0x0]  }
0x29c: {  	s19 =	sor.u32 s4, s3;
	v20 =	vld [tilespmem:s30+$0x0];
	[tilespmem:s17+$0x0] =	vst v19;
	v23 =	vadd.bf16 v25, v23;
	v24 =	vmul.bf16 v24, v14  }
0x29d: {  	v19 =	vld [tilespmem:s19+$0x0];
	v21 =	vadd.bf16 v22, v21;
	v22 =	vmul.bf16 v29, v15  }
0x29e: {  	v25 =	vld [tilespmem:s30+$0x80];
	v23 =	vadd.bf16 v24, v23;
	v24 =	vmul.bf16 v27, v16  }
0x29f: {  	s24 =	sor.u32 s4, s21;
	v30 =	vld [tilespmem:s30+$0x180];
	v21 =	vadd.bf16 v22, v21;
	v22 =	vmul.bf16 v28, v17  }
0x2a0: {  	v27 =	vld [tilespmem:s24+$0x0];
	v23 =	vadd.bf16 v24, v23;
	v24 =	vmul.bf16 v26, v18  }
0x2a1: {  	s3 =	sor.u32 s4, s7;
	v28 =	vld [tilespmem:s30+$0x100];
	v26 =	vmul.bf16 v20, v3;
	v20 =	vadd.bf16 v22, v21  }
0x2a2: {  	s31 =	sadd.s32 $0x2, s31;
	s21 =	sor.u32 s4, s26;
	v29 =	vld [tilespmem:s3+$0x0];
	v22 =	vadd.bf16 v24, v23  }
0x2a3: {  	p0 =	slt.u32 s31, $0x7E;
	v31 =	vld [tilespmem:s21+$0x0];
	v19 =	vmul.bf16 v19, v8;
	v23 =	vmul.bf16 v25, v4;
	v24 =	vunpack.i.u.bf16.f32 v20  }
.Ltmp13:
0x2a4: {  	s15 =	sor.u32 s4, s9;
	v21 =	vld [tilespmem:s30+$0x200];
	v25 =	vunpack.i.l.bf16.f32 v20;
	v32 =	vunpack.i.u.bf16.f32 v22;
	v22 =	vunpack.i.l.bf16.f32 v22;
	(pc) =	sbr.rel @p0 .LBB2_7-.Ltmp13, $4  }
0x2a5: {  	s26 =	sshrl.u32 s6, $0x2;
	s24 =	rddreg [dreg:$0x5];
	v27 =	vmul.bf16 v27, v9;
	v20 =	vld [tilespmem:s15+$0x0];
	v33 =	vadd.f32 v25, v24;
	v32 =	vadd.f32 v22, v32  }
0x2a6: {  	s18 =	sor.u32 s4, s11;
	s1 =	sadd.s32 s26, s24;
	v23 =	vadd.bf16 v23, v26;
	v26 =	vmul.bf16 v28, v5;
	v22 =	vld [tilespmem:s30+$0x280]  }
0x2a7: {  	s0 =	sadd.s32 $0x20, s0;
	s17 =	sadd.s32 s4, s1;
	s1 =	sadd.s32 s5, s1;
	v24 =	vmul.bf16 v29, v10;
	v27 =	vadd.bf16 v27, v19;
	v19 =	vld [tilespmem:s18+$0x0];
	v29 =	vpack.i.f32.bf16 v32, v33  }
0x2a8: {  	s2 =	sadd.s32 $0x100, s2;
	s16 =	sor.u32 s4, s13;
	s14 =	sor.u32 s4, s22;
	v25 =	vmul.bf16 v30, v6;
	v28 =	vadd.bf16 v26, v23;
	v26 =	vmul.bf16 v31, v11;
	v23 =	vld [tilespmem:s30+$0x300];
	[tilespmem:s1+$0x0] =	vst v29  }
0x2a9: {  	v3 =	vadd.bf16 v24, v27  }
0x2aa: {  	v4 =	vmul.bf16 v21, v7;
	v5 =	vld [tilespmem:s16+$0x0];
	v6 =	vadd.bf16 v25, v28  }
0x2ab: {  	v8 =	vld [tilespmem:s30+$0x380];
	v57 =	vmul.bf16 v20, v12;
	v3 =	vadd.bf16 v26, v3  }
0x2ac: {  	v10 =	vld [tilespmem:s14+$0x0];
	v9 =	vmul.bf16 v22, v13;
	v4 =	vadd.bf16 v4, v6  }
0x2ad: {  	v58 =	vmul.bf16 v19, v14;
	v3 =	vadd.bf16 v57, v3  }
0x2ae: {  	v59 =	vmul.bf16 v23, v15;
	v4 =	vadd.bf16 v9, v4  }
0x2af: {  	v5 =	vmul.bf16 v5, v16;
	v3 =	vadd.bf16 v58, v3  }
0x2b0: {  	v60 =	vmul.bf16 v8, v17;
	v4 =	vadd.bf16 v59, v4  }
0x2b1: {  	v61 =	vmul.bf16 v10, v18;
	v3 =	vadd.bf16 v5, v3  }
0x2b2: {  	v4 =	vadd.bf16 v60, v4  }
0x2b3: {  	v3 =	vadd.bf16 v61, v3  }
0x2b4: {  	p0 =	seq.s32 s29, $0x0;
	v62 =	vunpack.i.u.bf16.f32 v4  }
.Ltmp14:
0x2b5: {  	v4 =	vunpack.i.l.bf16.f32 v4;
	v63 =	vunpack.i.u.bf16.f32 v3;
	v3 =	vunpack.i.l.bf16.f32 v3;
	(pc) =	sbr.rel @p0 .LBB2_16-.Ltmp14, $4  }
.Ltmp15:
0x2b6: {  	v4 =	vadd.f32 v4, v62;
	v3 =	vadd.f32 v3, v63;
	(pc) =	sbr.rel @!p0 .LBB2_15-.Ltmp15, $4  }
0x2b7: {  	_ = 	snop  }
0x2b8: {  	v3 =	vpack.i.f32.bf16 v3, v4  }
0x2b9: {  	s12 =	smov.u32 s28;
	[tilespmem:s17+$0x0] =	vst v3  }
0x2ba: {  	_ = 	snop  }
.LBB2_18:
0x2bb: {  	_ =	sfence.sel $0x180000  }
0x2bc: {  	[bflag:$0x0] =	sbarrier.arrive $0xFFFF  }
0x2bd: {  	_ =	strace $0x90000047  }
0x2be: {  	s0 =	stileid.u32;
	[bflag:$0x2] =	sbarrier.arrive $0xFFFF  }
0x2bf: {  	p0 =	sne.s32 s0, $0x0;
	s0 =	rddreg [dreg:$0x4]  }
0x2c0: {  	s0 =	sadd.s32 @!p0 $0x100000, s0  }
0x2c1: {  	[sflag:s0] =	ssyncadd.tile.s32 @!p0 $0x1;
	_ =	shalt  }
.Lfunc_end2:
_tile_overlayer_lowered:
.L_overlay_start_2:
0x2c2: {  	(tag) =	ssettag $0x2  }
0x2c3: {  	s0 =	rddreg [dreg:$0x0];
	s2 =	stileid.u32  }
0x2c4: {  	s1 =	rddreg [dreg:$0x1];
	p0 =	sne.s32 s2, $0x0  }
0x2c5: {  	s3 =	rddreg [dreg:$0x2];
	[bflag:$0x3] =	sbarrier.arrive $0xFFFF;
	s2 =	simm.s32 @!p0 $0x1C05  }
0x2c6: {  	[timem:s3], [sflag:s2] =	dma.local @!p0 [hbm:s0], s1  }
0x2c7: {  	s0 =	simm.s32 @!p0 $0x5  }
0x2c8: {  	_ =	swait.ge @!p0 [sflag:s0], s1  }
0x2c9: {  	s1 =	ssub.s32 @!p0 $0x0, s1;
	[sflag:s0] =	ssyncset.done @!p0 $0x0  }
0x2ca: {  	[sflag:s0] =	ssyncadd.s32 @!p0 s1  }
0x2cb: {  	[bflag:$0x3] =	sbarrier.arrive $0xFFFF  }
0x2cc: {  	_ =	shalt  }

</sc_bundles>
